<compile_context>
chip_gen: v7x
topology: tpu7x:2x2x1
jax: 0.10.2.dev20260603
libtpu: 0.0.44.dev20260713+nightly
codegen_flags: <defaults>
</compile_context>

<pallas_src>
import jax
import jax.numpy as jnp
from jax import lax
from jax.experimental import pallas as pl
from jax.experimental.pallas import tpu as pltpu
from jax.experimental.pallas import tpu_sc as plsc

B = 4096
S = 200
V = 1000
VP = 1024
QTR = VP // 4
E = 128
OUT = 128

NC, NS, L = 2, 16, 16
NW = NC * NS
ROWS_PER_W = B // NW
SUB = 32
N_SUB = ROWS_PER_W // SUB
N_FULL = S // L
REM = S - N_FULL * L


def _sc_hist_body(x_hbm, h_hbm, x_v, h0_v, h1_v, sem_x, sem_h0, sem_h1):
    wid = lax.axis_index("s") * NC + lax.axis_index("c")
    row0 = wid * ROWS_PER_W
    cp_x = pltpu.async_copy(x_hbm.at[pl.ds(row0, ROWS_PER_W)], x_v, sem_x)
    zeros16 = jnp.zeros((L,), jnp.int32)
    rem_mask = lax.iota(jnp.int32, L) >= (L - REM)
    hbufs = (h0_v, h1_v)
    hsems = (sem_h0, sem_h1)

    def zero(buf):
        def zero_body(r, _):
            for k in range(QTR // L):
                buf[r, pl.ds(k * L, L)] = zeros16
            return 0
        lax.fori_loop(0, SUB, zero_body, 0)

    def load_idx(row):
        idxs = [x_v[row, pl.ds(c * L, L)] for c in range(N_FULL)]
        idxs.append(x_v[row, pl.ds(S - L, L)])
        return idxs

    zero(h0_v)
    cp_x.wait()

    out_cps = [None, None]
    for s in range(N_SUB):
        buf, sem = hbufs[s % 2], hsems[s % 2]
        if s >= 2:
            out_cps[s % 2].wait()
            zero(buf)

        def row_body(r2, _):
            for half in range(2):
                r = r2 * 2 + half
                rvec = jnp.full((L,), r, jnp.int32)
                idxs = load_idx(s * SUB + r)
                words = [idx & (QTR - 1) for idx in idxs]
                vals = [
                    lax.shift_left(
                        jnp.full((L,), 1, jnp.int32),
                        lax.shift_left(lax.shift_right_logical(idx, 8), 3),
                    )
                    for idx in idxs
                ]
                for c in range(N_FULL):
                    plsc.addupdate_scatter(buf, [rvec, words[c]], vals[c])
                plsc.addupdate_scatter(buf, [rvec, words[N_FULL]],
                                       vals[N_FULL], mask=rem_mask)
            return 0
        lax.fori_loop(0, SUB // 2, row_body, 0)

        out_cps[s % 2] = pltpu.async_copy(
            buf, h_hbm.at[pl.ds(row0 + s * SUB, SUB)], sem
        )
        if s == 0:
            zero(h1_v)
    out_cps[0].wait()
    out_cps[1].wait()


def _sc_hist(x):
    mesh = plsc.VectorSubcoreMesh(
        core_axis_name="c", subcore_axis_name="s", num_cores=NC, num_subcores=NS
    )
    f = pl.kernel(
        _sc_hist_body,
        out_type=jax.ShapeDtypeStruct((B, QTR), jnp.int32),
        mesh=mesh,
        scratch_types=[
            pltpu.VMEM((ROWS_PER_W, S), jnp.int32),
            pltpu.VMEM((SUB, QTR), jnp.int32),
            pltpu.VMEM((SUB, QTR), jnp.int32),
            pltpu.SemaphoreType.DMA,
            pltpu.SemaphoreType.DMA,
            pltpu.SemaphoreType.DMA,
        ],
        compiler_params=pltpu.CompilerParams(needs_layout_passes=False),
        name="sc_row_histogram",
    )
    return f(x)


def _tc_fold_body(tbl_ref, w_ref, m_ref):
    m = lax.dot_general(
        tbl_ref[...], w_ref[...], (((1,), (1,)), ((), ())),
        preferred_element_type=jnp.float32,
    )
    m_ref[...] = (m * (1.0 / S)).astype(jnp.bfloat16)


def _tc_fold(tbl_p, W):
    return pl.pallas_call(
        _tc_fold_body,
        out_shape=jax.ShapeDtypeStruct((VP, E), jnp.bfloat16),
    )(tbl_p, W)


def _tc_mm_body(h_ref, m_ref, b_ref, out_ref):
    h32 = h_ref[...]
    acc = b_ref[...] + jnp.zeros(out_ref.shape, jnp.float32)
    for q in range(4):
        byte = lax.shift_right_logical(h32, 8 * q) & 0xFF
        cnt = byte.astype(jnp.float32).astype(jnp.bfloat16)
        acc += lax.dot_general(
            cnt, m_ref[q * QTR:(q + 1) * QTR, :], (((1,), (0,)), ((), ())),
            preferred_element_type=jnp.float32,
        )
    out_ref[...] = acc


def _tc_mm(H, M, b2):
    BB = 2048
    return pl.pallas_call(
        _tc_mm_body,
        grid=(B // BB,),
        in_specs=[
            pl.BlockSpec((BB, QTR), lambda i: (i, 0)),
            pl.BlockSpec((VP, E), lambda i: (0, 0)),
            pl.BlockSpec((1, OUT), lambda i: (0, 0)),
        ],
        out_specs=pl.BlockSpec((BB, OUT), lambda i: (i, 0)),
        out_shape=jax.ShapeDtypeStruct((B, OUT), jnp.float32),
    )(H, M, b2)


def kernel(x, table, W, b):
    H = _sc_hist(x)
    tbl_p = (
        jnp.zeros((VP, E), jnp.float32).at[:V].set(table).at[0].set(0.0)
    )
    M = _tc_fold(tbl_p, W)
    return _tc_mm(H, M, b.reshape(1, OUT))

# --- scband reference (transcript-rebuilt; emitter-appended) ---
"""Pipeline reference for scband-char-text-embedding-18597208391989 (READ-ONLY COPY).

The authoritative reference and input builder live on the scoring server;
editing this copy changes nothing except your own understanding.
"""

import jax, jax.numpy as jnp
import numpy as np

VOCAB = 1000
EMBED_DIM = 128
OUTPUT_DIM = 128
BATCH = 4096
SEQ = 200


def setup_inputs(seed: int = 0) -> dict:
    key = jax.random.key(seed)
    k_x, k_tab, k_w, k_b = jax.random.split(key, 4)
    x = jax.random.randint(k_x, (BATCH, SEQ), 0, VOCAB, dtype=jnp.int64 if jax.config.jax_enable_x64 else jnp.int32).astype(jnp.int32)
    table = jax.random.normal(k_tab, (VOCAB, EMBED_DIM), dtype=jnp.float32)
    # padding_idx=0: row 0 is zero in torch nn.Embedding
    table = table.at[0].set(0.0)
    W = jax.random.normal(k_w, (OUTPUT_DIM, EMBED_DIM), dtype=jnp.float32) * (1.0 / np.sqrt(EMBED_DIM))
    b = jax.random.normal(k_b, (OUTPUT_DIM,), dtype=jnp.float32) * 0.01
    return {"x": x, "table": table, "W": W, "b": b}


def reference(x, table, W, b):
    # enforce padding_idx=0 semantics (row 0 contributes zeros)
    table_masked = table.at[0].set(0.0)
    embedded = jnp.take(table_masked, x, axis=0)        # [B, S, E] gather
    pooled = jnp.mean(embedded, axis=1)                  # [B, E]
    out = pooled @ W.T + b                               # [B, OUT]
    return out

if __name__ == "__main__":
    import jax
    _d = setup_inputs()
    print(jax.jit(kernel)(*tuple(_d.values())))

</pallas_src>

<mosaic_0001>
#map = affine_map<(d0, d1) -> (0, 0)>
module attributes {stable_mosaic.version = 14 : i64} {
  func.func @sc_row_histogram(%arg0: i32, %arg1: i32, %arg2: memref<4096x200xi32, #tpu.memory_space<hbm>>, %arg3: memref<4096x256xi32, #tpu.memory_space<hbm>>, %arg4: memref<128x200xi32, #tpu.memory_space<vmem>>, %arg5: memref<32x256xi32, #tpu.memory_space<vmem>>, %arg6: memref<32x256xi32, #tpu.memory_space<vmem>>, %arg7: memref<!tpu.dma_semaphore, #tpu.memory_space<semaphore_mem>>, %arg8: memref<!tpu.dma_semaphore, #tpu.memory_space<semaphore_mem>>, %arg9: memref<!tpu.dma_semaphore, #tpu.memory_space<semaphore_mem>>) attributes {dimension_semantics = [#tpu.dimension_semantics<core_parallel>, #tpu.dimension_semantics<subcore_parallel>], iteration_bounds = array<i64: 2, 16>, scalar_prefetch = 0 : i64, scratch_operands = 6 : i64, tpu.core_type = #tpu.core_type<sc_vector_subcore>, window_params = [{transform_indices = #map}, {transform_indices = #map}]} {
    %mul3A = arith.constant 2 : i32
    %mul3A_0 = arith.muli %arg1, %mul3A : i32
    %add3A = arith.addi %mul3A_0, %arg0 : i32
    %mul3A_1 = arith.constant 128 : i32
    %mul3A_2 = arith.muli %add3A, %mul3A_1 : i32
    %dma_start3A = arith.constant 0 : i32
    %dma_start3A_3 = tpu.memref_slice %arg2[%mul3A_2, %dma_start3A] : memref<4096x200xi32, #tpu.memory_space<hbm>> -> memref<128x200xi32, #tpu.memory_space<hbm>>
    %dma_start3A_4 = arith.constant 0 : i32
    %dma_start3A_5 = tpu.memref_slice %arg2[%mul3A_2, %dma_start3A_4] : memref<4096x200xi32, #tpu.memory_space<hbm>> -> memref<128x200xi32, #tpu.memory_space<hbm>>
    tpu.enqueue_dma source(%dma_start3A_5 : memref<128x200xi32, #tpu.memory_space<hbm>>) target(%arg4 : memref<128x200xi32, #tpu.memory_space<vmem>>) target_semaphore(%arg7 : memref<!tpu.dma_semaphore, #tpu.memory_space<semaphore_mem>>)
    %broadcast_in_dim3A = arith.constant 0 : i32
    %broadcast_in_dim3A_6 = vector.broadcast %broadcast_in_dim3A : i32 to vector<16xi32>
    %iota3A = tpu.iota {dimensions = array<i32: 0>} : vector<16xi32>
    %ge3A = arith.constant 8 : i32
    %ge3A_7 = vector.broadcast %ge3A : i32 to vector<16xi32>
    %ge3A_8 = arith.cmpi sge, %iota3A, %ge3A_7 : vector<16xi32>
    %scan3A = arith.constant 0 : i32
    %scan3A_9 = arith.constant 0 : i32
    %scan3A_10 = arith.constant 32 : i32
    %scan3A_11 = arith.addi %scan3A_9, %scan3A_10 : i32
    %scan3A_12 = arith.constant 1 : i32
    %scan3A_13 = scf.for %scan3A_107 = %scan3A_9 to %scan3A_11 step %scan3A_12 iter_args(%scan3A_108 = %scan3A) -> (i32)  : i32 {
      %swap3A = arith.index_cast %scan3A_107 : i32 to index
      %swap3A_109 = arith.constant 0 : index
      %swap3A_110 = tpu.vector_load %arg5[%swap3A, %swap3A_109] {strides = array<i32>} : memref<32x256xi32, #tpu.memory_space<vmem>>, vector<16xi32>,
      tpu.vector_store %arg5[%swap3A, %swap3A_109], %broadcast_in_dim3A_6 {strides = array<i32>} : memref<32x256xi32, #tpu.memory_space<vmem>>, vector<16xi32>,
      %swap3A_111 = arith.index_cast %scan3A_107 : i32 to index
      %swap3A_112 = arith.constant 16 : index
      %swap3A_113 = tpu.vector_load %arg5[%swap3A_111, %swap3A_112] {strides = array<i32>} : memref<32x256xi32, #tpu.memory_space<vmem>>, vector<16xi32>,
      tpu.vector_store %arg5[%swap3A_111, %swap3A_112], %broadcast_in_dim3A_6 {strides = array<i32>} : memref<32x256xi32, #tpu.memory_space<vmem>>, vector<16xi32>,
      %swap3A_114 = arith.index_cast %scan3A_107 : i32 to index
      %swap3A_115 = arith.constant 32 : index
      %swap3A_116 = tpu.vector_load %arg5[%swap3A_114, %swap3A_115] {strides = array<i32>} : memref<32x256xi32, #tpu.memory_space<vmem>>, vector<16xi32>,
      tpu.vector_store %arg5[%swap3A_114, %swap3A_115], %broadcast_in_dim3A_6 {strides = array<i32>} : memref<32x256xi32, #tpu.memory_space<vmem>>, vector<16xi32>,
      %swap3A_117 = arith.index_cast %scan3A_107 : i32 to index
      %swap3A_118 = arith.constant 48 : index
      %swap3A_119 = tpu.vector_load %arg5[%swap3A_117, %swap3A_118] {strides = array<i32>} : memref<32x256xi32, #tpu.memory_space<vmem>>, vector<16xi32>,
      tpu.vector_store %arg5[%swap3A_117, %swap3A_118], %broadcast_in_dim3A_6 {strides = array<i32>} : memref<32x256xi32, #tpu.memory_space<vmem>>, vector<16xi32>,
      %swap3A_120 = arith.index_cast %scan3A_107 : i32 to index
      %swap3A_121 = arith.constant 64 : index
      %swap3A_122 = tpu.vector_load %arg5[%swap3A_120, %swap3A_121] {strides = array<i32>} : memref<32x256xi32, #tpu.memory_space<vmem>>, vector<16xi32>,
      tpu.vector_store %arg5[%swap3A_120, %swap3A_121], %broadcast_in_dim3A_6 {strides = array<i32>} : memref<32x256xi32, #tpu.memory_space<vmem>>, vector<16xi32>,
      %swap3A_123 = arith.index_cast %scan3A_107 : i32 to index
      %swap3A_124 = arith.constant 80 : index
      %swap3A_125 = tpu.vector_load %arg5[%swap3A_123, %swap3A_124] {strides = array<i32>} : memref<32x256xi32, #tpu.memory_space<vmem>>, vector<16xi32>,
      tpu.vector_store %arg5[%swap3A_123, %swap3A_124], %broadcast_in_dim3A_6 {strides = array<i32>} : memref<32x256xi32, #tpu.memory_space<vmem>>, vector<16xi32>,
      %swap3A_126 = arith.index_cast %scan3A_107 : i32 to index
      %swap3A_127 = arith.constant 96 : index
      %swap3A_128 = tpu.vector_load %arg5[%swap3A_126, %swap3A_127] {strides = array<i32>} : memref<32x256xi32, #tpu.memory_space<vmem>>, vector<16xi32>,
      tpu.vector_store %arg5[%swap3A_126, %swap3A_127], %broadcast_in_dim3A_6 {strides = array<i32>} : memref<32x256xi32, #tpu.memory_space<vmem>>, vector<16xi32>,
      %swap3A_129 = arith.index_cast %scan3A_107 : i32 to index
      %swap3A_130 = arith.constant 112 : index
      %swap3A_131 = tpu.vector_load %arg5[%swap3A_129, %swap3A_130] {strides = array<i32>} : memref<32x256xi32, #tpu.memory_space<vmem>>, vector<16xi32>,
      tpu.vector_store %arg5[%swap3A_129, %swap3A_130], %broadcast_in_dim3A_6 {strides = array<i32>} : memref<32x256xi32, #tpu.memory_space<vmem>>, vector<16xi32>,
      %swap3A_132 = arith.index_cast %scan3A_107 : i32 to index
      %swap3A_133 = arith.constant 128 : index
      %swap3A_134 = tpu.vector_load %arg5[%swap3A_132, %swap3A_133] {strides = array<i32>} : memref<32x256xi32, #tpu.memory_space<vmem>>, vector<16xi32>,
      tpu.vector_store %arg5[%swap3A_132, %swap3A_133], %broadcast_in_dim3A_6 {strides = array<i32>} : memref<32x256xi32, #tpu.memory_space<vmem>>, vector<16xi32>,
      %swap3A_135 = arith.index_cast %scan3A_107 : i32 to index
      %swap3A_136 = arith.constant 144 : index
      %swap3A_137 = tpu.vector_load %arg5[%swap3A_135, %swap3A_136] {strides = array<i32>} : memref<32x256xi32, #tpu.memory_space<vmem>>, vector<16xi32>,
      tpu.vector_store %arg5[%swap3A_135, %swap3A_136], %broadcast_in_dim3A_6 {strides = array<i32>} : memref<32x256xi32, #tpu.memory_space<vmem>>, vector<16xi32>,
      %swap3A_138 = arith.index_cast %scan3A_107 : i32 to index
      %swap3A_139 = arith.constant 160 : index
      %swap3A_140 = tpu.vector_load %arg5[%swap3A_138, %swap3A_139] {strides = array<i32>} : memref<32x256xi32, #tpu.memory_space<vmem>>, vector<16xi32>,
      tpu.vector_store %arg5[%swap3A_138, %swap3A_139], %broadcast_in_dim3A_6 {strides = array<i32>} : memref<32x256xi32, #tpu.memory_space<vmem>>, vector<16xi32>,
      %swap3A_141 = arith.index_cast %scan3A_107 : i32 to index
      %swap3A_142 = arith.constant 176 : index
      %swap3A_143 = tpu.vector_load %arg5[%swap3A_141, %swap3A_142] {strides = array<i32>} : memref<32x256xi32, #tpu.memory_space<vmem>>, vector<16xi32>,
      tpu.vector_store %arg5[%swap3A_141, %swap3A_142], %broadcast_in_dim3A_6 {strides = array<i32>} : memref<32x256xi32, #tpu.memory_space<vmem>>, vector<16xi32>,
      %swap3A_144 = arith.index_cast %scan3A_107 : i32 to index
      %swap3A_145 = arith.constant 192 : index
      %swap3A_146 = tpu.vector_load %arg5[%swap3A_144, %swap3A_145] {strides = array<i32>} : memref<32x256xi32, #tpu.memory_space<vmem>>, vector<16xi32>,
      tpu.vector_store %arg5[%swap3A_144, %swap3A_145], %broadcast_in_dim3A_6 {strides = array<i32>} : memref<32x256xi32, #tpu.memory_space<vmem>>, vector<16xi32>,
      %swap3A_147 = arith.index_cast %scan3A_107 : i32 to index
      %swap3A_148 = arith.constant 208 : index
      %swap3A_149 = tpu.vector_load %arg5[%swap3A_147, %swap3A_148] {strides = array<i32>} : memref<32x256xi32, #tpu.memory_space<vmem>>, vector<16xi32>,
      tpu.vector_store %arg5[%swap3A_147, %swap3A_148], %broadcast_in_dim3A_6 {strides = array<i32>} : memref<32x256xi32, #tpu.memory_space<vmem>>, vector<16xi32>,
      %swap3A_150 = arith.index_cast %scan3A_107 : i32 to index
      %swap3A_151 = arith.constant 224 : index
      %swap3A_152 = tpu.vector_load %arg5[%swap3A_150, %swap3A_151] {strides = array<i32>} : memref<32x256xi32, #tpu.memory_space<vmem>>, vector<16xi32>,
      tpu.vector_store %arg5[%swap3A_150, %swap3A_151], %broadcast_in_dim3A_6 {strides = array<i32>} : memref<32x256xi32, #tpu.memory_space<vmem>>, vector<16xi32>,
      %swap3A_153 = arith.index_cast %scan3A_107 : i32 to index
      %swap3A_154 = arith.constant 240 : index
      %swap3A_155 = tpu.vector_load %arg5[%swap3A_153, %swap3A_154] {strides = array<i32>} : memref<32x256xi32, #tpu.memory_space<vmem>>, vector<16xi32>,
      tpu.vector_store %arg5[%swap3A_153, %swap3A_154], %broadcast_in_dim3A_6 {strides = array<i32>} : memref<32x256xi32, #tpu.memory_space<vmem>>, vector<16xi32>,
      %scan3A_156 = arith.constant 0 : i32
      scf.yield %scan3A_156 : i32
    }
    %scan3A_14 = arith.constant 32 : i32
    %dma_wait3A = arith.constant 0 : i32
    %dma_wait3A_15 = tpu.memref_slice %arg2[%mul3A_2, %dma_wait3A] : memref<4096x200xi32, #tpu.memory_space<hbm>> -> memref<128x200xi32, #tpu.memory_space<hbm>>
    %dma_wait3A_16 = arith.constant 0 : i32
    %dma_wait3A_17 = tpu.memref_slice %arg2[%mul3A_2, %dma_wait3A_16] : memref<4096x200xi32, #tpu.memory_space<hbm>> -> memref<128x200xi32, #tpu.memory_space<hbm>>
    tpu.wait_dma2 semaphore(%arg7 : memref<!tpu.dma_semaphore, #tpu.memory_space<semaphore_mem>>) src(%dma_wait3A_17 : memref<128x200xi32, #tpu.memory_space<hbm>>) dst(%arg4 : memref<128x200xi32, #tpu.memory_space<vmem>>)
    %scan3A_18 = arith.constant 0 : i32
    %scan3A_19 = arith.constant 0 : i32
    %scan3A_20 = arith.constant 16 : i32
    %scan3A_21 = arith.addi %scan3A_19, %scan3A_20 : i32
    %scan3A_22 = arith.constant 1 : i32
    %scan3A_23 = scf.for %scan3A_107 = %scan3A_19 to %scan3A_21 step %scan3A_22 iter_args(%scan3A_108 = %scan3A_18) -> (i32)  : i32 {
      %mul3A_109 = arith.constant 2 : i32
      %mul3A_110 = arith.muli %scan3A_107, %mul3A_109 : i32
      %add3A_111 = arith.constant 0 : i32
      %add3A_112 = arith.addi %mul3A_110, %add3A_111 : i32
      %broadcast_in_dim3A_113 = vector.broadcast %add3A_112 : i32 to vector<16xi32>
      %add3A_114 = arith.constant 0 : i32
      %add3A_115 = arith.addi %add3A_114, %add3A_112 : i32
      %get3A = arith.index_cast %add3A_115 : i32 to index
      %get3A_116 = arith.constant 0 : index
      %get3A_117 = tpu.vector_load %arg4[%get3A, %get3A_116] {strides = array<i32>} : memref<128x200xi32, #tpu.memory_space<vmem>>, vector<16xi32>,
      %get3A_118 = arith.index_cast %add3A_115 : i32 to index
      %get3A_119 = arith.constant 16 : index
      %get3A_120 = tpu.vector_load %arg4[%get3A_118, %get3A_119] {strides = array<i32>} : memref<128x200xi32, #tpu.memory_space<vmem>>, vector<16xi32>,
      %get3A_121 = arith.index_cast %add3A_115 : i32 to index
      %get3A_122 = arith.constant 32 : index
      %get3A_123 = tpu.vector_load %arg4[%get3A_121, %get3A_122] {strides = array<i32>} : memref<128x200xi32, #tpu.memory_space<vmem>>, vector<16xi32>,
      %get3A_124 = arith.index_cast %add3A_115 : i32 to index
      %get3A_125 = arith.constant 48 : index
      %get3A_126 = tpu.vector_load %arg4[%get3A_124, %get3A_125] {strides = array<i32>} : memref<128x200xi32, #tpu.memory_space<vmem>>, vector<16xi32>,
      %get3A_127 = arith.index_cast %add3A_115 : i32 to index
      %get3A_128 = arith.constant 64 : index
      %get3A_129 = tpu.vector_load %arg4[%get3A_127, %get3A_128] {strides = array<i32>} : memref<128x200xi32, #tpu.memory_space<vmem>>, vector<16xi32>,
      %get3A_130 = arith.index_cast %add3A_115 : i32 to index
      %get3A_131 = arith.constant 80 : index
      %get3A_132 = tpu.vector_load %arg4[%get3A_130, %get3A_131] {strides = array<i32>} : memref<128x200xi32, #tpu.memory_space<vmem>>, vector<16xi32>,
      %get3A_133 = arith.index_cast %add3A_115 : i32 to index
      %get3A_134 = arith.constant 96 : index
      %get3A_135 = tpu.vector_load %arg4[%get3A_133, %get3A_134] {strides = array<i32>} : memref<128x200xi32, #tpu.memory_space<vmem>>, vector<16xi32>,
      %get3A_136 = arith.index_cast %add3A_115 : i32 to index
      %get3A_137 = arith.constant 112 : index
      %get3A_138 = tpu.vector_load %arg4[%get3A_136, %get3A_137] {strides = array<i32>} : memref<128x200xi32, #tpu.memory_space<vmem>>, vector<16xi32>,
      %get3A_139 = arith.index_cast %add3A_115 : i32 to index
      %get3A_140 = arith.constant 128 : index
      %get3A_141 = tpu.vector_load %arg4[%get3A_139, %get3A_140] {strides = array<i32>} : memref<128x200xi32, #tpu.memory_space<vmem>>, vector<16xi32>,
      %get3A_142 = arith.index_cast %add3A_115 : i32 to index
      %get3A_143 = arith.constant 144 : index
      %get3A_144 = tpu.vector_load %arg4[%get3A_142, %get3A_143] {strides = array<i32>} : memref<128x200xi32, #tpu.memory_space<vmem>>, vector<16xi32>,
      %get3A_145 = arith.index_cast %add3A_115 : i32 to index
      %get3A_146 = arith.constant 160 : index
      %get3A_147 = tpu.vector_load %arg4[%get3A_145, %get3A_146] {strides = array<i32>} : memref<128x200xi32, #tpu.memory_space<vmem>>, vector<16xi32>,
      %get3A_148 = arith.index_cast %add3A_115 : i32 to index
      %get3A_149 = arith.constant 176 : index
      %get3A_150 = tpu.vector_load %arg4[%get3A_148, %get3A_149] {strides = array<i32>} : memref<128x200xi32, #tpu.memory_space<vmem>>, vector<16xi32>,
      %get3A_151 = arith.index_cast %add3A_115 : i32 to index
      %get3A_152 = arith.constant 184 : index
      %get3A_153 = tpu.vector_load %arg4[%get3A_151, %get3A_152] {strides = array<i32>} : memref<128x200xi32, #tpu.memory_space<vmem>>, vector<16xi32>,
      %and3A = arith.constant 255 : i32
      %and3A_154 = vector.broadcast %and3A : i32 to vector<16xi32>
      %and3A_155 = arith.andi %get3A_117, %and3A_154 : vector<16xi32>
      %and3A_156 = arith.constant 255 : i32
      %and3A_157 = vector.broadcast %and3A_156 : i32 to vector<16xi32>
      %and3A_158 = arith.andi %get3A_120, %and3A_157 : vector<16xi32>
      %and3A_159 = arith.constant 255 : i32
      %and3A_160 = vector.broadcast %and3A_159 : i32 to vector<16xi32>
      %and3A_161 = arith.andi %get3A_123, %and3A_160 : vector<16xi32>
      %and3A_162 = arith.constant 255 : i32
      %and3A_163 = vector.broadcast %and3A_162 : i32 to vector<16xi32>
      %and3A_164 = arith.andi %get3A_126, %and3A_163 : vector<16xi32>
      %and3A_165 = arith.constant 255 : i32
      %and3A_166 = vector.broadcast %and3A_165 : i32 to vector<16xi32>
      %and3A_167 = arith.andi %get3A_129, %and3A_166 : vector<16xi32>
      %and3A_168 = arith.constant 255 : i32
      %and3A_169 = vector.broadcast %and3A_168 : i32 to vector<16xi32>
      %and3A_170 = arith.andi %get3A_132, %and3A_169 : vector<16xi32>
      %and3A_171 = arith.constant 255 : i32
      %and3A_172 = vector.broadcast %and3A_171 : i32 to vector<16xi32>
      %and3A_173 = arith.andi %get3A_135, %and3A_172 : vector<16xi32>
      %and3A_174 = arith.constant 255 : i32
      %and3A_175 = vector.broadcast %and3A_174 : i32 to vector<16xi32>
      %and3A_176 = arith.andi %get3A_138, %and3A_175 : vector<16xi32>
      %and3A_177 = arith.constant 255 : i32
      %and3A_178 = vector.broadcast %and3A_177 : i32 to vector<16xi32>
      %and3A_179 = arith.andi %get3A_141, %and3A_178 : vector<16xi32>
      %and3A_180 = arith.constant 255 : i32
      %and3A_181 = vector.broadcast %and3A_180 : i32 to vector<16xi32>
      %and3A_182 = arith.andi %get3A_144, %and3A_181 : vector<16xi32>
      %and3A_183 = arith.constant 255 : i32
      %and3A_184 = vector.broadcast %and3A_183 : i32 to vector<16xi32>
      %and3A_185 = arith.andi %get3A_147, %and3A_184 : vector<16xi32>
      %and3A_186 = arith.constant 255 : i32
      %and3A_187 = vector.broadcast %and3A_186 : i32 to vector<16xi32>
      %and3A_188 = arith.andi %get3A_150, %and3A_187 : vector<16xi32>
      %and3A_189 = arith.constant 255 : i32
      %and3A_190 = vector.broadcast %and3A_189 : i32 to vector<16xi32>
      %and3A_191 = arith.andi %get3A_153, %and3A_190 : vector<16xi32>
      %broadcast_in_dim3A_192 = arith.constant 1 : i32
      %broadcast_in_dim3A_193 = vector.broadcast %broadcast_in_dim3A_192 : i32 to vector<16xi32>
      %shift_right_logical3A = arith.constant 8 : i32
      %shift_right_logical3A_194 = vector.broadcast %shift_right_logical3A : i32 to vector<16xi32>
      %shift_right_logical3A_195 = arith.shrui %get3A_117, %shift_right_logical3A_194 : vector<16xi32>
      %shift_left3A = arith.constant 3 : i32
      %shift_left3A_196 = vector.broadcast %shift_left3A : i32 to vector<16xi32>
      %shift_left3A_197 = arith.shli %shift_right_logical3A_195, %shift_left3A_196 : vector<16xi32>
      %shift_left3A_198 = arith.shli %broadcast_in_dim3A_193, %shift_left3A_197 : vector<16xi32>
      %broadcast_in_dim3A_199 = arith.constant 1 : i32
      %broadcast_in_dim3A_200 = vector.broadcast %broadcast_in_dim3A_199 : i32 to vector<16xi32>
      %shift_right_logical3A_201 = arith.constant 8 : i32
      %shift_right_logical3A_202 = vector.broadcast %shift_right_logical3A_201 : i32 to vector<16xi32>
      %shift_right_logical3A_203 = arith.shrui %get3A_120, %shift_right_logical3A_202 : vector<16xi32>
      %shift_left3A_204 = arith.constant 3 : i32
      %shift_left3A_205 = vector.broadcast %shift_left3A_204 : i32 to vector<16xi32>
      %shift_left3A_206 = arith.shli %shift_right_logical3A_203, %shift_left3A_205 : vector<16xi32>
      %shift_left3A_207 = arith.shli %broadcast_in_dim3A_200, %shift_left3A_206 : vector<16xi32>
      %broadcast_in_dim3A_208 = arith.constant 1 : i32
      %broadcast_in_dim3A_209 = vector.broadcast %broadcast_in_dim3A_208 : i32 to vector<16xi32>
      %shift_right_logical3A_210 = arith.constant 8 : i32
      %shift_right_logical3A_211 = vector.broadcast %shift_right_logical3A_210 : i32 to vector<16xi32>
      %shift_right_logical3A_212 = arith.shrui %get3A_123, %shift_right_logical3A_211 : vector<16xi32>
      %shift_left3A_213 = arith.constant 3 : i32
      %shift_left3A_214 = vector.broadcast %shift_left3A_213 : i32 to vector<16xi32>
      %shift_left3A_215 = arith.shli %shift_right_logical3A_212, %shift_left3A_214 : vector<16xi32>
      %shift_left3A_216 = arith.shli %broadcast_in_dim3A_209, %shift_left3A_215 : vector<16xi32>
      %broadcast_in_dim3A_217 = arith.constant 1 : i32
      %broadcast_in_dim3A_218 = vector.broadcast %broadcast_in_dim3A_217 : i32 to vector<16xi32>
      %shift_right_logical3A_219 = arith.constant 8 : i32
      %shift_right_logical3A_220 = vector.broadcast %shift_right_logical3A_219 : i32 to vector<16xi32>
      %shift_right_logical3A_221 = arith.shrui %get3A_126, %shift_right_logical3A_220 : vector<16xi32>
      %shift_left3A_222 = arith.constant 3 : i32
      %shift_left3A_223 = vector.broadcast %shift_left3A_222 : i32 to vector<16xi32>
      %shift_left3A_224 = arith.shli %shift_right_logical3A_221, %shift_left3A_223 : vector<16xi32>
      %shift_left3A_225 = arith.shli %broadcast_in_dim3A_218, %shift_left3A_224 : vector<16xi32>
      %broadcast_in_dim3A_226 = arith.constant 1 : i32
      %broadcast_in_dim3A_227 = vector.broadcast %broadcast_in_dim3A_226 : i32 to vector<16xi32>
      %shift_right_logical3A_228 = arith.constant 8 : i32
      %shift_right_logical3A_229 = vector.broadcast %shift_right_logical3A_228 : i32 to vector<16xi32>
      %shift_right_logical3A_230 = arith.shrui %get3A_129, %shift_right_logical3A_229 : vector<16xi32>
      %shift_left3A_231 = arith.constant 3 : i32
      %shift_left3A_232 = vector.broadcast %shift_left3A_231 : i32 to vector<16xi32>
      %shift_left3A_233 = arith.shli %shift_right_logical3A_230, %shift_left3A_232 : vector<16xi32>
      %shift_left3A_234 = arith.shli %broadcast_in_dim3A_227, %shift_left3A_233 : vector<16xi32>
      %broadcast_in_dim3A_235 = arith.constant 1 : i32
      %broadcast_in_dim3A_236 = vector.broadcast %broadcast_in_dim3A_235 : i32 to vector<16xi32>
      %shift_right_logical3A_237 = arith.constant 8 : i32
      %shift_right_logical3A_238 = vector.broadcast %shift_right_logical3A_237 : i32 to vector<16xi32>
      %shift_right_logical3A_239 = arith.shrui %get3A_132, %shift_right_logical3A_238 : vector<16xi32>
      %shift_left3A_240 = arith.constant 3 : i32
      %shift_left3A_241 = vector.broadcast %shift_left3A_240 : i32 to vector<16xi32>
      %shift_left3A_242 = arith.shli %shift_right_logical3A_239, %shift_left3A_241 : vector<16xi32>
      %shift_left3A_243 = arith.shli %broadcast_in_dim3A_236, %shift_left3A_242 : vector<16xi32>
      %broadcast_in_dim3A_244 = arith.constant 1 : i32
      %broadcast_in_dim3A_245 = vector.broadcast %broadcast_in_dim3A_244 : i32 to vector<16xi32>
      %shift_right_logical3A_246 = arith.constant 8 : i32
      %shift_right_logical3A_247 = vector.broadcast %shift_right_logical3A_246 : i32 to vector<16xi32>
      %shift_right_logical3A_248 = arith.shrui %get3A_135, %shift_right_logical3A_247 : vector<16xi32>
      %shift_left3A_249 = arith.constant 3 : i32
      %shift_left3A_250 = vector.broadcast %shift_left3A_249 : i32 to vector<16xi32>
      %shift_left3A_251 = arith.shli %shift_right_logical3A_248, %shift_left3A_250 : vector<16xi32>
      %shift_left3A_252 = arith.shli %broadcast_in_dim3A_245, %shift_left3A_251 : vector<16xi32>
      %broadcast_in_dim3A_253 = arith.constant 1 : i32
      %broadcast_in_dim3A_254 = vector.broadcast %broadcast_in_dim3A_253 : i32 to vector<16xi32>
      %shift_right_logical3A_255 = arith.constant 8 : i32
      %shift_right_logical3A_256 = vector.broadcast %shift_right_logical3A_255 : i32 to vector<16xi32>
      %shift_right_logical3A_257 = arith.shrui %get3A_138, %shift_right_logical3A_256 : vector<16xi32>
      %shift_left3A_258 = arith.constant 3 : i32
      %shift_left3A_259 = vector.broadcast %shift_left3A_258 : i32 to vector<16xi32>
      %shift_left3A_260 = arith.shli %shift_right_logical3A_257, %shift_left3A_259 : vector<16xi32>
      %shift_left3A_261 = arith.shli %broadcast_in_dim3A_254, %shift_left3A_260 : vector<16xi32>
      %broadcast_in_dim3A_262 = arith.constant 1 : i32
      %broadcast_in_dim3A_263 = vector.broadcast %broadcast_in_dim3A_262 : i32 to vector<16xi32>
      %shift_right_logical3A_264 = arith.constant 8 : i32
      %shift_right_logical3A_265 = vector.broadcast %shift_right_logical3A_264 : i32 to vector<16xi32>
      %shift_right_logical3A_266 = arith.shrui %get3A_141, %shift_right_logical3A_265 : vector<16xi32>
      %shift_left3A_267 = arith.constant 3 : i32
      %shift_left3A_268 = vector.broadcast %shift_left3A_267 : i32 to vector<16xi32>
      %shift_left3A_269 = arith.shli %shift_right_logical3A_266, %shift_left3A_268 : vector<16xi32>
      %shift_left3A_270 = arith.shli %broadcast_in_dim3A_263, %shift_left3A_269 : vector<16xi32>
      %broadcast_in_dim3A_271 = arith.constant 1 : i32
      %broadcast_in_dim3A_272 = vector.broadcast %broadcast_in_dim3A_271 : i32 to vector<16xi32>
      %shift_right_logical3A_273 = arith.constant 8 : i32
      %shift_right_logical3A_274 = vector.broadcast %shift_right_logical3A_273 : i32 to vector<16xi32>
      %shift_right_logical3A_275 = arith.shrui %get3A_144, %shift_right_logical3A_274 : vector<16xi32>
      %shift_left3A_276 = arith.constant 3 : i32
      %shift_left3A_277 = vector.broadcast %shift_left3A_276 : i32 to vector<16xi32>
      %shift_left3A_278 = arith.shli %shift_right_logical3A_275, %shift_left3A_277 : vector<16xi32>
      %shift_left3A_279 = arith.shli %broadcast_in_dim3A_272, %shift_left3A_278 : vector<16xi32>
      %broadcast_in_dim3A_280 = arith.constant 1 : i32
      %broadcast_in_dim3A_281 = vector.broadcast %broadcast_in_dim3A_280 : i32 to vector<16xi32>
      %shift_right_logical3A_282 = arith.constant 8 : i32
      %shift_right_logical3A_283 = vector.broadcast %shift_right_logical3A_282 : i32 to vector<16xi32>
      %shift_right_logical3A_284 = arith.shrui %get3A_147, %shift_right_logical3A_283 : vector<16xi32>
      %shift_left3A_285 = arith.constant 3 : i32
      %shift_left3A_286 = vector.broadcast %shift_left3A_285 : i32 to vector<16xi32>
      %shift_left3A_287 = arith.shli %shift_right_logical3A_284, %shift_left3A_286 : vector<16xi32>
      %shift_left3A_288 = arith.shli %broadcast_in_dim3A_281, %shift_left3A_287 : vector<16xi32>
      %broadcast_in_dim3A_289 = arith.constant 1 : i32
      %broadcast_in_dim3A_290 = vector.broadcast %broadcast_in_dim3A_289 : i32 to vector<16xi32>
      %shift_right_logical3A_291 = arith.constant 8 : i32
      %shift_right_logical3A_292 = vector.broadcast %shift_right_logical3A_291 : i32 to vector<16xi32>
      %shift_right_logical3A_293 = arith.shrui %get3A_150, %shift_right_logical3A_292 : vector<16xi32>
      %shift_left3A_294 = arith.constant 3 : i32
      %shift_left3A_295 = vector.broadcast %shift_left3A_294 : i32 to vector<16xi32>
      %shift_left3A_296 = arith.shli %shift_right_logical3A_293, %shift_left3A_295 : vector<16xi32>
      %shift_left3A_297 = arith.shli %broadcast_in_dim3A_290, %shift_left3A_296 : vector<16xi32>
      %broadcast_in_dim3A_298 = arith.constant 1 : i32
      %broadcast_in_dim3A_299 = vector.broadcast %broadcast_in_dim3A_298 : i32 to vector<16xi32>
      %shift_right_logical3A_300 = arith.constant 8 : i32
      %shift_right_logical3A_301 = vector.broadcast %shift_right_logical3A_300 : i32 to vector<16xi32>
      %shift_right_logical3A_302 = arith.shrui %get3A_153, %shift_right_logical3A_301 : vector<16xi32>
      %shift_left3A_303 = arith.constant 3 : i32
      %shift_left3A_304 = vector.broadcast %shift_left3A_303 : i32 to vector<16xi32>
      %shift_left3A_305 = arith.shli %shift_right_logical3A_302, %shift_left3A_304 : vector<16xi32>
      %shift_left3A_306 = arith.shli %broadcast_in_dim3A_299, %shift_left3A_305 : vector<16xi32>
      tpu.vector_store_idx %arg5[%broadcast_in_dim3A_113, %and3A_155], %shift_left3A_198 {add = true} : memref<32x256xi32, #tpu.memory_space<vmem>>[vector<16xi32>, vector<16xi32>], vector<16xi32>,
      tpu.vector_store_idx %arg5[%broadcast_in_dim3A_113, %and3A_158], %shift_left3A_207 {add = true} : memref<32x256xi32, #tpu.memory_space<vmem>>[vector<16xi32>, vector<16xi32>], vector<16xi32>,
      tpu.vector_store_idx %arg5[%broadcast_in_dim3A_113, %and3A_161], %shift_left3A_216 {add = true} : memref<32x256xi32, #tpu.memory_space<vmem>>[vector<16xi32>, vector<16xi32>], vector<16xi32>,
      tpu.vector_store_idx %arg5[%broadcast_in_dim3A_113, %and3A_164], %shift_left3A_225 {add = true} : memref<32x256xi32, #tpu.memory_space<vmem>>[vector<16xi32>, vector<16xi32>], vector<16xi32>,
      tpu.vector_store_idx %arg5[%broadcast_in_dim3A_113, %and3A_167], %shift_left3A_234 {add = true} : memref<32x256xi32, #tpu.memory_space<vmem>>[vector<16xi32>, vector<16xi32>], vector<16xi32>,
      tpu.vector_store_idx %arg5[%broadcast_in_dim3A_113, %and3A_170], %shift_left3A_243 {add = true} : memref<32x256xi32, #tpu.memory_space<vmem>>[vector<16xi32>, vector<16xi32>], vector<16xi32>,
      tpu.vector_store_idx %arg5[%broadcast_in_dim3A_113, %and3A_173], %shift_left3A_252 {add = true} : memref<32x256xi32, #tpu.memory_space<vmem>>[vector<16xi32>, vector<16xi32>], vector<16xi32>,
      tpu.vector_store_idx %arg5[%broadcast_in_dim3A_113, %and3A_176], %shift_left3A_261 {add = true} : memref<32x256xi32, #tpu.memory_space<vmem>>[vector<16xi32>, vector<16xi32>], vector<16xi32>,
      tpu.vector_store_idx %arg5[%broadcast_in_dim3A_113, %and3A_179], %shift_left3A_270 {add = true} : memref<32x256xi32, #tpu.memory_space<vmem>>[vector<16xi32>, vector<16xi32>], vector<16xi32>,
      tpu.vector_store_idx %arg5[%broadcast_in_dim3A_113, %and3A_182], %shift_left3A_279 {add = true} : memref<32x256xi32, #tpu.memory_space<vmem>>[vector<16xi32>, vector<16xi32>], vector<16xi32>,
      tpu.vector_store_idx %arg5[%broadcast_in_dim3A_113, %and3A_185], %shift_left3A_288 {add = true} : memref<32x256xi32, #tpu.memory_space<vmem>>[vector<16xi32>, vector<16xi32>], vector<16xi32>,
      tpu.vector_store_idx %arg5[%broadcast_in_dim3A_113, %and3A_188], %shift_left3A_297 {add = true} : memref<32x256xi32, #tpu.memory_space<vmem>>[vector<16xi32>, vector<16xi32>], vector<16xi32>,
      tpu.vector_store_idx %arg5[%broadcast_in_dim3A_113, %and3A_191], %shift_left3A_306 masked %ge3A_8 {add = true} : memref<32x256xi32, #tpu.memory_space<vmem>>[vector<16xi32>, vector<16xi32>], vector<16xi32>, vector<16xi1>
      %mul3A_307 = arith.constant 2 : i32
      %mul3A_308 = arith.muli %scan3A_107, %mul3A_307 : i32
      %add3A_309 = arith.constant 1 : i32
      %add3A_310 = arith.addi %mul3A_308, %add3A_309 : i32
      %broadcast_in_dim3A_311 = vector.broadcast %add3A_310 : i32 to vector<16xi32>
      %add3A_312 = arith.constant 0 : i32
      %add3A_313 = arith.addi %add3A_312, %add3A_310 : i32
      %get3A_314 = arith.index_cast %add3A_313 : i32 to index
      %get3A_315 = arith.constant 0 : index
      %get3A_316 = tpu.vector_load %arg4[%get3A_314, %get3A_315] {strides = array<i32>} : memref<128x200xi32, #tpu.memory_space<vmem>>, vector<16xi32>,
      %get3A_317 = arith.index_cast %add3A_313 : i32 to index
      %get3A_318 = arith.constant 16 : index
      %get3A_319 = tpu.vector_load %arg4[%get3A_317, %get3A_318] {strides = array<i32>} : memref<128x200xi32, #tpu.memory_space<vmem>>, vector<16xi32>,
      %get3A_320 = arith.index_cast %add3A_313 : i32 to index
      %get3A_321 = arith.constant 32 : index
      %get3A_322 = tpu.vector_load %arg4[%get3A_320, %get3A_321] {strides = array<i32>} : memref<128x200xi32, #tpu.memory_space<vmem>>, vector<16xi32>,
      %get3A_323 = arith.index_cast %add3A_313 : i32 to index
      %get3A_324 = arith.constant 48 : index
      %get3A_325 = tpu.vector_load %arg4[%get3A_323, %get3A_324] {strides = array<i32>} : memref<128x200xi32, #tpu.memory_space<vmem>>, vector<16xi32>,
      %get3A_326 = arith.index_cast %add3A_313 : i32 to index
      %get3A_327 = arith.constant 64 : index
      %get3A_328 = tpu.vector_load %arg4[%get3A_326, %get3A_327] {strides = array<i32>} : memref<128x200xi32, #tpu.memory_space<vmem>>, vector<16xi32>,
      %get3A_329 = arith.index_cast %add3A_313 : i32 to index
      %get3A_330 = arith.constant 80 : index
      %get3A_331 = tpu.vector_load %arg4[%get3A_329, %get3A_330] {strides = array<i32>} : memref<128x200xi32, #tpu.memory_space<vmem>>, vector<16xi32>,
      %get3A_332 = arith.index_cast %add3A_313 : i32 to index
      %get3A_333 = arith.constant 96 : index
      %get3A_334 = tpu.vector_load %arg4[%get3A_332, %get3A_333] {strides = array<i32>} : memref<128x200xi32, #tpu.memory_space<vmem>>, vector<16xi32>,
      %get3A_335 = arith.index_cast %add3A_313 : i32 to index
      %get3A_336 = arith.constant 112 : index
      %get3A_337 = tpu.vector_load %arg4[%get3A_335, %get3A_336] {strides = array<i32>} : memref<128x200xi32, #tpu.memory_space<vmem>>, vector<16xi32>,
      %get3A_338 = arith.index_cast %add3A_313 : i32 to index
      %get3A_339 = arith.constant 128 : index
      %get3A_340 = tpu.vector_load %arg4[%get3A_338, %get3A_339] {strides = array<i32>} : memref<128x200xi32, #tpu.memory_space<vmem>>, vector<16xi32>,
      %get3A_341 = arith.index_cast %add3A_313 : i32 to index
      %get3A_342 = arith.constant 144 : index
      %get3A_343 = tpu.vector_load %arg4[%get3A_341, %get3A_342] {strides = array<i32>} : memref<128x200xi32, #tpu.memory_space<vmem>>, vector<16xi32>,
      %get3A_344 = arith.index_cast %add3A_313 : i32 to index
      %get3A_345 = arith.constant 160 : index
      %get3A_346 = tpu.vector_load %arg4[%get3A_344, %get3A_345] {strides = array<i32>} : memref<128x200xi32, #tpu.memory_space<vmem>>, vector<16xi32>,
      %get3A_347 = arith.index_cast %add3A_313 : i32 to index
      %get3A_348 = arith.constant 176 : index
      %get3A_349 = tpu.vector_load %arg4[%get3A_347, %get3A_348] {strides = array<i32>} : memref<128x200xi32, #tpu.memory_space<vmem>>, vector<16xi32>,
      %get3A_350 = arith.index_cast %add3A_313 : i32 to index
      %get3A_351 = arith.constant 184 : index
      %get3A_352 = tpu.vector_load %arg4[%get3A_350, %get3A_351] {strides = array<i32>} : memref<128x200xi32, #tpu.memory_space<vmem>>, vector<16xi32>,
      %and3A_353 = arith.constant 255 : i32
      %and3A_354 = vector.broadcast %and3A_353 : i32 to vector<16xi32>
      %and3A_355 = arith.andi %get3A_316, %and3A_354 : vector<16xi32>
      %and3A_356 = arith.constant 255 : i32
      %and3A_357 = vector.broadcast %and3A_356 : i32 to vector<16xi32>
      %and3A_358 = arith.andi %get3A_319, %and3A_357 : vector<16xi32>
      %and3A_359 = arith.constant 255 : i32
      %and3A_360 = vector.broadcast %and3A_359 : i32 to vector<16xi32>
      %and3A_361 = arith.andi %get3A_322, %and3A_360 : vector<16xi32>
      %and3A_362 = arith.constant 255 : i32
      %and3A_363 = vector.broadcast %and3A_362 : i32 to vector<16xi32>
      %and3A_364 = arith.andi %get3A_325, %and3A_363 : vector<16xi32>
      %and3A_365 = arith.constant 255 : i32
      %and3A_366 = vector.broadcast %and3A_365 : i32 to vector<16xi32>
      %and3A_367 = arith.andi %get3A_328, %and3A_366 : vector<16xi32>
      %and3A_368 = arith.constant 255 : i32
      %and3A_369 = vector.broadcast %and3A_368 : i32 to vector<16xi32>
      %and3A_370 = arith.andi %get3A_331, %and3A_369 : vector<16xi32>
      %and3A_371 = arith.constant 255 : i32
      %and3A_372 = vector.broadcast %and3A_371 : i32 to vector<16xi32>
      %and3A_373 = arith.andi %get3A_334, %and3A_372 : vector<16xi32>
      %and3A_374 = arith.constant 255 : i32
      %and3A_375 = vector.broadcast %and3A_374 : i32 to vector<16xi32>
      %and3A_376 = arith.andi %get3A_337, %and3A_375 : vector<16xi32>
      %and3A_377 = arith.constant 255 : i32
      %and3A_378 = vector.broadcast %and3A_377 : i32 to vector<16xi32>
      %and3A_379 = arith.andi %get3A_340, %and3A_378 : vector<16xi32>
      %and3A_380 = arith.constant 255 : i32
      %and3A_381 = vector.broadcast %and3A_380 : i32 to vector<16xi32>
      %and3A_382 = arith.andi %get3A_343, %and3A_381 : vector<16xi32>
      %and3A_383 = arith.constant 255 : i32
      %and3A_384 = vector.broadcast %and3A_383 : i32 to vector<16xi32>
      %and3A_385 = arith.andi %get3A_346, %and3A_384 : vector<16xi32>
      %and3A_386 = arith.constant 255 : i32
      %and3A_387 = vector.broadcast %and3A_386 : i32 to vector<16xi32>
      %and3A_388 = arith.andi %get3A_349, %and3A_387 : vector<16xi32>
      %and3A_389 = arith.constant 255 : i32
      %and3A_390 = vector.broadcast %and3A_389 : i32 to vector<16xi32>
      %and3A_391 = arith.andi %get3A_352, %and3A_390 : vector<16xi32>
      %broadcast_in_dim3A_392 = arith.constant 1 : i32
      %broadcast_in_dim3A_393 = vector.broadcast %broadcast_in_dim3A_392 : i32 to vector<16xi32>
      %shift_right_logical3A_394 = arith.constant 8 : i32
      %shift_right_logical3A_395 = vector.broadcast %shift_right_logical3A_394 : i32 to vector<16xi32>
      %shift_right_logical3A_396 = arith.shrui %get3A_316, %shift_right_logical3A_395 : vector<16xi32>
      %shift_left3A_397 = arith.constant 3 : i32
      %shift_left3A_398 = vector.broadcast %shift_left3A_397 : i32 to vector<16xi32>
      %shift_left3A_399 = arith.shli %shift_right_logical3A_396, %shift_left3A_398 : vector<16xi32>
      %shift_left3A_400 = arith.shli %broadcast_in_dim3A_393, %shift_left3A_399 : vector<16xi32>
      %broadcast_in_dim3A_401 = arith.constant 1 : i32
      %broadcast_in_dim3A_402 = vector.broadcast %broadcast_in_dim3A_401 : i32 to vector<16xi32>
      %shift_right_logical3A_403 = arith.constant 8 : i32
      %shift_right_logical3A_404 = vector.broadcast %shift_right_logical3A_403 : i32 to vector<16xi32>
      %shift_right_logical3A_405 = arith.shrui %get3A_319, %shift_right_logical3A_404 : vector<16xi32>
      %shift_left3A_406 = arith.constant 3 : i32
      %shift_left3A_407 = vector.broadcast %shift_left3A_406 : i32 to vector<16xi32>
      %shift_left3A_408 = arith.shli %shift_right_logical3A_405, %shift_left3A_407 : vector<16xi32>
      %shift_left3A_409 = arith.shli %broadcast_in_dim3A_402, %shift_left3A_408 : vector<16xi32>
      %broadcast_in_dim3A_410 = arith.constant 1 : i32
      %broadcast_in_dim3A_411 = vector.broadcast %broadcast_in_dim3A_410 : i32 to vector<16xi32>
      %shift_right_logical3A_412 = arith.constant 8 : i32
      %shift_right_logical3A_413 = vector.broadcast %shift_right_logical3A_412 : i32 to vector<16xi32>
      %shift_right_logical3A_414 = arith.shrui %get3A_322, %shift_right_logical3A_413 : vector<16xi32>
      %shift_left3A_415 = arith.constant 3 : i32
      %shift_left3A_416 = vector.broadcast %shift_left3A_415 : i32 to vector<16xi32>
      %shift_left3A_417 = arith.shli %shift_right_logical3A_414, %shift_left3A_416 : vector<16xi32>
      %shift_left3A_418 = arith.shli %broadcast_in_dim3A_411, %shift_left3A_417 : vector<16xi32>
      %broadcast_in_dim3A_419 = arith.constant 1 : i32
      %broadcast_in_dim3A_420 = vector.broadcast %broadcast_in_dim3A_419 : i32 to vector<16xi32>
      %shift_right_logical3A_421 = arith.constant 8 : i32
      %shift_right_logical3A_422 = vector.broadcast %shift_right_logical3A_421 : i32 to vector<16xi32>
      %shift_right_logical3A_423 = arith.shrui %get3A_325, %shift_right_logical3A_422 : vector<16xi32>
      %shift_left3A_424 = arith.constant 3 : i32
      %shift_left3A_425 = vector.broadcast %shift_left3A_424 : i32 to vector<16xi32>
      %shift_left3A_426 = arith.shli %shift_right_logical3A_423, %shift_left3A_425 : vector<16xi32>
      %shift_left3A_427 = arith.shli %broadcast_in_dim3A_420, %shift_left3A_426 : vector<16xi32>
      %broadcast_in_dim3A_428 = arith.constant 1 : i32
      %broadcast_in_dim3A_429 = vector.broadcast %broadcast_in_dim3A_428 : i32 to vector<16xi32>
      %shift_right_logical3A_430 = arith.constant 8 : i32
      %shift_right_logical3A_431 = vector.broadcast %shift_right_logical3A_430 : i32 to vector<16xi32>
      %shift_right_logical3A_432 = arith.shrui %get3A_328, %shift_right_logical3A_431 : vector<16xi32>
      %shift_left3A_433 = arith.constant 3 : i32
      %shift_left3A_434 = vector.broadcast %shift_left3A_433 : i32 to vector<16xi32>
      %shift_left3A_435 = arith.shli %shift_right_logical3A_432, %shift_left3A_434 : vector<16xi32>
      %shift_left3A_436 = arith.shli %broadcast_in_dim3A_429, %shift_left3A_435 : vector<16xi32>
      %broadcast_in_dim3A_437 = arith.constant 1 : i32
      %broadcast_in_dim3A_438 = vector.broadcast %broadcast_in_dim3A_437 : i32 to vector<16xi32>
      %shift_right_logical3A_439 = arith.constant 8 : i32
      %shift_right_logical3A_440 = vector.broadcast %shift_right_logical3A_439 : i32 to vector<16xi32>
      %shift_right_logical3A_441 = arith.shrui %get3A_331, %shift_right_logical3A_440 : vector<16xi32>
      %shift_left3A_442 = arith.constant 3 : i32
      %shift_left3A_443 = vector.broadcast %shift_left3A_442 : i32 to vector<16xi32>
      %shift_left3A_444 = arith.shli %shift_right_logical3A_441, %shift_left3A_443 : vector<16xi32>
      %shift_left3A_445 = arith.shli %broadcast_in_dim3A_438, %shift_left3A_444 : vector<16xi32>
      %broadcast_in_dim3A_446 = arith.constant 1 : i32
      %broadcast_in_dim3A_447 = vector.broadcast %broadcast_in_dim3A_446 : i32 to vector<16xi32>
      %shift_right_logical3A_448 = arith.constant 8 : i32
      %shift_right_logical3A_449 = vector.broadcast %shift_right_logical3A_448 : i32 to vector<16xi32>
      %shift_right_logical3A_450 = arith.shrui %get3A_334, %shift_right_logical3A_449 : vector<16xi32>
      %shift_left3A_451 = arith.constant 3 : i32
      %shift_left3A_452 = vector.broadcast %shift_left3A_451 : i32 to vector<16xi32>
      %shift_left3A_453 = arith.shli %shift_right_logical3A_450, %shift_left3A_452 : vector<16xi32>
      %shift_left3A_454 = arith.shli %broadcast_in_dim3A_447, %shift_left3A_453 : vector<16xi32>
      %broadcast_in_dim3A_455 = arith.constant 1 : i32
      %broadcast_in_dim3A_456 = vector.broadcast %broadcast_in_dim3A_455 : i32 to vector<16xi32>
      %shift_right_logical3A_457 = arith.constant 8 : i32
      %shift_right_logical3A_458 = vector.broadcast %shift_right_logical3A_457 : i32 to vector<16xi32>
      %shift_right_logical3A_459 = arith.shrui %get3A_337, %shift_right_logical3A_458 : vector<16xi32>
      %shift_left3A_460 = arith.constant 3 : i32
      %shift_left3A_461 = vector.broadcast %shift_left3A_460 : i32 to vector<16xi32>
      %shift_left3A_462 = arith.shli %shift_right_logical3A_459, %shift_left3A_461 : vector<16xi32>
      %shift_left3A_463 = arith.shli %broadcast_in_dim3A_456, %shift_left3A_462 : vector<16xi32>
      %broadcast_in_dim3A_464 = arith.constant 1 : i32
      %broadcast_in_dim3A_465 = vector.broadcast %broadcast_in_dim3A_464 : i32 to vector<16xi32>
      %shift_right_logical3A_466 = arith.constant 8 : i32
      %shift_right_logical3A_467 = vector.broadcast %shift_right_logical3A_466 : i32 to vector<16xi32>
      %shift_right_logical3A_468 = arith.shrui %get3A_340, %shift_right_logical3A_467 : vector<16xi32>
      %shift_left3A_469 = arith.constant 3 : i32
      %shift_left3A_470 = vector.broadcast %shift_left3A_469 : i32 to vector<16xi32>
      %shift_left3A_471 = arith.shli %shift_right_logical3A_468, %shift_left3A_470 : vector<16xi32>
      %shift_left3A_472 = arith.shli %broadcast_in_dim3A_465, %shift_left3A_471 : vector<16xi32>
      %broadcast_in_dim3A_473 = arith.constant 1 : i32
      %broadcast_in_dim3A_474 = vector.broadcast %broadcast_in_dim3A_473 : i32 to vector<16xi32>
      %shift_right_logical3A_475 = arith.constant 8 : i32
      %shift_right_logical3A_476 = vector.broadcast %shift_right_logical3A_475 : i32 to vector<16xi32>
      %shift_right_logical3A_477 = arith.shrui %get3A_343, %shift_right_logical3A_476 : vector<16xi32>
      %shift_left3A_478 = arith.constant 3 : i32
      %shift_left3A_479 = vector.broadcast %shift_left3A_478 : i32 to vector<16xi32>
      %shift_left3A_480 = arith.shli %shift_right_logical3A_477, %shift_left3A_479 : vector<16xi32>
      %shift_left3A_481 = arith.shli %broadcast_in_dim3A_474, %shift_left3A_480 : vector<16xi32>
      %broadcast_in_dim3A_482 = arith.constant 1 : i32
      %broadcast_in_dim3A_483 = vector.broadcast %broadcast_in_dim3A_482 : i32 to vector<16xi32>
      %shift_right_logical3A_484 = arith.constant 8 : i32
      %shift_right_logical3A_485 = vector.broadcast %shift_right_logical3A_484 : i32 to vector<16xi32>
      %shift_right_logical3A_486 = arith.shrui %get3A_346, %shift_right_logical3A_485 : vector<16xi32>
      %shift_left3A_487 = arith.constant 3 : i32
      %shift_left3A_488 = vector.broadcast %shift_left3A_487 : i32 to vector<16xi32>
      %shift_left3A_489 = arith.shli %shift_right_logical3A_486, %shift_left3A_488 : vector<16xi32>
      %shift_left3A_490 = arith.shli %broadcast_in_dim3A_483, %shift_left3A_489 : vector<16xi32>
      %broadcast_in_dim3A_491 = arith.constant 1 : i32
      %broadcast_in_dim3A_492 = vector.broadcast %broadcast_in_dim3A_491 : i32 to vector<16xi32>
      %shift_right_logical3A_493 = arith.constant 8 : i32
      %shift_right_logical3A_494 = vector.broadcast %shift_right_logical3A_493 : i32 to vector<16xi32>
      %shift_right_logical3A_495 = arith.shrui %get3A_349, %shift_right_logical3A_494 : vector<16xi32>
      %shift_left3A_496 = arith.constant 3 : i32
      %shift_left3A_497 = vector.broadcast %shift_left3A_496 : i32 to vector<16xi32>
      %shift_left3A_498 = arith.shli %shift_right_logical3A_495, %shift_left3A_497 : vector<16xi32>
      %shift_left3A_499 = arith.shli %broadcast_in_dim3A_492, %shift_left3A_498 : vector<16xi32>
      %broadcast_in_dim3A_500 = arith.constant 1 : i32
      %broadcast_in_dim3A_501 = vector.broadcast %broadcast_in_dim3A_500 : i32 to vector<16xi32>
      %shift_right_logical3A_502 = arith.constant 8 : i32
      %shift_right_logical3A_503 = vector.broadcast %shift_right_logical3A_502 : i32 to vector<16xi32>
      %shift_right_logical3A_504 = arith.shrui %get3A_352, %shift_right_logical3A_503 : vector<16xi32>
      %shift_left3A_505 = arith.constant 3 : i32
      %shift_left3A_506 = vector.broadcast %shift_left3A_505 : i32 to vector<16xi32>
      %shift_left3A_507 = arith.shli %shift_right_logical3A_504, %shift_left3A_506 : vector<16xi32>
      %shift_left3A_508 = arith.shli %broadcast_in_dim3A_501, %shift_left3A_507 : vector<16xi32>
      tpu.vector_store_idx %arg5[%broadcast_in_dim3A_311, %and3A_355], %shift_left3A_400 {add = true} : memref<32x256xi32, #tpu.memory_space<vmem>>[vector<16xi32>, vector<16xi32>], vector<16xi32>,
      tpu.vector_store_idx %arg5[%broadcast_in_dim3A_311, %and3A_358], %shift_left3A_409 {add = true} : memref<32x256xi32, #tpu.memory_space<vmem>>[vector<16xi32>, vector<16xi32>], vector<16xi32>,
      tpu.vector_store_idx %arg5[%broadcast_in_dim3A_311, %and3A_361], %shift_left3A_418 {add = true} : memref<32x256xi32, #tpu.memory_space<vmem>>[vector<16xi32>, vector<16xi32>], vector<16xi32>,
      tpu.vector_store_idx %arg5[%broadcast_in_dim3A_311, %and3A_364], %shift_left3A_427 {add = true} : memref<32x256xi32, #tpu.memory_space<vmem>>[vector<16xi32>, vector<16xi32>], vector<16xi32>,
      tpu.vector_store_idx %arg5[%broadcast_in_dim3A_311, %and3A_367], %shift_left3A_436 {add = true} : memref<32x256xi32, #tpu.memory_space<vmem>>[vector<16xi32>, vector<16xi32>], vector<16xi32>,
      tpu.vector_store_idx %arg5[%broadcast_in_dim3A_311, %and3A_370], %shift_left3A_445 {add = true} : memref<32x256xi32, #tpu.memory_space<vmem>>[vector<16xi32>, vector<16xi32>], vector<16xi32>,
      tpu.vector_store_idx %arg5[%broadcast_in_dim3A_311, %and3A_373], %shift_left3A_454 {add = true} : memref<32x256xi32, #tpu.memory_space<vmem>>[vector<16xi32>, vector<16xi32>], vector<16xi32>,
      tpu.vector_store_idx %arg5[%broadcast_in_dim3A_311, %and3A_376], %shift_left3A_463 {add = true} : memref<32x256xi32, #tpu.memory_space<vmem>>[vector<16xi32>, vector<16xi32>], vector<16xi32>,
      tpu.vector_store_idx %arg5[%broadcast_in_dim3A_311, %and3A_379], %shift_left3A_472 {add = true} : memref<32x256xi32, #tpu.memory_space<vmem>>[vector<16xi32>, vector<16xi32>], vector<16xi32>,
      tpu.vector_store_idx %arg5[%broadcast_in_dim3A_311, %and3A_382], %shift_left3A_481 {add = true} : memref<32x256xi32, #tpu.memory_space<vmem>>[vector<16xi32>, vector<16xi32>], vector<16xi32>,
      tpu.vector_store_idx %arg5[%broadcast_in_dim3A_311, %and3A_385], %shift_left3A_490 {add = true} : memref<32x256xi32, #tpu.memory_space<vmem>>[vector<16xi32>, vector<16xi32>], vector<16xi32>,
      tpu.vector_store_idx %arg5[%broadcast_in_dim3A_311, %and3A_388], %shift_left3A_499 {add = true} : memref<32x256xi32, #tpu.memory_space<vmem>>[vector<16xi32>, vector<16xi32>], vector<16xi32>,
      tpu.vector_store_idx %arg5[%broadcast_in_dim3A_311, %and3A_391], %shift_left3A_508 masked %ge3A_8 {add = true} : memref<32x256xi32, #tpu.memory_space<vmem>>[vector<16xi32>, vector<16xi32>], vector<16xi32>, vector<16xi1>
      %scan3A_509 = arith.constant 0 : i32
      scf.yield %scan3A_509 : i32
    }
    %scan3A_24 = arith.constant 16 : i32
    %add3A_25 = arith.constant 0 : i32
    %add3A_26 = arith.addi %mul3A_2, %add3A_25 : i32
    %dma_start3A_27 = arith.constant 0 : i32
    %dma_start3A_28 = tpu.memref_slice %arg3[%add3A_26, %dma_start3A_27] : memref<4096x256xi32, #tpu.memory_space<hbm>> -> memref<32x256xi32, #tpu.memory_space<hbm>>
    %dma_start3A_29 = arith.constant 0 : i32
    %dma_start3A_30 = tpu.memref_slice %arg3[%add3A_26, %dma_start3A_29] : memref<4096x256xi32, #tpu.memory_space<hbm>> -> memref<32x256xi32, #tpu.memory_space<hbm>>
    tpu.enqueue_dma source(%arg5 : memref<32x256xi32, #tpu.memory_space<vmem>>) target(%dma_start3A_30 : memref<32x256xi32, #tpu.memory_space<hbm>>) target_semaphore(%arg8 : memref<!tpu.dma_semaphore, #tpu.memory_space<semaphore_mem>>)
    %scan3A_31 = arith.constant 0 : i32
    %scan3A_32 = arith.constant 0 : i32
    %scan3A_33 = arith.constant 32 : i32
    %scan3A_34 = arith.addi %scan3A_32, %scan3A_33 : i32
    %scan3A_35 = arith.constant 1 : i32
    %scan3A_36 = scf.for %scan3A_107 = %scan3A_32 to %scan3A_34 step %scan3A_35 iter_args(%scan3A_108 = %scan3A_31) -> (i32)  : i32 {
      %swap3A = arith.index_cast %scan3A_107 : i32 to index
      %swap3A_109 = arith.constant 0 : index
      %swap3A_110 = tpu.vector_load %arg6[%swap3A, %swap3A_109] {strides = array<i32>} : memref<32x256xi32, #tpu.memory_space<vmem>>, vector<16xi32>,
      tpu.vector_store %arg6[%swap3A, %swap3A_109], %broadcast_in_dim3A_6 {strides = array<i32>} : memref<32x256xi32, #tpu.memory_space<vmem>>, vector<16xi32>,
      %swap3A_111 = arith.index_cast %scan3A_107 : i32 to index
      %swap3A_112 = arith.constant 16 : index
      %swap3A_113 = tpu.vector_load %arg6[%swap3A_111, %swap3A_112] {strides = array<i32>} : memref<32x256xi32, #tpu.memory_space<vmem>>, vector<16xi32>,
      tpu.vector_store %arg6[%swap3A_111, %swap3A_112], %broadcast_in_dim3A_6 {strides = array<i32>} : memref<32x256xi32, #tpu.memory_space<vmem>>, vector<16xi32>,
      %swap3A_114 = arith.index_cast %scan3A_107 : i32 to index
      %swap3A_115 = arith.constant 32 : index
      %swap3A_116 = tpu.vector_load %arg6[%swap3A_114, %swap3A_115] {strides = array<i32>} : memref<32x256xi32, #tpu.memory_space<vmem>>, vector<16xi32>,
      tpu.vector_store %arg6[%swap3A_114, %swap3A_115], %broadcast_in_dim3A_6 {strides = array<i32>} : memref<32x256xi32, #tpu.memory_space<vmem>>, vector<16xi32>,
      %swap3A_117 = arith.index_cast %scan3A_107 : i32 to index
      %swap3A_118 = arith.constant 48 : index
      %swap3A_119 = tpu.vector_load %arg6[%swap3A_117, %swap3A_118] {strides = array<i32>} : memref<32x256xi32, #tpu.memory_space<vmem>>, vector<16xi32>,
      tpu.vector_store %arg6[%swap3A_117, %swap3A_118], %broadcast_in_dim3A_6 {strides = array<i32>} : memref<32x256xi32, #tpu.memory_space<vmem>>, vector<16xi32>,
      %swap3A_120 = arith.index_cast %scan3A_107 : i32 to index
      %swap3A_121 = arith.constant 64 : index
      %swap3A_122 = tpu.vector_load %arg6[%swap3A_120, %swap3A_121] {strides = array<i32>} : memref<32x256xi32, #tpu.memory_space<vmem>>, vector<16xi32>,
      tpu.vector_store %arg6[%swap3A_120, %swap3A_121], %broadcast_in_dim3A_6 {strides = array<i32>} : memref<32x256xi32, #tpu.memory_space<vmem>>, vector<16xi32>,
      %swap3A_123 = arith.index_cast %scan3A_107 : i32 to index
      %swap3A_124 = arith.constant 80 : index
      %swap3A_125 = tpu.vector_load %arg6[%swap3A_123, %swap3A_124] {strides = array<i32>} : memref<32x256xi32, #tpu.memory_space<vmem>>, vector<16xi32>,
      tpu.vector_store %arg6[%swap3A_123, %swap3A_124], %broadcast_in_dim3A_6 {strides = array<i32>} : memref<32x256xi32, #tpu.memory_space<vmem>>, vector<16xi32>,
      %swap3A_126 = arith.index_cast %scan3A_107 : i32 to index
      %swap3A_127 = arith.constant 96 : index
      %swap3A_128 = tpu.vector_load %arg6[%swap3A_126, %swap3A_127] {strides = array<i32>} : memref<32x256xi32, #tpu.memory_space<vmem>>, vector<16xi32>,
      tpu.vector_store %arg6[%swap3A_126, %swap3A_127], %broadcast_in_dim3A_6 {strides = array<i32>} : memref<32x256xi32, #tpu.memory_space<vmem>>, vector<16xi32>,
      %swap3A_129 = arith.index_cast %scan3A_107 : i32 to index
      %swap3A_130 = arith.constant 112 : index
      %swap3A_131 = tpu.vector_load %arg6[%swap3A_129, %swap3A_130] {strides = array<i32>} : memref<32x256xi32, #tpu.memory_space<vmem>>, vector<16xi32>,
      tpu.vector_store %arg6[%swap3A_129, %swap3A_130], %broadcast_in_dim3A_6 {strides = array<i32>} : memref<32x256xi32, #tpu.memory_space<vmem>>, vector<16xi32>,
      %swap3A_132 = arith.index_cast %scan3A_107 : i32 to index
      %swap3A_133 = arith.constant 128 : index
      %swap3A_134 = tpu.vector_load %arg6[%swap3A_132, %swap3A_133] {strides = array<i32>} : memref<32x256xi32, #tpu.memory_space<vmem>>, vector<16xi32>,
      tpu.vector_store %arg6[%swap3A_132, %swap3A_133], %broadcast_in_dim3A_6 {strides = array<i32>} : memref<32x256xi32, #tpu.memory_space<vmem>>, vector<16xi32>,
      %swap3A_135 = arith.index_cast %scan3A_107 : i32 to index
      %swap3A_136 = arith.constant 144 : index
      %swap3A_137 = tpu.vector_load %arg6[%swap3A_135, %swap3A_136] {strides = array<i32>} : memref<32x256xi32, #tpu.memory_space<vmem>>, vector<16xi32>,
      tpu.vector_store %arg6[%swap3A_135, %swap3A_136], %broadcast_in_dim3A_6 {strides = array<i32>} : memref<32x256xi32, #tpu.memory_space<vmem>>, vector<16xi32>,
      %swap3A_138 = arith.index_cast %scan3A_107 : i32 to index
      %swap3A_139 = arith.constant 160 : index
      %swap3A_140 = tpu.vector_load %arg6[%swap3A_138, %swap3A_139] {strides = array<i32>} : memref<32x256xi32, #tpu.memory_space<vmem>>, vector<16xi32>,
      tpu.vector_store %arg6[%swap3A_138, %swap3A_139], %broadcast_in_dim3A_6 {strides = array<i32>} : memref<32x256xi32, #tpu.memory_space<vmem>>, vector<16xi32>,
      %swap3A_141 = arith.index_cast %scan3A_107 : i32 to index
      %swap3A_142 = arith.constant 176 : index
      %swap3A_143 = tpu.vector_load %arg6[%swap3A_141, %swap3A_142] {strides = array<i32>} : memref<32x256xi32, #tpu.memory_space<vmem>>, vector<16xi32>,
      tpu.vector_store %arg6[%swap3A_141, %swap3A_142], %broadcast_in_dim3A_6 {strides = array<i32>} : memref<32x256xi32, #tpu.memory_space<vmem>>, vector<16xi32>,
      %swap3A_144 = arith.index_cast %scan3A_107 : i32 to index
      %swap3A_145 = arith.constant 192 : index
      %swap3A_146 = tpu.vector_load %arg6[%swap3A_144, %swap3A_145] {strides = array<i32>} : memref<32x256xi32, #tpu.memory_space<vmem>>, vector<16xi32>,
      tpu.vector_store %arg6[%swap3A_144, %swap3A_145], %broadcast_in_dim3A_6 {strides = array<i32>} : memref<32x256xi32, #tpu.memory_space<vmem>>, vector<16xi32>,
      %swap3A_147 = arith.index_cast %scan3A_107 : i32 to index
      %swap3A_148 = arith.constant 208 : index
      %swap3A_149 = tpu.vector_load %arg6[%swap3A_147, %swap3A_148] {strides = array<i32>} : memref<32x256xi32, #tpu.memory_space<vmem>>, vector<16xi32>,
      tpu.vector_store %arg6[%swap3A_147, %swap3A_148], %broadcast_in_dim3A_6 {strides = array<i32>} : memref<32x256xi32, #tpu.memory_space<vmem>>, vector<16xi32>,
      %swap3A_150 = arith.index_cast %scan3A_107 : i32 to index
      %swap3A_151 = arith.constant 224 : index
      %swap3A_152 = tpu.vector_load %arg6[%swap3A_150, %swap3A_151] {strides = array<i32>} : memref<32x256xi32, #tpu.memory_space<vmem>>, vector<16xi32>,
      tpu.vector_store %arg6[%swap3A_150, %swap3A_151], %broadcast_in_dim3A_6 {strides = array<i32>} : memref<32x256xi32, #tpu.memory_space<vmem>>, vector<16xi32>,
      %swap3A_153 = arith.index_cast %scan3A_107 : i32 to index
      %swap3A_154 = arith.constant 240 : index
      %swap3A_155 = tpu.vector_load %arg6[%swap3A_153, %swap3A_154] {strides = array<i32>} : memref<32x256xi32, #tpu.memory_space<vmem>>, vector<16xi32>,
      tpu.vector_store %arg6[%swap3A_153, %swap3A_154], %broadcast_in_dim3A_6 {strides = array<i32>} : memref<32x256xi32, #tpu.memory_space<vmem>>, vector<16xi32>,
      %scan3A_156 = arith.constant 0 : i32
      scf.yield %scan3A_156 : i32
    }
    %scan3A_37 = arith.constant 32 : i32
    %scan3A_38 = arith.constant 0 : i32
    %scan3A_39 = arith.constant 0 : i32
    %scan3A_40 = arith.constant 16 : i32
    %scan3A_41 = arith.addi %scan3A_39, %scan3A_40 : i32
    %scan3A_42 = arith.constant 1 : i32
    %scan3A_43 = scf.for %scan3A_107 = %scan3A_39 to %scan3A_41 step %scan3A_42 iter_args(%scan3A_108 = %scan3A_38) -> (i32)  : i32 {
      %mul3A_109 = arith.constant 2 : i32
      %mul3A_110 = arith.muli %scan3A_107, %mul3A_109 : i32
      %add3A_111 = arith.constant 0 : i32
      %add3A_112 = arith.addi %mul3A_110, %add3A_111 : i32
      %broadcast_in_dim3A_113 = vector.broadcast %add3A_112 : i32 to vector<16xi32>
      %add3A_114 = arith.constant 32 : i32
      %add3A_115 = arith.addi %add3A_114, %add3A_112 : i32
      %get3A = arith.index_cast %add3A_115 : i32 to index
      %get3A_116 = arith.constant 0 : index
      %get3A_117 = tpu.vector_load %arg4[%get3A, %get3A_116] {strides = array<i32>} : memref<128x200xi32, #tpu.memory_space<vmem>>, vector<16xi32>,
      %get3A_118 = arith.index_cast %add3A_115 : i32 to index
      %get3A_119 = arith.constant 16 : index
      %get3A_120 = tpu.vector_load %arg4[%get3A_118, %get3A_119] {strides = array<i32>} : memref<128x200xi32, #tpu.memory_space<vmem>>, vector<16xi32>,
      %get3A_121 = arith.index_cast %add3A_115 : i32 to index
      %get3A_122 = arith.constant 32 : index
      %get3A_123 = tpu.vector_load %arg4[%get3A_121, %get3A_122] {strides = array<i32>} : memref<128x200xi32, #tpu.memory_space<vmem>>, vector<16xi32>,
      %get3A_124 = arith.index_cast %add3A_115 : i32 to index
      %get3A_125 = arith.constant 48 : index
      %get3A_126 = tpu.vector_load %arg4[%get3A_124, %get3A_125] {strides = array<i32>} : memref<128x200xi32, #tpu.memory_space<vmem>>, vector<16xi32>,
      %get3A_127 = arith.index_cast %add3A_115 : i32 to index
      %get3A_128 = arith.constant 64 : index
      %get3A_129 = tpu.vector_load %arg4[%get3A_127, %get3A_128] {strides = array<i32>} : memref<128x200xi32, #tpu.memory_space<vmem>>, vector<16xi32>,
      %get3A_130 = arith.index_cast %add3A_115 : i32 to index
      %get3A_131 = arith.constant 80 : index
      %get3A_132 = tpu.vector_load %arg4[%get3A_130, %get3A_131] {strides = array<i32>} : memref<128x200xi32, #tpu.memory_space<vmem>>, vector<16xi32>,
      %get3A_133 = arith.index_cast %add3A_115 : i32 to index
      %get3A_134 = arith.constant 96 : index
      %get3A_135 = tpu.vector_load %arg4[%get3A_133, %get3A_134] {strides = array<i32>} : memref<128x200xi32, #tpu.memory_space<vmem>>, vector<16xi32>,
      %get3A_136 = arith.index_cast %add3A_115 : i32 to index
      %get3A_137 = arith.constant 112 : index
      %get3A_138 = tpu.vector_load %arg4[%get3A_136, %get3A_137] {strides = array<i32>} : memref<128x200xi32, #tpu.memory_space<vmem>>, vector<16xi32>,
      %get3A_139 = arith.index_cast %add3A_115 : i32 to index
      %get3A_140 = arith.constant 128 : index
      %get3A_141 = tpu.vector_load %arg4[%get3A_139, %get3A_140] {strides = array<i32>} : memref<128x200xi32, #tpu.memory_space<vmem>>, vector<16xi32>,
      %get3A_142 = arith.index_cast %add3A_115 : i32 to index
      %get3A_143 = arith.constant 144 : index
      %get3A_144 = tpu.vector_load %arg4[%get3A_142, %get3A_143] {strides = array<i32>} : memref<128x200xi32, #tpu.memory_space<vmem>>, vector<16xi32>,
      %get3A_145 = arith.index_cast %add3A_115 : i32 to index
      %get3A_146 = arith.constant 160 : index
      %get3A_147 = tpu.vector_load %arg4[%get3A_145, %get3A_146] {strides = array<i32>} : memref<128x200xi32, #tpu.memory_space<vmem>>, vector<16xi32>,
      %get3A_148 = arith.index_cast %add3A_115 : i32 to index
      %get3A_149 = arith.constant 176 : index
      %get3A_150 = tpu.vector_load %arg4[%get3A_148, %get3A_149] {strides = array<i32>} : memref<128x200xi32, #tpu.memory_space<vmem>>, vector<16xi32>,
      %get3A_151 = arith.index_cast %add3A_115 : i32 to index
      %get3A_152 = arith.constant 184 : index
      %get3A_153 = tpu.vector_load %arg4[%get3A_151, %get3A_152] {strides = array<i32>} : memref<128x200xi32, #tpu.memory_space<vmem>>, vector<16xi32>,
      %and3A = arith.constant 255 : i32
      %and3A_154 = vector.broadcast %and3A : i32 to vector<16xi32>
      %and3A_155 = arith.andi %get3A_117, %and3A_154 : vector<16xi32>
      %and3A_156 = arith.constant 255 : i32
      %and3A_157 = vector.broadcast %and3A_156 : i32 to vector<16xi32>
      %and3A_158 = arith.andi %get3A_120, %and3A_157 : vector<16xi32>
      %and3A_159 = arith.constant 255 : i32
      %and3A_160 = vector.broadcast %and3A_159 : i32 to vector<16xi32>
      %and3A_161 = arith.andi %get3A_123, %and3A_160 : vector<16xi32>
      %and3A_162 = arith.constant 255 : i32
      %and3A_163 = vector.broadcast %and3A_162 : i32 to vector<16xi32>
      %and3A_164 = arith.andi %get3A_126, %and3A_163 : vector<16xi32>
      %and3A_165 = arith.constant 255 : i32
      %and3A_166 = vector.broadcast %and3A_165 : i32 to vector<16xi32>
      %and3A_167 = arith.andi %get3A_129, %and3A_166 : vector<16xi32>
      %and3A_168 = arith.constant 255 : i32
      %and3A_169 = vector.broadcast %and3A_168 : i32 to vector<16xi32>
      %and3A_170 = arith.andi %get3A_132, %and3A_169 : vector<16xi32>
      %and3A_171 = arith.constant 255 : i32
      %and3A_172 = vector.broadcast %and3A_171 : i32 to vector<16xi32>
      %and3A_173 = arith.andi %get3A_135, %and3A_172 : vector<16xi32>
      %and3A_174 = arith.constant 255 : i32
      %and3A_175 = vector.broadcast %and3A_174 : i32 to vector<16xi32>
      %and3A_176 = arith.andi %get3A_138, %and3A_175 : vector<16xi32>
      %and3A_177 = arith.constant 255 : i32
      %and3A_178 = vector.broadcast %and3A_177 : i32 to vector<16xi32>
      %and3A_179 = arith.andi %get3A_141, %and3A_178 : vector<16xi32>
      %and3A_180 = arith.constant 255 : i32
      %and3A_181 = vector.broadcast %and3A_180 : i32 to vector<16xi32>
      %and3A_182 = arith.andi %get3A_144, %and3A_181 : vector<16xi32>
      %and3A_183 = arith.constant 255 : i32
      %and3A_184 = vector.broadcast %and3A_183 : i32 to vector<16xi32>
      %and3A_185 = arith.andi %get3A_147, %and3A_184 : vector<16xi32>
      %and3A_186 = arith.constant 255 : i32
      %and3A_187 = vector.broadcast %and3A_186 : i32 to vector<16xi32>
      %and3A_188 = arith.andi %get3A_150, %and3A_187 : vector<16xi32>
      %and3A_189 = arith.constant 255 : i32
      %and3A_190 = vector.broadcast %and3A_189 : i32 to vector<16xi32>
      %and3A_191 = arith.andi %get3A_153, %and3A_190 : vector<16xi32>
      %broadcast_in_dim3A_192 = arith.constant 1 : i32
      %broadcast_in_dim3A_193 = vector.broadcast %broadcast_in_dim3A_192 : i32 to vector<16xi32>
      %shift_right_logical3A = arith.constant 8 : i32
      %shift_right_logical3A_194 = vector.broadcast %shift_right_logical3A : i32 to vector<16xi32>
      %shift_right_logical3A_195 = arith.shrui %get3A_117, %shift_right_logical3A_194 : vector<16xi32>
      %shift_left3A = arith.constant 3 : i32
      %shift_left3A_196 = vector.broadcast %shift_left3A : i32 to vector<16xi32>
      %shift_left3A_197 = arith.shli %shift_right_logical3A_195, %shift_left3A_196 : vector<16xi32>
      %shift_left3A_198 = arith.shli %broadcast_in_dim3A_193, %shift_left3A_197 : vector<16xi32>
      %broadcast_in_dim3A_199 = arith.constant 1 : i32
      %broadcast_in_dim3A_200 = vector.broadcast %broadcast_in_dim3A_199 : i32 to vector<16xi32>
      %shift_right_logical3A_201 = arith.constant 8 : i32
      %shift_right_logical3A_202 = vector.broadcast %shift_right_logical3A_201 : i32 to vector<16xi32>
      %shift_right_logical3A_203 = arith.shrui %get3A_120, %shift_right_logical3A_202 : vector<16xi32>
      %shift_left3A_204 = arith.constant 3 : i32
      %shift_left3A_205 = vector.broadcast %shift_left3A_204 : i32 to vector<16xi32>
      %shift_left3A_206 = arith.shli %shift_right_logical3A_203, %shift_left3A_205 : vector<16xi32>
      %shift_left3A_207 = arith.shli %broadcast_in_dim3A_200, %shift_left3A_206 : vector<16xi32>
      %broadcast_in_dim3A_208 = arith.constant 1 : i32
      %broadcast_in_dim3A_209 = vector.broadcast %broadcast_in_dim3A_208 : i32 to vector<16xi32>
      %shift_right_logical3A_210 = arith.constant 8 : i32
      %shift_right_logical3A_211 = vector.broadcast %shift_right_logical3A_210 : i32 to vector<16xi32>
      %shift_right_logical3A_212 = arith.shrui %get3A_123, %shift_right_logical3A_211 : vector<16xi32>
      %shift_left3A_213 = arith.constant 3 : i32
      %shift_left3A_214 = vector.broadcast %shift_left3A_213 : i32 to vector<16xi32>
      %shift_left3A_215 = arith.shli %shift_right_logical3A_212, %shift_left3A_214 : vector<16xi32>
      %shift_left3A_216 = arith.shli %broadcast_in_dim3A_209, %shift_left3A_215 : vector<16xi32>
      %broadcast_in_dim3A_217 = arith.constant 1 : i32
      %broadcast_in_dim3A_218 = vector.broadcast %broadcast_in_dim3A_217 : i32 to vector<16xi32>
      %shift_right_logical3A_219 = arith.constant 8 : i32
      %shift_right_logical3A_220 = vector.broadcast %shift_right_logical3A_219 : i32 to vector<16xi32>
      %shift_right_logical3A_221 = arith.shrui %get3A_126, %shift_right_logical3A_220 : vector<16xi32>
      %shift_left3A_222 = arith.constant 3 : i32
      %shift_left3A_223 = vector.broadcast %shift_left3A_222 : i32 to vector<16xi32>
      %shift_left3A_224 = arith.shli %shift_right_logical3A_221, %shift_left3A_223 : vector<16xi32>
      %shift_left3A_225 = arith.shli %broadcast_in_dim3A_218, %shift_left3A_224 : vector<16xi32>
      %broadcast_in_dim3A_226 = arith.constant 1 : i32
      %broadcast_in_dim3A_227 = vector.broadcast %broadcast_in_dim3A_226 : i32 to vector<16xi32>
      %shift_right_logical3A_228 = arith.constant 8 : i32
      %shift_right_logical3A_229 = vector.broadcast %shift_right_logical3A_228 : i32 to vector<16xi32>
      %shift_right_logical3A_230 = arith.shrui %get3A_129, %shift_right_logical3A_229 : vector<16xi32>
      %shift_left3A_231 = arith.constant 3 : i32
      %shift_left3A_232 = vector.broadcast %shift_left3A_231 : i32 to vector<16xi32>
      %shift_left3A_233 = arith.shli %shift_right_logical3A_230, %shift_left3A_232 : vector<16xi32>
      %shift_left3A_234 = arith.shli %broadcast_in_dim3A_227, %shift_left3A_233 : vector<16xi32>
      %broadcast_in_dim3A_235 = arith.constant 1 : i32
      %broadcast_in_dim3A_236 = vector.broadcast %broadcast_in_dim3A_235 : i32 to vector<16xi32>
      %shift_right_logical3A_237 = arith.constant 8 : i32
      %shift_right_logical3A_238 = vector.broadcast %shift_right_logical3A_237 : i32 to vector<16xi32>
      %shift_right_logical3A_239 = arith.shrui %get3A_132, %shift_right_logical3A_238 : vector<16xi32>
      %shift_left3A_240 = arith.constant 3 : i32
      %shift_left3A_241 = vector.broadcast %shift_left3A_240 : i32 to vector<16xi32>
      %shift_left3A_242 = arith.shli %shift_right_logical3A_239, %shift_left3A_241 : vector<16xi32>
      %shift_left3A_243 = arith.shli %broadcast_in_dim3A_236, %shift_left3A_242 : vector<16xi32>
      %broadcast_in_dim3A_244 = arith.constant 1 : i32
      %broadcast_in_dim3A_245 = vector.broadcast %broadcast_in_dim3A_244 : i32 to vector<16xi32>
      %shift_right_logical3A_246 = arith.constant 8 : i32
      %shift_right_logical3A_247 = vector.broadcast %shift_right_logical3A_246 : i32 to vector<16xi32>
      %shift_right_logical3A_248 = arith.shrui %get3A_135, %shift_right_logical3A_247 : vector<16xi32>
      %shift_left3A_249 = arith.constant 3 : i32
      %shift_left3A_250 = vector.broadcast %shift_left3A_249 : i32 to vector<16xi32>
      %shift_left3A_251 = arith.shli %shift_right_logical3A_248, %shift_left3A_250 : vector<16xi32>
      %shift_left3A_252 = arith.shli %broadcast_in_dim3A_245, %shift_left3A_251 : vector<16xi32>
      %broadcast_in_dim3A_253 = arith.constant 1 : i32
      %broadcast_in_dim3A_254 = vector.broadcast %broadcast_in_dim3A_253 : i32 to vector<16xi32>
      %shift_right_logical3A_255 = arith.constant 8 : i32
      %shift_right_logical3A_256 = vector.broadcast %shift_right_logical3A_255 : i32 to vector<16xi32>
      %shift_right_logical3A_257 = arith.shrui %get3A_138, %shift_right_logical3A_256 : vector<16xi32>
      %shift_left3A_258 = arith.constant 3 : i32
      %shift_left3A_259 = vector.broadcast %shift_left3A_258 : i32 to vector<16xi32>
      %shift_left3A_260 = arith.shli %shift_right_logical3A_257, %shift_left3A_259 : vector<16xi32>
      %shift_left3A_261 = arith.shli %broadcast_in_dim3A_254, %shift_left3A_260 : vector<16xi32>
      %broadcast_in_dim3A_262 = arith.constant 1 : i32
      %broadcast_in_dim3A_263 = vector.broadcast %broadcast_in_dim3A_262 : i32 to vector<16xi32>
      %shift_right_logical3A_264 = arith.constant 8 : i32
      %shift_right_logical3A_265 = vector.broadcast %shift_right_logical3A_264 : i32 to vector<16xi32>
      %shift_right_logical3A_266 = arith.shrui %get3A_141, %shift_right_logical3A_265 : vector<16xi32>
      %shift_left3A_267 = arith.constant 3 : i32
      %shift_left3A_268 = vector.broadcast %shift_left3A_267 : i32 to vector<16xi32>
      %shift_left3A_269 = arith.shli %shift_right_logical3A_266, %shift_left3A_268 : vector<16xi32>
      %shift_left3A_270 = arith.shli %broadcast_in_dim3A_263, %shift_left3A_269 : vector<16xi32>
      %broadcast_in_dim3A_271 = arith.constant 1 : i32
      %broadcast_in_dim3A_272 = vector.broadcast %broadcast_in_dim3A_271 : i32 to vector<16xi32>
      %shift_right_logical3A_273 = arith.constant 8 : i32
      %shift_right_logical3A_274 = vector.broadcast %shift_right_logical3A_273 : i32 to vector<16xi32>
      %shift_right_logical3A_275 = arith.shrui %get3A_144, %shift_right_logical3A_274 : vector<16xi32>
      %shift_left3A_276 = arith.constant 3 : i32
      %shift_left3A_277 = vector.broadcast %shift_left3A_276 : i32 to vector<16xi32>
      %shift_left3A_278 = arith.shli %shift_right_logical3A_275, %shift_left3A_277 : vector<16xi32>
      %shift_left3A_279 = arith.shli %broadcast_in_dim3A_272, %shift_left3A_278 : vector<16xi32>
      %broadcast_in_dim3A_280 = arith.constant 1 : i32
      %broadcast_in_dim3A_281 = vector.broadcast %broadcast_in_dim3A_280 : i32 to vector<16xi32>
      %shift_right_logical3A_282 = arith.constant 8 : i32
      %shift_right_logical3A_283 = vector.broadcast %shift_right_logical3A_282 : i32 to vector<16xi32>
      %shift_right_logical3A_284 = arith.shrui %get3A_147, %shift_right_logical3A_283 : vector<16xi32>
      %shift_left3A_285 = arith.constant 3 : i32
      %shift_left3A_286 = vector.broadcast %shift_left3A_285 : i32 to vector<16xi32>
      %shift_left3A_287 = arith.shli %shift_right_logical3A_284, %shift_left3A_286 : vector<16xi32>
      %shift_left3A_288 = arith.shli %broadcast_in_dim3A_281, %shift_left3A_287 : vector<16xi32>
      %broadcast_in_dim3A_289 = arith.constant 1 : i32
      %broadcast_in_dim3A_290 = vector.broadcast %broadcast_in_dim3A_289 : i32 to vector<16xi32>
      %shift_right_logical3A_291 = arith.constant 8 : i32
      %shift_right_logical3A_292 = vector.broadcast %shift_right_logical3A_291 : i32 to vector<16xi32>
      %shift_right_logical3A_293 = arith.shrui %get3A_150, %shift_right_logical3A_292 : vector<16xi32>
      %shift_left3A_294 = arith.constant 3 : i32
      %shift_left3A_295 = vector.broadcast %shift_left3A_294 : i32 to vector<16xi32>
      %shift_left3A_296 = arith.shli %shift_right_logical3A_293, %shift_left3A_295 : vector<16xi32>
      %shift_left3A_297 = arith.shli %broadcast_in_dim3A_290, %shift_left3A_296 : vector<16xi32>
      %broadcast_in_dim3A_298 = arith.constant 1 : i32
      %broadcast_in_dim3A_299 = vector.broadcast %broadcast_in_dim3A_298 : i32 to vector<16xi32>
      %shift_right_logical3A_300 = arith.constant 8 : i32
      %shift_right_logical3A_301 = vector.broadcast %shift_right_logical3A_300 : i32 to vector<16xi32>
      %shift_right_logical3A_302 = arith.shrui %get3A_153, %shift_right_logical3A_301 : vector<16xi32>
      %shift_left3A_303 = arith.constant 3 : i32
      %shift_left3A_304 = vector.broadcast %shift_left3A_303 : i32 to vector<16xi32>
      %shift_left3A_305 = arith.shli %shift_right_logical3A_302, %shift_left3A_304 : vector<16xi32>
      %shift_left3A_306 = arith.shli %broadcast_in_dim3A_299, %shift_left3A_305 : vector<16xi32>
      tpu.vector_store_idx %arg6[%broadcast_in_dim3A_113, %and3A_155], %shift_left3A_198 {add = true} : memref<32x256xi32, #tpu.memory_space<vmem>>[vector<16xi32>, vector<16xi32>], vector<16xi32>,
      tpu.vector_store_idx %arg6[%broadcast_in_dim3A_113, %and3A_158], %shift_left3A_207 {add = true} : memref<32x256xi32, #tpu.memory_space<vmem>>[vector<16xi32>, vector<16xi32>], vector<16xi32>,
      tpu.vector_store_idx %arg6[%broadcast_in_dim3A_113, %and3A_161], %shift_left3A_216 {add = true} : memref<32x256xi32, #tpu.memory_space<vmem>>[vector<16xi32>, vector<16xi32>], vector<16xi32>,
      tpu.vector_store_idx %arg6[%broadcast_in_dim3A_113, %and3A_164], %shift_left3A_225 {add = true} : memref<32x256xi32, #tpu.memory_space<vmem>>[vector<16xi32>, vector<16xi32>], vector<16xi32>,
      tpu.vector_store_idx %arg6[%broadcast_in_dim3A_113, %and3A_167], %shift_left3A_234 {add = true} : memref<32x256xi32, #tpu.memory_space<vmem>>[vector<16xi32>, vector<16xi32>], vector<16xi32>,
      tpu.vector_store_idx %arg6[%broadcast_in_dim3A_113, %and3A_170], %shift_left3A_243 {add = true} : memref<32x256xi32, #tpu.memory_space<vmem>>[vector<16xi32>, vector<16xi32>], vector<16xi32>,
      tpu.vector_store_idx %arg6[%broadcast_in_dim3A_113, %and3A_173], %shift_left3A_252 {add = true} : memref<32x256xi32, #tpu.memory_space<vmem>>[vector<16xi32>, vector<16xi32>], vector<16xi32>,
      tpu.vector_store_idx %arg6[%broadcast_in_dim3A_113, %and3A_176], %shift_left3A_261 {add = true} : memref<32x256xi32, #tpu.memory_space<vmem>>[vector<16xi32>, vector<16xi32>], vector<16xi32>,
      tpu.vector_store_idx %arg6[%broadcast_in_dim3A_113, %and3A_179], %shift_left3A_270 {add = true} : memref<32x256xi32, #tpu.memory_space<vmem>>[vector<16xi32>, vector<16xi32>], vector<16xi32>,
      tpu.vector_store_idx %arg6[%broadcast_in_dim3A_113, %and3A_182], %shift_left3A_279 {add = true} : memref<32x256xi32, #tpu.memory_space<vmem>>[vector<16xi32>, vector<16xi32>], vector<16xi32>,
      tpu.vector_store_idx %arg6[%broadcast_in_dim3A_113, %and3A_185], %shift_left3A_288 {add = true} : memref<32x256xi32, #tpu.memory_space<vmem>>[vector<16xi32>, vector<16xi32>], vector<16xi32>,
      tpu.vector_store_idx %arg6[%broadcast_in_dim3A_113, %and3A_188], %shift_left3A_297 {add = true} : memref<32x256xi32, #tpu.memory_space<vmem>>[vector<16xi32>, vector<16xi32>], vector<16xi32>,
      tpu.vector_store_idx %arg6[%broadcast_in_dim3A_113, %and3A_191], %shift_left3A_306 masked %ge3A_8 {add = true} : memref<32x256xi32, #tpu.memory_space<vmem>>[vector<16xi32>, vector<16xi32>], vector<16xi32>, vector<16xi1>
      %mul3A_307 = arith.constant 2 : i32
      %mul3A_308 = arith.muli %scan3A_107, %mul3A_307 : i32
      %add3A_309 = arith.constant 1 : i32
      %add3A_310 = arith.addi %mul3A_308, %add3A_309 : i32
      %broadcast_in_dim3A_311 = vector.broadcast %add3A_310 : i32 to vector<16xi32>
      %add3A_312 = arith.constant 32 : i32
      %add3A_313 = arith.addi %add3A_312, %add3A_310 : i32
      %get3A_314 = arith.index_cast %add3A_313 : i32 to index
      %get3A_315 = arith.constant 0 : index
      %get3A_316 = tpu.vector_load %arg4[%get3A_314, %get3A_315] {strides = array<i32>} : memref<128x200xi32, #tpu.memory_space<vmem>>, vector<16xi32>,
      %get3A_317 = arith.index_cast %add3A_313 : i32 to index
      %get3A_318 = arith.constant 16 : index
      %get3A_319 = tpu.vector_load %arg4[%get3A_317, %get3A_318] {strides = array<i32>} : memref<128x200xi32, #tpu.memory_space<vmem>>, vector<16xi32>,
      %get3A_320 = arith.index_cast %add3A_313 : i32 to index
      %get3A_321 = arith.constant 32 : index
      %get3A_322 = tpu.vector_load %arg4[%get3A_320, %get3A_321] {strides = array<i32>} : memref<128x200xi32, #tpu.memory_space<vmem>>, vector<16xi32>,
      %get3A_323 = arith.index_cast %add3A_313 : i32 to index
      %get3A_324 = arith.constant 48 : index
      %get3A_325 = tpu.vector_load %arg4[%get3A_323, %get3A_324] {strides = array<i32>} : memref<128x200xi32, #tpu.memory_space<vmem>>, vector<16xi32>,
      %get3A_326 = arith.index_cast %add3A_313 : i32 to index
      %get3A_327 = arith.constant 64 : index
      %get3A_328 = tpu.vector_load %arg4[%get3A_326, %get3A_327] {strides = array<i32>} : memref<128x200xi32, #tpu.memory_space<vmem>>, vector<16xi32>,
      %get3A_329 = arith.index_cast %add3A_313 : i32 to index
      %get3A_330 = arith.constant 80 : index
      %get3A_331 = tpu.vector_load %arg4[%get3A_329, %get3A_330] {strides = array<i32>} : memref<128x200xi32, #tpu.memory_space<vmem>>, vector<16xi32>,
      %get3A_332 = arith.index_cast %add3A_313 : i32 to index
      %get3A_333 = arith.constant 96 : index
      %get3A_334 = tpu.vector_load %arg4[%get3A_332, %get3A_333] {strides = array<i32>} : memref<128x200xi32, #tpu.memory_space<vmem>>, vector<16xi32>,
      %get3A_335 = arith.index_cast %add3A_313 : i32 to index
      %get3A_336 = arith.constant 112 : index
      %get3A_337 = tpu.vector_load %arg4[%get3A_335, %get3A_336] {strides = array<i32>} : memref<128x200xi32, #tpu.memory_space<vmem>>, vector<16xi32>,
      %get3A_338 = arith.index_cast %add3A_313 : i32 to index
      %get3A_339 = arith.constant 128 : index
      %get3A_340 = tpu.vector_load %arg4[%get3A_338, %get3A_339] {strides = array<i32>} : memref<128x200xi32, #tpu.memory_space<vmem>>, vector<16xi32>,
      %get3A_341 = arith.index_cast %add3A_313 : i32 to index
      %get3A_342 = arith.constant 144 : index
      %get3A_343 = tpu.vector_load %arg4[%get3A_341, %get3A_342] {strides = array<i32>} : memref<128x200xi32, #tpu.memory_space<vmem>>, vector<16xi32>,
      %get3A_344 = arith.index_cast %add3A_313 : i32 to index
      %get3A_345 = arith.constant 160 : index
      %get3A_346 = tpu.vector_load %arg4[%get3A_344, %get3A_345] {strides = array<i32>} : memref<128x200xi32, #tpu.memory_space<vmem>>, vector<16xi32>,
      %get3A_347 = arith.index_cast %add3A_313 : i32 to index
      %get3A_348 = arith.constant 176 : index
      %get3A_349 = tpu.vector_load %arg4[%get3A_347, %get3A_348] {strides = array<i32>} : memref<128x200xi32, #tpu.memory_space<vmem>>, vector<16xi32>,
      %get3A_350 = arith.index_cast %add3A_313 : i32 to index
      %get3A_351 = arith.constant 184 : index
      %get3A_352 = tpu.vector_load %arg4[%get3A_350, %get3A_351] {strides = array<i32>} : memref<128x200xi32, #tpu.memory_space<vmem>>, vector<16xi32>,
      %and3A_353 = arith.constant 255 : i32
      %and3A_354 = vector.broadcast %and3A_353 : i32 to vector<16xi32>
      %and3A_355 = arith.andi %get3A_316, %and3A_354 : vector<16xi32>
      %and3A_356 = arith.constant 255 : i32
      %and3A_357 = vector.broadcast %and3A_356 : i32 to vector<16xi32>
      %and3A_358 = arith.andi %get3A_319, %and3A_357 : vector<16xi32>
      %and3A_359 = arith.constant 255 : i32
      %and3A_360 = vector.broadcast %and3A_359 : i32 to vector<16xi32>
      %and3A_361 = arith.andi %get3A_322, %and3A_360 : vector<16xi32>
      %and3A_362 = arith.constant 255 : i32
      %and3A_363 = vector.broadcast %and3A_362 : i32 to vector<16xi32>
      %and3A_364 = arith.andi %get3A_325, %and3A_363 : vector<16xi32>
      %and3A_365 = arith.constant 255 : i32
      %and3A_366 = vector.broadcast %and3A_365 : i32 to vector<16xi32>
      %and3A_367 = arith.andi %get3A_328, %and3A_366 : vector<16xi32>
      %and3A_368 = arith.constant 255 : i32
      %and3A_369 = vector.broadcast %and3A_368 : i32 to vector<16xi32>
      %and3A_370 = arith.andi %get3A_331, %and3A_369 : vector<16xi32>
      %and3A_371 = arith.constant 255 : i32
      %and3A_372 = vector.broadcast %and3A_371 : i32 to vector<16xi32>
      %and3A_373 = arith.andi %get3A_334, %and3A_372 : vector<16xi32>
      %and3A_374 = arith.constant 255 : i32
      %and3A_375 = vector.broadcast %and3A_374 : i32 to vector<16xi32>
      %and3A_376 = arith.andi %get3A_337, %and3A_375 : vector<16xi32>
      %and3A_377 = arith.constant 255 : i32
      %and3A_378 = vector.broadcast %and3A_377 : i32 to vector<16xi32>
      %and3A_379 = arith.andi %get3A_340, %and3A_378 : vector<16xi32>
      %and3A_380 = arith.constant 255 : i32
      %and3A_381 = vector.broadcast %and3A_380 : i32 to vector<16xi32>
      %and3A_382 = arith.andi %get3A_343, %and3A_381 : vector<16xi32>
      %and3A_383 = arith.constant 255 : i32
      %and3A_384 = vector.broadcast %and3A_383 : i32 to vector<16xi32>
      %and3A_385 = arith.andi %get3A_346, %and3A_384 : vector<16xi32>
      %and3A_386 = arith.constant 255 : i32
      %and3A_387 = vector.broadcast %and3A_386 : i32 to vector<16xi32>
      %and3A_388 = arith.andi %get3A_349, %and3A_387 : vector<16xi32>
      %and3A_389 = arith.constant 255 : i32
      %and3A_390 = vector.broadcast %and3A_389 : i32 to vector<16xi32>
      %and3A_391 = arith.andi %get3A_352, %and3A_390 : vector<16xi32>
      %broadcast_in_dim3A_392 = arith.constant 1 : i32
      %broadcast_in_dim3A_393 = vector.broadcast %broadcast_in_dim3A_392 : i32 to vector<16xi32>
      %shift_right_logical3A_394 = arith.constant 8 : i32
      %shift_right_logical3A_395 = vector.broadcast %shift_right_logical3A_394 : i32 to vector<16xi32>
      %shift_right_logical3A_396 = arith.shrui %get3A_316, %shift_right_logical3A_395 : vector<16xi32>
      %shift_left3A_397 = arith.constant 3 : i32
      %shift_left3A_398 = vector.broadcast %shift_left3A_397 : i32 to vector<16xi32>
      %shift_left3A_399 = arith.shli %shift_right_logical3A_396, %shift_left3A_398 : vector<16xi32>
      %shift_left3A_400 = arith.shli %broadcast_in_dim3A_393, %shift_left3A_399 : vector<16xi32>
      %broadcast_in_dim3A_401 = arith.constant 1 : i32
      %broadcast_in_dim3A_402 = vector.broadcast %broadcast_in_dim3A_401 : i32 to vector<16xi32>
      %shift_right_logical3A_403 = arith.constant 8 : i32
      %shift_right_logical3A_404 = vector.broadcast %shift_right_logical3A_403 : i32 to vector<16xi32>
      %shift_right_logical3A_405 = arith.shrui %get3A_319, %shift_right_logical3A_404 : vector<16xi32>
      %shift_left3A_406 = arith.constant 3 : i32
      %shift_left3A_407 = vector.broadcast %shift_left3A_406 : i32 to vector<16xi32>
      %shift_left3A_408 = arith.shli %shift_right_logical3A_405, %shift_left3A_407 : vector<16xi32>
      %shift_left3A_409 = arith.shli %broadcast_in_dim3A_402, %shift_left3A_408 : vector<16xi32>
      %broadcast_in_dim3A_410 = arith.constant 1 : i32
      %broadcast_in_dim3A_411 = vector.broadcast %broadcast_in_dim3A_410 : i32 to vector<16xi32>
      %shift_right_logical3A_412 = arith.constant 8 : i32
      %shift_right_logical3A_413 = vector.broadcast %shift_right_logical3A_412 : i32 to vector<16xi32>
      %shift_right_logical3A_414 = arith.shrui %get3A_322, %shift_right_logical3A_413 : vector<16xi32>
      %shift_left3A_415 = arith.constant 3 : i32
      %shift_left3A_416 = vector.broadcast %shift_left3A_415 : i32 to vector<16xi32>
      %shift_left3A_417 = arith.shli %shift_right_logical3A_414, %shift_left3A_416 : vector<16xi32>
      %shift_left3A_418 = arith.shli %broadcast_in_dim3A_411, %shift_left3A_417 : vector<16xi32>
      %broadcast_in_dim3A_419 = arith.constant 1 : i32
      %broadcast_in_dim3A_420 = vector.broadcast %broadcast_in_dim3A_419 : i32 to vector<16xi32>
      %shift_right_logical3A_421 = arith.constant 8 : i32
      %shift_right_logical3A_422 = vector.broadcast %shift_right_logical3A_421 : i32 to vector<16xi32>
      %shift_right_logical3A_423 = arith.shrui %get3A_325, %shift_right_logical3A_422 : vector<16xi32>
      %shift_left3A_424 = arith.constant 3 : i32
      %shift_left3A_425 = vector.broadcast %shift_left3A_424 : i32 to vector<16xi32>
      %shift_left3A_426 = arith.shli %shift_right_logical3A_423, %shift_left3A_425 : vector<16xi32>
      %shift_left3A_427 = arith.shli %broadcast_in_dim3A_420, %shift_left3A_426 : vector<16xi32>
      %broadcast_in_dim3A_428 = arith.constant 1 : i32
      %broadcast_in_dim3A_429 = vector.broadcast %broadcast_in_dim3A_428 : i32 to vector<16xi32>
      %shift_right_logical3A_430 = arith.constant 8 : i32
      %shift_right_logical3A_431 = vector.broadcast %shift_right_logical3A_430 : i32 to vector<16xi32>
      %shift_right_logical3A_432 = arith.shrui %get3A_328, %shift_right_logical3A_431 : vector<16xi32>
      %shift_left3A_433 = arith.constant 3 : i32
      %shift_left3A_434 = vector.broadcast %shift_left3A_433 : i32 to vector<16xi32>
      %shift_left3A_435 = arith.shli %shift_right_logical3A_432, %shift_left3A_434 : vector<16xi32>
      %shift_left3A_436 = arith.shli %broadcast_in_dim3A_429, %shift_left3A_435 : vector<16xi32>
      %broadcast_in_dim3A_437 = arith.constant 1 : i32
      %broadcast_in_dim3A_438 = vector.broadcast %broadcast_in_dim3A_437 : i32 to vector<16xi32>
      %shift_right_logical3A_439 = arith.constant 8 : i32
      %shift_right_logical3A_440 = vector.broadcast %shift_right_logical3A_439 : i32 to vector<16xi32>
      %shift_right_logical3A_441 = arith.shrui %get3A_331, %shift_right_logical3A_440 : vector<16xi32>
      %shift_left3A_442 = arith.constant 3 : i32
      %shift_left3A_443 = vector.broadcast %shift_left3A_442 : i32 to vector<16xi32>
      %shift_left3A_444 = arith.shli %shift_right_logical3A_441, %shift_left3A_443 : vector<16xi32>
      %shift_left3A_445 = arith.shli %broadcast_in_dim3A_438, %shift_left3A_444 : vector<16xi32>
      %broadcast_in_dim3A_446 = arith.constant 1 : i32
      %broadcast_in_dim3A_447 = vector.broadcast %broadcast_in_dim3A_446 : i32 to vector<16xi32>
      %shift_right_logical3A_448 = arith.constant 8 : i32
      %shift_right_logical3A_449 = vector.broadcast %shift_right_logical3A_448 : i32 to vector<16xi32>
      %shift_right_logical3A_450 = arith.shrui %get3A_334, %shift_right_logical3A_449 : vector<16xi32>
      %shift_left3A_451 = arith.constant 3 : i32
      %shift_left3A_452 = vector.broadcast %shift_left3A_451 : i32 to vector<16xi32>
      %shift_left3A_453 = arith.shli %shift_right_logical3A_450, %shift_left3A_452 : vector<16xi32>
      %shift_left3A_454 = arith.shli %broadcast_in_dim3A_447, %shift_left3A_453 : vector<16xi32>
      %broadcast_in_dim3A_455 = arith.constant 1 : i32
      %broadcast_in_dim3A_456 = vector.broadcast %broadcast_in_dim3A_455 : i32 to vector<16xi32>
      %shift_right_logical3A_457 = arith.constant 8 : i32
      %shift_right_logical3A_458 = vector.broadcast %shift_right_logical3A_457 : i32 to vector<16xi32>
      %shift_right_logical3A_459 = arith.shrui %get3A_337, %shift_right_logical3A_458 : vector<16xi32>
      %shift_left3A_460 = arith.constant 3 : i32
      %shift_left3A_461 = vector.broadcast %shift_left3A_460 : i32 to vector<16xi32>
      %shift_left3A_462 = arith.shli %shift_right_logical3A_459, %shift_left3A_461 : vector<16xi32>
      %shift_left3A_463 = arith.shli %broadcast_in_dim3A_456, %shift_left3A_462 : vector<16xi32>
      %broadcast_in_dim3A_464 = arith.constant 1 : i32
      %broadcast_in_dim3A_465 = vector.broadcast %broadcast_in_dim3A_464 : i32 to vector<16xi32>
      %shift_right_logical3A_466 = arith.constant 8 : i32
      %shift_right_logical3A_467 = vector.broadcast %shift_right_logical3A_466 : i32 to vector<16xi32>
      %shift_right_logical3A_468 = arith.shrui %get3A_340, %shift_right_logical3A_467 : vector<16xi32>
      %shift_left3A_469 = arith.constant 3 : i32
      %shift_left3A_470 = vector.broadcast %shift_left3A_469 : i32 to vector<16xi32>
      %shift_left3A_471 = arith.shli %shift_right_logical3A_468, %shift_left3A_470 : vector<16xi32>
      %shift_left3A_472 = arith.shli %broadcast_in_dim3A_465, %shift_left3A_471 : vector<16xi32>
      %broadcast_in_dim3A_473 = arith.constant 1 : i32
      %broadcast_in_dim3A_474 = vector.broadcast %broadcast_in_dim3A_473 : i32 to vector<16xi32>
      %shift_right_logical3A_475 = arith.constant 8 : i32
      %shift_right_logical3A_476 = vector.broadcast %shift_right_logical3A_475 : i32 to vector<16xi32>
      %shift_right_logical3A_477 = arith.shrui %get3A_343, %shift_right_logical3A_476 : vector<16xi32>
      %shift_left3A_478 = arith.constant 3 : i32
      %shift_left3A_479 = vector.broadcast %shift_left3A_478 : i32 to vector<16xi32>
      %shift_left3A_480 = arith.shli %shift_right_logical3A_477, %shift_left3A_479 : vector<16xi32>
      %shift_left3A_481 = arith.shli %broadcast_in_dim3A_474, %shift_left3A_480 : vector<16xi32>
      %broadcast_in_dim3A_482 = arith.constant 1 : i32
      %broadcast_in_dim3A_483 = vector.broadcast %broadcast_in_dim3A_482 : i32 to vector<16xi32>
      %shift_right_logical3A_484 = arith.constant 8 : i32
      %shift_right_logical3A_485 = vector.broadcast %shift_right_logical3A_484 : i32 to vector<16xi32>
      %shift_right_logical3A_486 = arith.shrui %get3A_346, %shift_right_logical3A_485 : vector<16xi32>
      %shift_left3A_487 = arith.constant 3 : i32
      %shift_left3A_488 = vector.broadcast %shift_left3A_487 : i32 to vector<16xi32>
      %shift_left3A_489 = arith.shli %shift_right_logical3A_486, %shift_left3A_488 : vector<16xi32>
      %shift_left3A_490 = arith.shli %broadcast_in_dim3A_483, %shift_left3A_489 : vector<16xi32>
      %broadcast_in_dim3A_491 = arith.constant 1 : i32
      %broadcast_in_dim3A_492 = vector.broadcast %broadcast_in_dim3A_491 : i32 to vector<16xi32>
      %shift_right_logical3A_493 = arith.constant 8 : i32
      %shift_right_logical3A_494 = vector.broadcast %shift_right_logical3A_493 : i32 to vector<16xi32>
      %shift_right_logical3A_495 = arith.shrui %get3A_349, %shift_right_logical3A_494 : vector<16xi32>
      %shift_left3A_496 = arith.constant 3 : i32
      %shift_left3A_497 = vector.broadcast %shift_left3A_496 : i32 to vector<16xi32>
      %shift_left3A_498 = arith.shli %shift_right_logical3A_495, %shift_left3A_497 : vector<16xi32>
      %shift_left3A_499 = arith.shli %broadcast_in_dim3A_492, %shift_left3A_498 : vector<16xi32>
      %broadcast_in_dim3A_500 = arith.constant 1 : i32
      %broadcast_in_dim3A_501 = vector.broadcast %broadcast_in_dim3A_500 : i32 to vector<16xi32>
      %shift_right_logical3A_502 = arith.constant 8 : i32
      %shift_right_logical3A_503 = vector.broadcast %shift_right_logical3A_502 : i32 to vector<16xi32>
      %shift_right_logical3A_504 = arith.shrui %get3A_352, %shift_right_logical3A_503 : vector<16xi32>
      %shift_left3A_505 = arith.constant 3 : i32
      %shift_left3A_506 = vector.broadcast %shift_left3A_505 : i32 to vector<16xi32>
      %shift_left3A_507 = arith.shli %shift_right_logical3A_504, %shift_left3A_506 : vector<16xi32>
      %shift_left3A_508 = arith.shli %broadcast_in_dim3A_501, %shift_left3A_507 : vector<16xi32>
      tpu.vector_store_idx %arg6[%broadcast_in_dim3A_311, %and3A_355], %shift_left3A_400 {add = true} : memref<32x256xi32, #tpu.memory_space<vmem>>[vector<16xi32>, vector<16xi32>], vector<16xi32>,
      tpu.vector_store_idx %arg6[%broadcast_in_dim3A_311, %and3A_358], %shift_left3A_409 {add = true} : memref<32x256xi32, #tpu.memory_space<vmem>>[vector<16xi32>, vector<16xi32>], vector<16xi32>,
      tpu.vector_store_idx %arg6[%broadcast_in_dim3A_311, %and3A_361], %shift_left3A_418 {add = true} : memref<32x256xi32, #tpu.memory_space<vmem>>[vector<16xi32>, vector<16xi32>], vector<16xi32>,
      tpu.vector_store_idx %arg6[%broadcast_in_dim3A_311, %and3A_364], %shift_left3A_427 {add = true} : memref<32x256xi32, #tpu.memory_space<vmem>>[vector<16xi32>, vector<16xi32>], vector<16xi32>,
      tpu.vector_store_idx %arg6[%broadcast_in_dim3A_311, %and3A_367], %shift_left3A_436 {add = true} : memref<32x256xi32, #tpu.memory_space<vmem>>[vector<16xi32>, vector<16xi32>], vector<16xi32>,
      tpu.vector_store_idx %arg6[%broadcast_in_dim3A_311, %and3A_370], %shift_left3A_445 {add = true} : memref<32x256xi32, #tpu.memory_space<vmem>>[vector<16xi32>, vector<16xi32>], vector<16xi32>,
      tpu.vector_store_idx %arg6[%broadcast_in_dim3A_311, %and3A_373], %shift_left3A_454 {add = true} : memref<32x256xi32, #tpu.memory_space<vmem>>[vector<16xi32>, vector<16xi32>], vector<16xi32>,
      tpu.vector_store_idx %arg6[%broadcast_in_dim3A_311, %and3A_376], %shift_left3A_463 {add = true} : memref<32x256xi32, #tpu.memory_space<vmem>>[vector<16xi32>, vector<16xi32>], vector<16xi32>,
      tpu.vector_store_idx %arg6[%broadcast_in_dim3A_311, %and3A_379], %shift_left3A_472 {add = true} : memref<32x256xi32, #tpu.memory_space<vmem>>[vector<16xi32>, vector<16xi32>], vector<16xi32>,
      tpu.vector_store_idx %arg6[%broadcast_in_dim3A_311, %and3A_382], %shift_left3A_481 {add = true} : memref<32x256xi32, #tpu.memory_space<vmem>>[vector<16xi32>, vector<16xi32>], vector<16xi32>,
      tpu.vector_store_idx %arg6[%broadcast_in_dim3A_311, %and3A_385], %shift_left3A_490 {add = true} : memref<32x256xi32, #tpu.memory_space<vmem>>[vector<16xi32>, vector<16xi32>], vector<16xi32>,
      tpu.vector_store_idx %arg6[%broadcast_in_dim3A_311, %and3A_388], %shift_left3A_499 {add = true} : memref<32x256xi32, #tpu.memory_space<vmem>>[vector<16xi32>, vector<16xi32>], vector<16xi32>,
      tpu.vector_store_idx %arg6[%broadcast_in_dim3A_311, %and3A_391], %shift_left3A_508 masked %ge3A_8 {add = true} : memref<32x256xi32, #tpu.memory_space<vmem>>[vector<16xi32>, vector<16xi32>], vector<16xi32>, vector<16xi1>
      %scan3A_509 = arith.constant 0 : i32
      scf.yield %scan3A_509 : i32
    }
    %scan3A_44 = arith.constant 16 : i32
    %add3A_45 = arith.constant 32 : i32
    %add3A_46 = arith.addi %mul3A_2, %add3A_45 : i32
    %dma_start3A_47 = arith.constant 0 : i32
    %dma_start3A_48 = tpu.memref_slice %arg3[%add3A_46, %dma_start3A_47] : memref<4096x256xi32, #tpu.memory_space<hbm>> -> memref<32x256xi32, #tpu.memory_space<hbm>>
    %dma_start3A_49 = arith.constant 0 : i32
    %dma_start3A_50 = tpu.memref_slice %arg3[%add3A_46, %dma_start3A_49] : memref<4096x256xi32, #tpu.memory_space<hbm>> -> memref<32x256xi32, #tpu.memory_space<hbm>>
    tpu.enqueue_dma source(%arg6 : memref<32x256xi32, #tpu.memory_space<vmem>>) target(%dma_start3A_50 : memref<32x256xi32, #tpu.memory_space<hbm>>) target_semaphore(%arg9 : memref<!tpu.dma_semaphore, #tpu.memory_space<semaphore_mem>>)
    %dma_wait3A_51 = arith.constant 0 : i32
    %dma_wait3A_52 = tpu.memref_slice %arg3[%add3A_26, %dma_wait3A_51] : memref<4096x256xi32, #tpu.memory_space<hbm>> -> memref<32x256xi32, #tpu.memory_space<hbm>>
    %dma_wait3A_53 = arith.constant 0 : i32
    %dma_wait3A_54 = tpu.memref_slice %arg3[%add3A_26, %dma_wait3A_53] : memref<4096x256xi32, #tpu.memory_space<hbm>> -> memref<32x256xi32, #tpu.memory_space<hbm>>
    tpu.wait_dma2 semaphore(%arg8 : memref<!tpu.dma_semaphore, #tpu.memory_space<semaphore_mem>>) src(%arg5 : memref<32x256xi32, #tpu.memory_space<vmem>>) dst(%dma_wait3A_54 : memref<32x256xi32, #tpu.memory_space<hbm>>)
    %scan3A_55 = arith.constant 0 : i32
    %scan3A_56 = arith.constant 0 : i32
    %scan3A_57 = arith.constant 32 : i32
    %scan3A_58 = arith.addi %scan3A_56, %scan3A_57 : i32
    %scan3A_59 = arith.constant 1 : i32
    %scan3A_60 = scf.for %scan3A_107 = %scan3A_56 to %scan3A_58 step %scan3A_59 iter_args(%scan3A_108 = %scan3A_55) -> (i32)  : i32 {
      %swap3A = arith.index_cast %scan3A_107 : i32 to index
      %swap3A_109 = arith.constant 0 : index
      %swap3A_110 = tpu.vector_load %arg5[%swap3A, %swap3A_109] {strides = array<i32>} : memref<32x256xi32, #tpu.memory_space<vmem>>, vector<16xi32>,
      tpu.vector_store %arg5[%swap3A, %swap3A_109], %broadcast_in_dim3A_6 {strides = array<i32>} : memref<32x256xi32, #tpu.memory_space<vmem>>, vector<16xi32>,
      %swap3A_111 = arith.index_cast %scan3A_107 : i32 to index
      %swap3A_112 = arith.constant 16 : index
      %swap3A_113 = tpu.vector_load %arg5[%swap3A_111, %swap3A_112] {strides = array<i32>} : memref<32x256xi32, #tpu.memory_space<vmem>>, vector<16xi32>,
      tpu.vector_store %arg5[%swap3A_111, %swap3A_112], %broadcast_in_dim3A_6 {strides = array<i32>} : memref<32x256xi32, #tpu.memory_space<vmem>>, vector<16xi32>,
      %swap3A_114 = arith.index_cast %scan3A_107 : i32 to index
      %swap3A_115 = arith.constant 32 : index
      %swap3A_116 = tpu.vector_load %arg5[%swap3A_114, %swap3A_115] {strides = array<i32>} : memref<32x256xi32, #tpu.memory_space<vmem>>, vector<16xi32>,
      tpu.vector_store %arg5[%swap3A_114, %swap3A_115], %broadcast_in_dim3A_6 {strides = array<i32>} : memref<32x256xi32, #tpu.memory_space<vmem>>, vector<16xi32>,
      %swap3A_117 = arith.index_cast %scan3A_107 : i32 to index
      %swap3A_118 = arith.constant 48 : index
      %swap3A_119 = tpu.vector_load %arg5[%swap3A_117, %swap3A_118] {strides = array<i32>} : memref<32x256xi32, #tpu.memory_space<vmem>>, vector<16xi32>,
      tpu.vector_store %arg5[%swap3A_117, %swap3A_118], %broadcast_in_dim3A_6 {strides = array<i32>} : memref<32x256xi32, #tpu.memory_space<vmem>>, vector<16xi32>,
      %swap3A_120 = arith.index_cast %scan3A_107 : i32 to index
      %swap3A_121 = arith.constant 64 : index
      %swap3A_122 = tpu.vector_load %arg5[%swap3A_120, %swap3A_121] {strides = array<i32>} : memref<32x256xi32, #tpu.memory_space<vmem>>, vector<16xi32>,
      tpu.vector_store %arg5[%swap3A_120, %swap3A_121], %broadcast_in_dim3A_6 {strides = array<i32>} : memref<32x256xi32, #tpu.memory_space<vmem>>, vector<16xi32>,
      %swap3A_123 = arith.index_cast %scan3A_107 : i32 to index
      %swap3A_124 = arith.constant 80 : index
      %swap3A_125 = tpu.vector_load %arg5[%swap3A_123, %swap3A_124] {strides = array<i32>} : memref<32x256xi32, #tpu.memory_space<vmem>>, vector<16xi32>,
      tpu.vector_store %arg5[%swap3A_123, %swap3A_124], %broadcast_in_dim3A_6 {strides = array<i32>} : memref<32x256xi32, #tpu.memory_space<vmem>>, vector<16xi32>,
      %swap3A_126 = arith.index_cast %scan3A_107 : i32 to index
      %swap3A_127 = arith.constant 96 : index
      %swap3A_128 = tpu.vector_load %arg5[%swap3A_126, %swap3A_127] {strides = array<i32>} : memref<32x256xi32, #tpu.memory_space<vmem>>, vector<16xi32>,
      tpu.vector_store %arg5[%swap3A_126, %swap3A_127], %broadcast_in_dim3A_6 {strides = array<i32>} : memref<32x256xi32, #tpu.memory_space<vmem>>, vector<16xi32>,
      %swap3A_129 = arith.index_cast %scan3A_107 : i32 to index
      %swap3A_130 = arith.constant 112 : index
      %swap3A_131 = tpu.vector_load %arg5[%swap3A_129, %swap3A_130] {strides = array<i32>} : memref<32x256xi32, #tpu.memory_space<vmem>>, vector<16xi32>,
      tpu.vector_store %arg5[%swap3A_129, %swap3A_130], %broadcast_in_dim3A_6 {strides = array<i32>} : memref<32x256xi32, #tpu.memory_space<vmem>>, vector<16xi32>,
      %swap3A_132 = arith.index_cast %scan3A_107 : i32 to index
      %swap3A_133 = arith.constant 128 : index
      %swap3A_134 = tpu.vector_load %arg5[%swap3A_132, %swap3A_133] {strides = array<i32>} : memref<32x256xi32, #tpu.memory_space<vmem>>, vector<16xi32>,
      tpu.vector_store %arg5[%swap3A_132, %swap3A_133], %broadcast_in_dim3A_6 {strides = array<i32>} : memref<32x256xi32, #tpu.memory_space<vmem>>, vector<16xi32>,
      %swap3A_135 = arith.index_cast %scan3A_107 : i32 to index
      %swap3A_136 = arith.constant 144 : index
      %swap3A_137 = tpu.vector_load %arg5[%swap3A_135, %swap3A_136] {strides = array<i32>} : memref<32x256xi32, #tpu.memory_space<vmem>>, vector<16xi32>,
      tpu.vector_store %arg5[%swap3A_135, %swap3A_136], %broadcast_in_dim3A_6 {strides = array<i32>} : memref<32x256xi32, #tpu.memory_space<vmem>>, vector<16xi32>,
      %swap3A_138 = arith.index_cast %scan3A_107 : i32 to index
      %swap3A_139 = arith.constant 160 : index
      %swap3A_140 = tpu.vector_load %arg5[%swap3A_138, %swap3A_139] {strides = array<i32>} : memref<32x256xi32, #tpu.memory_space<vmem>>, vector<16xi32>,
      tpu.vector_store %arg5[%swap3A_138, %swap3A_139], %broadcast_in_dim3A_6 {strides = array<i32>} : memref<32x256xi32, #tpu.memory_space<vmem>>, vector<16xi32>,
      %swap3A_141 = arith.index_cast %scan3A_107 : i32 to index
      %swap3A_142 = arith.constant 176 : index
      %swap3A_143 = tpu.vector_load %arg5[%swap3A_141, %swap3A_142] {strides = array<i32>} : memref<32x256xi32, #tpu.memory_space<vmem>>, vector<16xi32>,
      tpu.vector_store %arg5[%swap3A_141, %swap3A_142], %broadcast_in_dim3A_6 {strides = array<i32>} : memref<32x256xi32, #tpu.memory_space<vmem>>, vector<16xi32>,
      %swap3A_144 = arith.index_cast %scan3A_107 : i32 to index
      %swap3A_145 = arith.constant 192 : index
      %swap3A_146 = tpu.vector_load %arg5[%swap3A_144, %swap3A_145] {strides = array<i32>} : memref<32x256xi32, #tpu.memory_space<vmem>>, vector<16xi32>,
      tpu.vector_store %arg5[%swap3A_144, %swap3A_145], %broadcast_in_dim3A_6 {strides = array<i32>} : memref<32x256xi32, #tpu.memory_space<vmem>>, vector<16xi32>,
      %swap3A_147 = arith.index_cast %scan3A_107 : i32 to index
      %swap3A_148 = arith.constant 208 : index
      %swap3A_149 = tpu.vector_load %arg5[%swap3A_147, %swap3A_148] {strides = array<i32>} : memref<32x256xi32, #tpu.memory_space<vmem>>, vector<16xi32>,
      tpu.vector_store %arg5[%swap3A_147, %swap3A_148], %broadcast_in_dim3A_6 {strides = array<i32>} : memref<32x256xi32, #tpu.memory_space<vmem>>, vector<16xi32>,
      %swap3A_150 = arith.index_cast %scan3A_107 : i32 to index
      %swap3A_151 = arith.constant 224 : index
      %swap3A_152 = tpu.vector_load %arg5[%swap3A_150, %swap3A_151] {strides = array<i32>} : memref<32x256xi32, #tpu.memory_space<vmem>>, vector<16xi32>,
      tpu.vector_store %arg5[%swap3A_150, %swap3A_151], %broadcast_in_dim3A_6 {strides = array<i32>} : memref<32x256xi32, #tpu.memory_space<vmem>>, vector<16xi32>,
      %swap3A_153 = arith.index_cast %scan3A_107 : i32 to index
      %swap3A_154 = arith.constant 240 : index
      %swap3A_155 = tpu.vector_load %arg5[%swap3A_153, %swap3A_154] {strides = array<i32>} : memref<32x256xi32, #tpu.memory_space<vmem>>, vector<16xi32>,
      tpu.vector_store %arg5[%swap3A_153, %swap3A_154], %broadcast_in_dim3A_6 {strides = array<i32>} : memref<32x256xi32, #tpu.memory_space<vmem>>, vector<16xi32>,
      %scan3A_156 = arith.constant 0 : i32
      scf.yield %scan3A_156 : i32
    }
    %scan3A_61 = arith.constant 32 : i32
    %scan3A_62 = arith.constant 0 : i32
    %scan3A_63 = arith.constant 0 : i32
    %scan3A_64 = arith.constant 16 : i32
    %scan3A_65 = arith.addi %scan3A_63, %scan3A_64 : i32
    %scan3A_66 = arith.constant 1 : i32
    %scan3A_67 = scf.for %scan3A_107 = %scan3A_63 to %scan3A_65 step %scan3A_66 iter_args(%scan3A_108 = %scan3A_62) -> (i32)  : i32 {
      %mul3A_109 = arith.constant 2 : i32
      %mul3A_110 = arith.muli %scan3A_107, %mul3A_109 : i32
      %add3A_111 = arith.constant 0 : i32
      %add3A_112 = arith.addi %mul3A_110, %add3A_111 : i32
      %broadcast_in_dim3A_113 = vector.broadcast %add3A_112 : i32 to vector<16xi32>
      %add3A_114 = arith.constant 64 : i32
      %add3A_115 = arith.addi %add3A_114, %add3A_112 : i32
      %get3A = arith.index_cast %add3A_115 : i32 to index
      %get3A_116 = arith.constant 0 : index
      %get3A_117 = tpu.vector_load %arg4[%get3A, %get3A_116] {strides = array<i32>} : memref<128x200xi32, #tpu.memory_space<vmem>>, vector<16xi32>,
      %get3A_118 = arith.index_cast %add3A_115 : i32 to index
      %get3A_119 = arith.constant 16 : index
      %get3A_120 = tpu.vector_load %arg4[%get3A_118, %get3A_119] {strides = array<i32>} : memref<128x200xi32, #tpu.memory_space<vmem>>, vector<16xi32>,
      %get3A_121 = arith.index_cast %add3A_115 : i32 to index
      %get3A_122 = arith.constant 32 : index
      %get3A_123 = tpu.vector_load %arg4[%get3A_121, %get3A_122] {strides = array<i32>} : memref<128x200xi32, #tpu.memory_space<vmem>>, vector<16xi32>,
      %get3A_124 = arith.index_cast %add3A_115 : i32 to index
      %get3A_125 = arith.constant 48 : index
      %get3A_126 = tpu.vector_load %arg4[%get3A_124, %get3A_125] {strides = array<i32>} : memref<128x200xi32, #tpu.memory_space<vmem>>, vector<16xi32>,
      %get3A_127 = arith.index_cast %add3A_115 : i32 to index
      %get3A_128 = arith.constant 64 : index
      %get3A_129 = tpu.vector_load %arg4[%get3A_127, %get3A_128] {strides = array<i32>} : memref<128x200xi32, #tpu.memory_space<vmem>>, vector<16xi32>,
      %get3A_130 = arith.index_cast %add3A_115 : i32 to index
      %get3A_131 = arith.constant 80 : index
      %get3A_132 = tpu.vector_load %arg4[%get3A_130, %get3A_131] {strides = array<i32>} : memref<128x200xi32, #tpu.memory_space<vmem>>, vector<16xi32>,
      %get3A_133 = arith.index_cast %add3A_115 : i32 to index
      %get3A_134 = arith.constant 96 : index
      %get3A_135 = tpu.vector_load %arg4[%get3A_133, %get3A_134] {strides = array<i32>} : memref<128x200xi32, #tpu.memory_space<vmem>>, vector<16xi32>,
      %get3A_136 = arith.index_cast %add3A_115 : i32 to index
      %get3A_137 = arith.constant 112 : index
      %get3A_138 = tpu.vector_load %arg4[%get3A_136, %get3A_137] {strides = array<i32>} : memref<128x200xi32, #tpu.memory_space<vmem>>, vector<16xi32>,
      %get3A_139 = arith.index_cast %add3A_115 : i32 to index
      %get3A_140 = arith.constant 128 : index
      %get3A_141 = tpu.vector_load %arg4[%get3A_139, %get3A_140] {strides = array<i32>} : memref<128x200xi32, #tpu.memory_space<vmem>>, vector<16xi32>,
      %get3A_142 = arith.index_cast %add3A_115 : i32 to index
      %get3A_143 = arith.constant 144 : index
      %get3A_144 = tpu.vector_load %arg4[%get3A_142, %get3A_143] {strides = array<i32>} : memref<128x200xi32, #tpu.memory_space<vmem>>, vector<16xi32>,
      %get3A_145 = arith.index_cast %add3A_115 : i32 to index
      %get3A_146 = arith.constant 160 : index
      %get3A_147 = tpu.vector_load %arg4[%get3A_145, %get3A_146] {strides = array<i32>} : memref<128x200xi32, #tpu.memory_space<vmem>>, vector<16xi32>,
      %get3A_148 = arith.index_cast %add3A_115 : i32 to index
      %get3A_149 = arith.constant 176 : index
      %get3A_150 = tpu.vector_load %arg4[%get3A_148, %get3A_149] {strides = array<i32>} : memref<128x200xi32, #tpu.memory_space<vmem>>, vector<16xi32>,
      %get3A_151 = arith.index_cast %add3A_115 : i32 to index
      %get3A_152 = arith.constant 184 : index
      %get3A_153 = tpu.vector_load %arg4[%get3A_151, %get3A_152] {strides = array<i32>} : memref<128x200xi32, #tpu.memory_space<vmem>>, vector<16xi32>,
      %and3A = arith.constant 255 : i32
      %and3A_154 = vector.broadcast %and3A : i32 to vector<16xi32>
      %and3A_155 = arith.andi %get3A_117, %and3A_154 : vector<16xi32>
      %and3A_156 = arith.constant 255 : i32
      %and3A_157 = vector.broadcast %and3A_156 : i32 to vector<16xi32>
      %and3A_158 = arith.andi %get3A_120, %and3A_157 : vector<16xi32>
      %and3A_159 = arith.constant 255 : i32
      %and3A_160 = vector.broadcast %and3A_159 : i32 to vector<16xi32>
      %and3A_161 = arith.andi %get3A_123, %and3A_160 : vector<16xi32>
      %and3A_162 = arith.constant 255 : i32
      %and3A_163 = vector.broadcast %and3A_162 : i32 to vector<16xi32>
      %and3A_164 = arith.andi %get3A_126, %and3A_163 : vector<16xi32>
      %and3A_165 = arith.constant 255 : i32
      %and3A_166 = vector.broadcast %and3A_165 : i32 to vector<16xi32>
      %and3A_167 = arith.andi %get3A_129, %and3A_166 : vector<16xi32>
      %and3A_168 = arith.constant 255 : i32
      %and3A_169 = vector.broadcast %and3A_168 : i32 to vector<16xi32>
      %and3A_170 = arith.andi %get3A_132, %and3A_169 : vector<16xi32>
      %and3A_171 = arith.constant 255 : i32
      %and3A_172 = vector.broadcast %and3A_171 : i32 to vector<16xi32>
      %and3A_173 = arith.andi %get3A_135, %and3A_172 : vector<16xi32>
      %and3A_174 = arith.constant 255 : i32
      %and3A_175 = vector.broadcast %and3A_174 : i32 to vector<16xi32>
      %and3A_176 = arith.andi %get3A_138, %and3A_175 : vector<16xi32>
      %and3A_177 = arith.constant 255 : i32
      %and3A_178 = vector.broadcast %and3A_177 : i32 to vector<16xi32>
      %and3A_179 = arith.andi %get3A_141, %and3A_178 : vector<16xi32>
      %and3A_180 = arith.constant 255 : i32
      %and3A_181 = vector.broadcast %and3A_180 : i32 to vector<16xi32>
      %and3A_182 = arith.andi %get3A_144, %and3A_181 : vector<16xi32>
      %and3A_183 = arith.constant 255 : i32
      %and3A_184 = vector.broadcast %and3A_183 : i32 to vector<16xi32>
      %and3A_185 = arith.andi %get3A_147, %and3A_184 : vector<16xi32>
      %and3A_186 = arith.constant 255 : i32
      %and3A_187 = vector.broadcast %and3A_186 : i32 to vector<16xi32>
      %and3A_188 = arith.andi %get3A_150, %and3A_187 : vector<16xi32>
      %and3A_189 = arith.constant 255 : i32
      %and3A_190 = vector.broadcast %and3A_189 : i32 to vector<16xi32>
      %and3A_191 = arith.andi %get3A_153, %and3A_190 : vector<16xi32>
      %broadcast_in_dim3A_192 = arith.constant 1 : i32
      %broadcast_in_dim3A_193 = vector.broadcast %broadcast_in_dim3A_192 : i32 to vector<16xi32>
      %shift_right_logical3A = arith.constant 8 : i32
      %shift_right_logical3A_194 = vector.broadcast %shift_right_logical3A : i32 to vector<16xi32>
      %shift_right_logical3A_195 = arith.shrui %get3A_117, %shift_right_logical3A_194 : vector<16xi32>
      %shift_left3A = arith.constant 3 : i32
      %shift_left3A_196 = vector.broadcast %shift_left3A : i32 to vector<16xi32>
      %shift_left3A_197 = arith.shli %shift_right_logical3A_195, %shift_left3A_196 : vector<16xi32>
      %shift_left3A_198 = arith.shli %broadcast_in_dim3A_193, %shift_left3A_197 : vector<16xi32>
      %broadcast_in_dim3A_199 = arith.constant 1 : i32
      %broadcast_in_dim3A_200 = vector.broadcast %broadcast_in_dim3A_199 : i32 to vector<16xi32>
      %shift_right_logical3A_201 = arith.constant 8 : i32
      %shift_right_logical3A_202 = vector.broadcast %shift_right_logical3A_201 : i32 to vector<16xi32>
      %shift_right_logical3A_203 = arith.shrui %get3A_120, %shift_right_logical3A_202 : vector<16xi32>
      %shift_left3A_204 = arith.constant 3 : i32
      %shift_left3A_205 = vector.broadcast %shift_left3A_204 : i32 to vector<16xi32>
      %shift_left3A_206 = arith.shli %shift_right_logical3A_203, %shift_left3A_205 : vector<16xi32>
      %shift_left3A_207 = arith.shli %broadcast_in_dim3A_200, %shift_left3A_206 : vector<16xi32>
      %broadcast_in_dim3A_208 = arith.constant 1 : i32
      %broadcast_in_dim3A_209 = vector.broadcast %broadcast_in_dim3A_208 : i32 to vector<16xi32>
      %shift_right_logical3A_210 = arith.constant 8 : i32
      %shift_right_logical3A_211 = vector.broadcast %shift_right_logical3A_210 : i32 to vector<16xi32>
      %shift_right_logical3A_212 = arith.shrui %get3A_123, %shift_right_logical3A_211 : vector<16xi32>
      %shift_left3A_213 = arith.constant 3 : i32
      %shift_left3A_214 = vector.broadcast %shift_left3A_213 : i32 to vector<16xi32>
      %shift_left3A_215 = arith.shli %shift_right_logical3A_212, %shift_left3A_214 : vector<16xi32>
      %shift_left3A_216 = arith.shli %broadcast_in_dim3A_209, %shift_left3A_215 : vector<16xi32>
      %broadcast_in_dim3A_217 = arith.constant 1 : i32
      %broadcast_in_dim3A_218 = vector.broadcast %broadcast_in_dim3A_217 : i32 to vector<16xi32>
      %shift_right_logical3A_219 = arith.constant 8 : i32
      %shift_right_logical3A_220 = vector.broadcast %shift_right_logical3A_219 : i32 to vector<16xi32>
      %shift_right_logical3A_221 = arith.shrui %get3A_126, %shift_right_logical3A_220 : vector<16xi32>
      %shift_left3A_222 = arith.constant 3 : i32
      %shift_left3A_223 = vector.broadcast %shift_left3A_222 : i32 to vector<16xi32>
      %shift_left3A_224 = arith.shli %shift_right_logical3A_221, %shift_left3A_223 : vector<16xi32>
      %shift_left3A_225 = arith.shli %broadcast_in_dim3A_218, %shift_left3A_224 : vector<16xi32>
      %broadcast_in_dim3A_226 = arith.constant 1 : i32
      %broadcast_in_dim3A_227 = vector.broadcast %broadcast_in_dim3A_226 : i32 to vector<16xi32>
      %shift_right_logical3A_228 = arith.constant 8 : i32
      %shift_right_logical3A_229 = vector.broadcast %shift_right_logical3A_228 : i32 to vector<16xi32>
      %shift_right_logical3A_230 = arith.shrui %get3A_129, %shift_right_logical3A_229 : vector<16xi32>
      %shift_left3A_231 = arith.constant 3 : i32
      %shift_left3A_232 = vector.broadcast %shift_left3A_231 : i32 to vector<16xi32>
      %shift_left3A_233 = arith.shli %shift_right_logical3A_230, %shift_left3A_232 : vector<16xi32>
      %shift_left3A_234 = arith.shli %broadcast_in_dim3A_227, %shift_left3A_233 : vector<16xi32>
      %broadcast_in_dim3A_235 = arith.constant 1 : i32
      %broadcast_in_dim3A_236 = vector.broadcast %broadcast_in_dim3A_235 : i32 to vector<16xi32>
      %shift_right_logical3A_237 = arith.constant 8 : i32
      %shift_right_logical3A_238 = vector.broadcast %shift_right_logical3A_237 : i32 to vector<16xi32>
      %shift_right_logical3A_239 = arith.shrui %get3A_132, %shift_right_logical3A_238 : vector<16xi32>
      %shift_left3A_240 = arith.constant 3 : i32
      %shift_left3A_241 = vector.broadcast %shift_left3A_240 : i32 to vector<16xi32>
      %shift_left3A_242 = arith.shli %shift_right_logical3A_239, %shift_left3A_241 : vector<16xi32>
      %shift_left3A_243 = arith.shli %broadcast_in_dim3A_236, %shift_left3A_242 : vector<16xi32>
      %broadcast_in_dim3A_244 = arith.constant 1 : i32
      %broadcast_in_dim3A_245 = vector.broadcast %broadcast_in_dim3A_244 : i32 to vector<16xi32>
      %shift_right_logical3A_246 = arith.constant 8 : i32
      %shift_right_logical3A_247 = vector.broadcast %shift_right_logical3A_246 : i32 to vector<16xi32>
      %shift_right_logical3A_248 = arith.shrui %get3A_135, %shift_right_logical3A_247 : vector<16xi32>
      %shift_left3A_249 = arith.constant 3 : i32
      %shift_left3A_250 = vector.broadcast %shift_left3A_249 : i32 to vector<16xi32>
      %shift_left3A_251 = arith.shli %shift_right_logical3A_248, %shift_left3A_250 : vector<16xi32>
      %shift_left3A_252 = arith.shli %broadcast_in_dim3A_245, %shift_left3A_251 : vector<16xi32>
      %broadcast_in_dim3A_253 = arith.constant 1 : i32
      %broadcast_in_dim3A_254 = vector.broadcast %broadcast_in_dim3A_253 : i32 to vector<16xi32>
      %shift_right_logical3A_255 = arith.constant 8 : i32
      %shift_right_logical3A_256 = vector.broadcast %shift_right_logical3A_255 : i32 to vector<16xi32>
      %shift_right_logical3A_257 = arith.shrui %get3A_138, %shift_right_logical3A_256 : vector<16xi32>
      %shift_left3A_258 = arith.constant 3 : i32
      %shift_left3A_259 = vector.broadcast %shift_left3A_258 : i32 to vector<16xi32>
      %shift_left3A_260 = arith.shli %shift_right_logical3A_257, %shift_left3A_259 : vector<16xi32>
      %shift_left3A_261 = arith.shli %broadcast_in_dim3A_254, %shift_left3A_260 : vector<16xi32>
      %broadcast_in_dim3A_262 = arith.constant 1 : i32
      %broadcast_in_dim3A_263 = vector.broadcast %broadcast_in_dim3A_262 : i32 to vector<16xi32>
      %shift_right_logical3A_264 = arith.constant 8 : i32
      %shift_right_logical3A_265 = vector.broadcast %shift_right_logical3A_264 : i32 to vector<16xi32>
      %shift_right_logical3A_266 = arith.shrui %get3A_141, %shift_right_logical3A_265 : vector<16xi32>
      %shift_left3A_267 = arith.constant 3 : i32
      %shift_left3A_268 = vector.broadcast %shift_left3A_267 : i32 to vector<16xi32>
      %shift_left3A_269 = arith.shli %shift_right_logical3A_266, %shift_left3A_268 : vector<16xi32>
      %shift_left3A_270 = arith.shli %broadcast_in_dim3A_263, %shift_left3A_269 : vector<16xi32>
      %broadcast_in_dim3A_271 = arith.constant 1 : i32
      %broadcast_in_dim3A_272 = vector.broadcast %broadcast_in_dim3A_271 : i32 to vector<16xi32>
      %shift_right_logical3A_273 = arith.constant 8 : i32
      %shift_right_logical3A_274 = vector.broadcast %shift_right_logical3A_273 : i32 to vector<16xi32>
      %shift_right_logical3A_275 = arith.shrui %get3A_144, %shift_right_logical3A_274 : vector<16xi32>
      %shift_left3A_276 = arith.constant 3 : i32
      %shift_left3A_277 = vector.broadcast %shift_left3A_276 : i32 to vector<16xi32>
      %shift_left3A_278 = arith.shli %shift_right_logical3A_275, %shift_left3A_277 : vector<16xi32>
      %shift_left3A_279 = arith.shli %broadcast_in_dim3A_272, %shift_left3A_278 : vector<16xi32>
      %broadcast_in_dim3A_280 = arith.constant 1 : i32
      %broadcast_in_dim3A_281 = vector.broadcast %broadcast_in_dim3A_280 : i32 to vector<16xi32>
      %shift_right_logical3A_282 = arith.constant 8 : i32
      %shift_right_logical3A_283 = vector.broadcast %shift_right_logical3A_282 : i32 to vector<16xi32>
      %shift_right_logical3A_284 = arith.shrui %get3A_147, %shift_right_logical3A_283 : vector<16xi32>
      %shift_left3A_285 = arith.constant 3 : i32
      %shift_left3A_286 = vector.broadcast %shift_left3A_285 : i32 to vector<16xi32>
      %shift_left3A_287 = arith.shli %shift_right_logical3A_284, %shift_left3A_286 : vector<16xi32>
      %shift_left3A_288 = arith.shli %broadcast_in_dim3A_281, %shift_left3A_287 : vector<16xi32>
      %broadcast_in_dim3A_289 = arith.constant 1 : i32
      %broadcast_in_dim3A_290 = vector.broadcast %broadcast_in_dim3A_289 : i32 to vector<16xi32>
      %shift_right_logical3A_291 = arith.constant 8 : i32
      %shift_right_logical3A_292 = vector.broadcast %shift_right_logical3A_291 : i32 to vector<16xi32>
      %shift_right_logical3A_293 = arith.shrui %get3A_150, %shift_right_logical3A_292 : vector<16xi32>
      %shift_left3A_294 = arith.constant 3 : i32
      %shift_left3A_295 = vector.broadcast %shift_left3A_294 : i32 to vector<16xi32>
      %shift_left3A_296 = arith.shli %shift_right_logical3A_293, %shift_left3A_295 : vector<16xi32>
      %shift_left3A_297 = arith.shli %broadcast_in_dim3A_290, %shift_left3A_296 : vector<16xi32>
      %broadcast_in_dim3A_298 = arith.constant 1 : i32
      %broadcast_in_dim3A_299 = vector.broadcast %broadcast_in_dim3A_298 : i32 to vector<16xi32>
      %shift_right_logical3A_300 = arith.constant 8 : i32
      %shift_right_logical3A_301 = vector.broadcast %shift_right_logical3A_300 : i32 to vector<16xi32>
      %shift_right_logical3A_302 = arith.shrui %get3A_153, %shift_right_logical3A_301 : vector<16xi32>
      %shift_left3A_303 = arith.constant 3 : i32
      %shift_left3A_304 = vector.broadcast %shift_left3A_303 : i32 to vector<16xi32>
      %shift_left3A_305 = arith.shli %shift_right_logical3A_302, %shift_left3A_304 : vector<16xi32>
      %shift_left3A_306 = arith.shli %broadcast_in_dim3A_299, %shift_left3A_305 : vector<16xi32>
      tpu.vector_store_idx %arg5[%broadcast_in_dim3A_113, %and3A_155], %shift_left3A_198 {add = true} : memref<32x256xi32, #tpu.memory_space<vmem>>[vector<16xi32>, vector<16xi32>], vector<16xi32>,
      tpu.vector_store_idx %arg5[%broadcast_in_dim3A_113, %and3A_158], %shift_left3A_207 {add = true} : memref<32x256xi32, #tpu.memory_space<vmem>>[vector<16xi32>, vector<16xi32>], vector<16xi32>,
      tpu.vector_store_idx %arg5[%broadcast_in_dim3A_113, %and3A_161], %shift_left3A_216 {add = true} : memref<32x256xi32, #tpu.memory_space<vmem>>[vector<16xi32>, vector<16xi32>], vector<16xi32>,
      tpu.vector_store_idx %arg5[%broadcast_in_dim3A_113, %and3A_164], %shift_left3A_225 {add = true} : memref<32x256xi32, #tpu.memory_space<vmem>>[vector<16xi32>, vector<16xi32>], vector<16xi32>,
      tpu.vector_store_idx %arg5[%broadcast_in_dim3A_113, %and3A_167], %shift_left3A_234 {add = true} : memref<32x256xi32, #tpu.memory_space<vmem>>[vector<16xi32>, vector<16xi32>], vector<16xi32>,
      tpu.vector_store_idx %arg5[%broadcast_in_dim3A_113, %and3A_170], %shift_left3A_243 {add = true} : memref<32x256xi32, #tpu.memory_space<vmem>>[vector<16xi32>, vector<16xi32>], vector<16xi32>,
      tpu.vector_store_idx %arg5[%broadcast_in_dim3A_113, %and3A_173], %shift_left3A_252 {add = true} : memref<32x256xi32, #tpu.memory_space<vmem>>[vector<16xi32>, vector<16xi32>], vector<16xi32>,
      tpu.vector_store_idx %arg5[%broadcast_in_dim3A_113, %and3A_176], %shift_left3A_261 {add = true} : memref<32x256xi32, #tpu.memory_space<vmem>>[vector<16xi32>, vector<16xi32>], vector<16xi32>,
      tpu.vector_store_idx %arg5[%broadcast_in_dim3A_113, %and3A_179], %shift_left3A_270 {add = true} : memref<32x256xi32, #tpu.memory_space<vmem>>[vector<16xi32>, vector<16xi32>], vector<16xi32>,
      tpu.vector_store_idx %arg5[%broadcast_in_dim3A_113, %and3A_182], %shift_left3A_279 {add = true} : memref<32x256xi32, #tpu.memory_space<vmem>>[vector<16xi32>, vector<16xi32>], vector<16xi32>,
      tpu.vector_store_idx %arg5[%broadcast_in_dim3A_113, %and3A_185], %shift_left3A_288 {add = true} : memref<32x256xi32, #tpu.memory_space<vmem>>[vector<16xi32>, vector<16xi32>], vector<16xi32>,
      tpu.vector_store_idx %arg5[%broadcast_in_dim3A_113, %and3A_188], %shift_left3A_297 {add = true} : memref<32x256xi32, #tpu.memory_space<vmem>>[vector<16xi32>, vector<16xi32>], vector<16xi32>,
      tpu.vector_store_idx %arg5[%broadcast_in_dim3A_113, %and3A_191], %shift_left3A_306 masked %ge3A_8 {add = true} : memref<32x256xi32, #tpu.memory_space<vmem>>[vector<16xi32>, vector<16xi32>], vector<16xi32>, vector<16xi1>
      %mul3A_307 = arith.constant 2 : i32
      %mul3A_308 = arith.muli %scan3A_107, %mul3A_307 : i32
      %add3A_309 = arith.constant 1 : i32
      %add3A_310 = arith.addi %mul3A_308, %add3A_309 : i32
      %broadcast_in_dim3A_311 = vector.broadcast %add3A_310 : i32 to vector<16xi32>
      %add3A_312 = arith.constant 64 : i32
      %add3A_313 = arith.addi %add3A_312, %add3A_310 : i32
      %get3A_314 = arith.index_cast %add3A_313 : i32 to index
      %get3A_315 = arith.constant 0 : index
      %get3A_316 = tpu.vector_load %arg4[%get3A_314, %get3A_315] {strides = array<i32>} : memref<128x200xi32, #tpu.memory_space<vmem>>, vector<16xi32>,
      %get3A_317 = arith.index_cast %add3A_313 : i32 to index
      %get3A_318 = arith.constant 16 : index
      %get3A_319 = tpu.vector_load %arg4[%get3A_317, %get3A_318] {strides = array<i32>} : memref<128x200xi32, #tpu.memory_space<vmem>>, vector<16xi32>,
      %get3A_320 = arith.index_cast %add3A_313 : i32 to index
      %get3A_321 = arith.constant 32 : index
      %get3A_322 = tpu.vector_load %arg4[%get3A_320, %get3A_321] {strides = array<i32>} : memref<128x200xi32, #tpu.memory_space<vmem>>, vector<16xi32>,
      %get3A_323 = arith.index_cast %add3A_313 : i32 to index
      %get3A_324 = arith.constant 48 : index
      %get3A_325 = tpu.vector_load %arg4[%get3A_323, %get3A_324] {strides = array<i32>} : memref<128x200xi32, #tpu.memory_space<vmem>>, vector<16xi32>,
      %get3A_326 = arith.index_cast %add3A_313 : i32 to index
      %get3A_327 = arith.constant 64 : index
      %get3A_328 = tpu.vector_load %arg4[%get3A_326, %get3A_327] {strides = array<i32>} : memref<128x200xi32, #tpu.memory_space<vmem>>, vector<16xi32>,
      %get3A_329 = arith.index_cast %add3A_313 : i32 to index
      %get3A_330 = arith.constant 80 : index
      %get3A_331 = tpu.vector_load %arg4[%get3A_329, %get3A_330] {strides = array<i32>} : memref<128x200xi32, #tpu.memory_space<vmem>>, vector<16xi32>,
      %get3A_332 = arith.index_cast %add3A_313 : i32 to index
      %get3A_333 = arith.constant 96 : index
      %get3A_334 = tpu.vector_load %arg4[%get3A_332, %get3A_333] {strides = array<i32>} : memref<128x200xi32, #tpu.memory_space<vmem>>, vector<16xi32>,
      %get3A_335 = arith.index_cast %add3A_313 : i32 to index
      %get3A_336 = arith.constant 112 : index
      %get3A_337 = tpu.vector_load %arg4[%get3A_335, %get3A_336] {strides = array<i32>} : memref<128x200xi32, #tpu.memory_space<vmem>>, vector<16xi32>,
      %get3A_338 = arith.index_cast %add3A_313 : i32 to index
      %get3A_339 = arith.constant 128 : index
      %get3A_340 = tpu.vector_load %arg4[%get3A_338, %get3A_339] {strides = array<i32>} : memref<128x200xi32, #tpu.memory_space<vmem>>, vector<16xi32>,
      %get3A_341 = arith.index_cast %add3A_313 : i32 to index
      %get3A_342 = arith.constant 144 : index
      %get3A_343 = tpu.vector_load %arg4[%get3A_341, %get3A_342] {strides = array<i32>} : memref<128x200xi32, #tpu.memory_space<vmem>>, vector<16xi32>,
      %get3A_344 = arith.index_cast %add3A_313 : i32 to index
      %get3A_345 = arith.constant 160 : index
      %get3A_346 = tpu.vector_load %arg4[%get3A_344, %get3A_345] {strides = array<i32>} : memref<128x200xi32, #tpu.memory_space<vmem>>, vector<16xi32>,
      %get3A_347 = arith.index_cast %add3A_313 : i32 to index
      %get3A_348 = arith.constant 176 : index
      %get3A_349 = tpu.vector_load %arg4[%get3A_347, %get3A_348] {strides = array<i32>} : memref<128x200xi32, #tpu.memory_space<vmem>>, vector<16xi32>,
      %get3A_350 = arith.index_cast %add3A_313 : i32 to index
      %get3A_351 = arith.constant 184 : index
      %get3A_352 = tpu.vector_load %arg4[%get3A_350, %get3A_351] {strides = array<i32>} : memref<128x200xi32, #tpu.memory_space<vmem>>, vector<16xi32>,
      %and3A_353 = arith.constant 255 : i32
      %and3A_354 = vector.broadcast %and3A_353 : i32 to vector<16xi32>
      %and3A_355 = arith.andi %get3A_316, %and3A_354 : vector<16xi32>
      %and3A_356 = arith.constant 255 : i32
      %and3A_357 = vector.broadcast %and3A_356 : i32 to vector<16xi32>
      %and3A_358 = arith.andi %get3A_319, %and3A_357 : vector<16xi32>
      %and3A_359 = arith.constant 255 : i32
      %and3A_360 = vector.broadcast %and3A_359 : i32 to vector<16xi32>
      %and3A_361 = arith.andi %get3A_322, %and3A_360 : vector<16xi32>
      %and3A_362 = arith.constant 255 : i32
      %and3A_363 = vector.broadcast %and3A_362 : i32 to vector<16xi32>
      %and3A_364 = arith.andi %get3A_325, %and3A_363 : vector<16xi32>
      %and3A_365 = arith.constant 255 : i32
      %and3A_366 = vector.broadcast %and3A_365 : i32 to vector<16xi32>
      %and3A_367 = arith.andi %get3A_328, %and3A_366 : vector<16xi32>
      %and3A_368 = arith.constant 255 : i32
      %and3A_369 = vector.broadcast %and3A_368 : i32 to vector<16xi32>
      %and3A_370 = arith.andi %get3A_331, %and3A_369 : vector<16xi32>
      %and3A_371 = arith.constant 255 : i32
      %and3A_372 = vector.broadcast %and3A_371 : i32 to vector<16xi32>
      %and3A_373 = arith.andi %get3A_334, %and3A_372 : vector<16xi32>
      %and3A_374 = arith.constant 255 : i32
      %and3A_375 = vector.broadcast %and3A_374 : i32 to vector<16xi32>
      %and3A_376 = arith.andi %get3A_337, %and3A_375 : vector<16xi32>
      %and3A_377 = arith.constant 255 : i32
      %and3A_378 = vector.broadcast %and3A_377 : i32 to vector<16xi32>
      %and3A_379 = arith.andi %get3A_340, %and3A_378 : vector<16xi32>
      %and3A_380 = arith.constant 255 : i32
      %and3A_381 = vector.broadcast %and3A_380 : i32 to vector<16xi32>
      %and3A_382 = arith.andi %get3A_343, %and3A_381 : vector<16xi32>
      %and3A_383 = arith.constant 255 : i32
      %and3A_384 = vector.broadcast %and3A_383 : i32 to vector<16xi32>
      %and3A_385 = arith.andi %get3A_346, %and3A_384 : vector<16xi32>
      %and3A_386 = arith.constant 255 : i32
      %and3A_387 = vector.broadcast %and3A_386 : i32 to vector<16xi32>
      %and3A_388 = arith.andi %get3A_349, %and3A_387 : vector<16xi32>
      %and3A_389 = arith.constant 255 : i32
      %and3A_390 = vector.broadcast %and3A_389 : i32 to vector<16xi32>
      %and3A_391 = arith.andi %get3A_352, %and3A_390 : vector<16xi32>
      %broadcast_in_dim3A_392 = arith.constant 1 : i32
      %broadcast_in_dim3A_393 = vector.broadcast %broadcast_in_dim3A_392 : i32 to vector<16xi32>
      %shift_right_logical3A_394 = arith.constant 8 : i32
      %shift_right_logical3A_395 = vector.broadcast %shift_right_logical3A_394 : i32 to vector<16xi32>
      %shift_right_logical3A_396 = arith.shrui %get3A_316, %shift_right_logical3A_395 : vector<16xi32>
      %shift_left3A_397 = arith.constant 3 : i32
      %shift_left3A_398 = vector.broadcast %shift_left3A_397 : i32 to vector<16xi32>
      %shift_left3A_399 = arith.shli %shift_right_logical3A_396, %shift_left3A_398 : vector<16xi32>
      %shift_left3A_400 = arith.shli %broadcast_in_dim3A_393, %shift_left3A_399 : vector<16xi32>
      %broadcast_in_dim3A_401 = arith.constant 1 : i32
      %broadcast_in_dim3A_402 = vector.broadcast %broadcast_in_dim3A_401 : i32 to vector<16xi32>
      %shift_right_logical3A_403 = arith.constant 8 : i32
      %shift_right_logical3A_404 = vector.broadcast %shift_right_logical3A_403 : i32 to vector<16xi32>
      %shift_right_logical3A_405 = arith.shrui %get3A_319, %shift_right_logical3A_404 : vector<16xi32>
      %shift_left3A_406 = arith.constant 3 : i32
      %shift_left3A_407 = vector.broadcast %shift_left3A_406 : i32 to vector<16xi32>
      %shift_left3A_408 = arith.shli %shift_right_logical3A_405, %shift_left3A_407 : vector<16xi32>
      %shift_left3A_409 = arith.shli %broadcast_in_dim3A_402, %shift_left3A_408 : vector<16xi32>
      %broadcast_in_dim3A_410 = arith.constant 1 : i32
      %broadcast_in_dim3A_411 = vector.broadcast %broadcast_in_dim3A_410 : i32 to vector<16xi32>
      %shift_right_logical3A_412 = arith.constant 8 : i32
      %shift_right_logical3A_413 = vector.broadcast %shift_right_logical3A_412 : i32 to vector<16xi32>
      %shift_right_logical3A_414 = arith.shrui %get3A_322, %shift_right_logical3A_413 : vector<16xi32>
      %shift_left3A_415 = arith.constant 3 : i32
      %shift_left3A_416 = vector.broadcast %shift_left3A_415 : i32 to vector<16xi32>
      %shift_left3A_417 = arith.shli %shift_right_logical3A_414, %shift_left3A_416 : vector<16xi32>
      %shift_left3A_418 = arith.shli %broadcast_in_dim3A_411, %shift_left3A_417 : vector<16xi32>
      %broadcast_in_dim3A_419 = arith.constant 1 : i32
      %broadcast_in_dim3A_420 = vector.broadcast %broadcast_in_dim3A_419 : i32 to vector<16xi32>
      %shift_right_logical3A_421 = arith.constant 8 : i32
      %shift_right_logical3A_422 = vector.broadcast %shift_right_logical3A_421 : i32 to vector<16xi32>
      %shift_right_logical3A_423 = arith.shrui %get3A_325, %shift_right_logical3A_422 : vector<16xi32>
      %shift_left3A_424 = arith.constant 3 : i32
      %shift_left3A_425 = vector.broadcast %shift_left3A_424 : i32 to vector<16xi32>
      %shift_left3A_426 = arith.shli %shift_right_logical3A_423, %shift_left3A_425 : vector<16xi32>
      %shift_left3A_427 = arith.shli %broadcast_in_dim3A_420, %shift_left3A_426 : vector<16xi32>
      %broadcast_in_dim3A_428 = arith.constant 1 : i32
      %broadcast_in_dim3A_429 = vector.broadcast %broadcast_in_dim3A_428 : i32 to vector<16xi32>
      %shift_right_logical3A_430 = arith.constant 8 : i32
      %shift_right_logical3A_431 = vector.broadcast %shift_right_logical3A_430 : i32 to vector<16xi32>
      %shift_right_logical3A_432 = arith.shrui %get3A_328, %shift_right_logical3A_431 : vector<16xi32>
      %shift_left3A_433 = arith.constant 3 : i32
      %shift_left3A_434 = vector.broadcast %shift_left3A_433 : i32 to vector<16xi32>
      %shift_left3A_435 = arith.shli %shift_right_logical3A_432, %shift_left3A_434 : vector<16xi32>
      %shift_left3A_436 = arith.shli %broadcast_in_dim3A_429, %shift_left3A_435 : vector<16xi32>
      %broadcast_in_dim3A_437 = arith.constant 1 : i32
      %broadcast_in_dim3A_438 = vector.broadcast %broadcast_in_dim3A_437 : i32 to vector<16xi32>
      %shift_right_logical3A_439 = arith.constant 8 : i32
      %shift_right_logical3A_440 = vector.broadcast %shift_right_logical3A_439 : i32 to vector<16xi32>
      %shift_right_logical3A_441 = arith.shrui %get3A_331, %shift_right_logical3A_440 : vector<16xi32>
      %shift_left3A_442 = arith.constant 3 : i32
      %shift_left3A_443 = vector.broadcast %shift_left3A_442 : i32 to vector<16xi32>
      %shift_left3A_444 = arith.shli %shift_right_logical3A_441, %shift_left3A_443 : vector<16xi32>
      %shift_left3A_445 = arith.shli %broadcast_in_dim3A_438, %shift_left3A_444 : vector<16xi32>
      %broadcast_in_dim3A_446 = arith.constant 1 : i32
      %broadcast_in_dim3A_447 = vector.broadcast %broadcast_in_dim3A_446 : i32 to vector<16xi32>
      %shift_right_logical3A_448 = arith.constant 8 : i32
      %shift_right_logical3A_449 = vector.broadcast %shift_right_logical3A_448 : i32 to vector<16xi32>
      %shift_right_logical3A_450 = arith.shrui %get3A_334, %shift_right_logical3A_449 : vector<16xi32>
      %shift_left3A_451 = arith.constant 3 : i32
      %shift_left3A_452 = vector.broadcast %shift_left3A_451 : i32 to vector<16xi32>
      %shift_left3A_453 = arith.shli %shift_right_logical3A_450, %shift_left3A_452 : vector<16xi32>
      %shift_left3A_454 = arith.shli %broadcast_in_dim3A_447, %shift_left3A_453 : vector<16xi32>
      %broadcast_in_dim3A_455 = arith.constant 1 : i32
      %broadcast_in_dim3A_456 = vector.broadcast %broadcast_in_dim3A_455 : i32 to vector<16xi32>
      %shift_right_logical3A_457 = arith.constant 8 : i32
      %shift_right_logical3A_458 = vector.broadcast %shift_right_logical3A_457 : i32 to vector<16xi32>
      %shift_right_logical3A_459 = arith.shrui %get3A_337, %shift_right_logical3A_458 : vector<16xi32>
      %shift_left3A_460 = arith.constant 3 : i32
      %shift_left3A_461 = vector.broadcast %shift_left3A_460 : i32 to vector<16xi32>
      %shift_left3A_462 = arith.shli %shift_right_logical3A_459, %shift_left3A_461 : vector<16xi32>
      %shift_left3A_463 = arith.shli %broadcast_in_dim3A_456, %shift_left3A_462 : vector<16xi32>
      %broadcast_in_dim3A_464 = arith.constant 1 : i32
      %broadcast_in_dim3A_465 = vector.broadcast %broadcast_in_dim3A_464 : i32 to vector<16xi32>
      %shift_right_logical3A_466 = arith.constant 8 : i32
      %shift_right_logical3A_467 = vector.broadcast %shift_right_logical3A_466 : i32 to vector<16xi32>
      %shift_right_logical3A_468 = arith.shrui %get3A_340, %shift_right_logical3A_467 : vector<16xi32>
      %shift_left3A_469 = arith.constant 3 : i32
      %shift_left3A_470 = vector.broadcast %shift_left3A_469 : i32 to vector<16xi32>
      %shift_left3A_471 = arith.shli %shift_right_logical3A_468, %shift_left3A_470 : vector<16xi32>
      %shift_left3A_472 = arith.shli %broadcast_in_dim3A_465, %shift_left3A_471 : vector<16xi32>
      %broadcast_in_dim3A_473 = arith.constant 1 : i32
      %broadcast_in_dim3A_474 = vector.broadcast %broadcast_in_dim3A_473 : i32 to vector<16xi32>
      %shift_right_logical3A_475 = arith.constant 8 : i32
      %shift_right_logical3A_476 = vector.broadcast %shift_right_logical3A_475 : i32 to vector<16xi32>
      %shift_right_logical3A_477 = arith.shrui %get3A_343, %shift_right_logical3A_476 : vector<16xi32>
      %shift_left3A_478 = arith.constant 3 : i32
      %shift_left3A_479 = vector.broadcast %shift_left3A_478 : i32 to vector<16xi32>
      %shift_left3A_480 = arith.shli %shift_right_logical3A_477, %shift_left3A_479 : vector<16xi32>
      %shift_left3A_481 = arith.shli %broadcast_in_dim3A_474, %shift_left3A_480 : vector<16xi32>
      %broadcast_in_dim3A_482 = arith.constant 1 : i32
      %broadcast_in_dim3A_483 = vector.broadcast %broadcast_in_dim3A_482 : i32 to vector<16xi32>
      %shift_right_logical3A_484 = arith.constant 8 : i32
      %shift_right_logical3A_485 = vector.broadcast %shift_right_logical3A_484 : i32 to vector<16xi32>
      %shift_right_logical3A_486 = arith.shrui %get3A_346, %shift_right_logical3A_485 : vector<16xi32>
      %shift_left3A_487 = arith.constant 3 : i32
      %shift_left3A_488 = vector.broadcast %shift_left3A_487 : i32 to vector<16xi32>
      %shift_left3A_489 = arith.shli %shift_right_logical3A_486, %shift_left3A_488 : vector<16xi32>
      %shift_left3A_490 = arith.shli %broadcast_in_dim3A_483, %shift_left3A_489 : vector<16xi32>
      %broadcast_in_dim3A_491 = arith.constant 1 : i32
      %broadcast_in_dim3A_492 = vector.broadcast %broadcast_in_dim3A_491 : i32 to vector<16xi32>
      %shift_right_logical3A_493 = arith.constant 8 : i32
      %shift_right_logical3A_494 = vector.broadcast %shift_right_logical3A_493 : i32 to vector<16xi32>
      %shift_right_logical3A_495 = arith.shrui %get3A_349, %shift_right_logical3A_494 : vector<16xi32>
      %shift_left3A_496 = arith.constant 3 : i32
      %shift_left3A_497 = vector.broadcast %shift_left3A_496 : i32 to vector<16xi32>
      %shift_left3A_498 = arith.shli %shift_right_logical3A_495, %shift_left3A_497 : vector<16xi32>
      %shift_left3A_499 = arith.shli %broadcast_in_dim3A_492, %shift_left3A_498 : vector<16xi32>
      %broadcast_in_dim3A_500 = arith.constant 1 : i32
      %broadcast_in_dim3A_501 = vector.broadcast %broadcast_in_dim3A_500 : i32 to vector<16xi32>
      %shift_right_logical3A_502 = arith.constant 8 : i32
      %shift_right_logical3A_503 = vector.broadcast %shift_right_logical3A_502 : i32 to vector<16xi32>
      %shift_right_logical3A_504 = arith.shrui %get3A_352, %shift_right_logical3A_503 : vector<16xi32>
      %shift_left3A_505 = arith.constant 3 : i32
      %shift_left3A_506 = vector.broadcast %shift_left3A_505 : i32 to vector<16xi32>
      %shift_left3A_507 = arith.shli %shift_right_logical3A_504, %shift_left3A_506 : vector<16xi32>
      %shift_left3A_508 = arith.shli %broadcast_in_dim3A_501, %shift_left3A_507 : vector<16xi32>
      tpu.vector_store_idx %arg5[%broadcast_in_dim3A_311, %and3A_355], %shift_left3A_400 {add = true} : memref<32x256xi32, #tpu.memory_space<vmem>>[vector<16xi32>, vector<16xi32>], vector<16xi32>,
      tpu.vector_store_idx %arg5[%broadcast_in_dim3A_311, %and3A_358], %shift_left3A_409 {add = true} : memref<32x256xi32, #tpu.memory_space<vmem>>[vector<16xi32>, vector<16xi32>], vector<16xi32>,
      tpu.vector_store_idx %arg5[%broadcast_in_dim3A_311, %and3A_361], %shift_left3A_418 {add = true} : memref<32x256xi32, #tpu.memory_space<vmem>>[vector<16xi32>, vector<16xi32>], vector<16xi32>,
      tpu.vector_store_idx %arg5[%broadcast_in_dim3A_311, %and3A_364], %shift_left3A_427 {add = true} : memref<32x256xi32, #tpu.memory_space<vmem>>[vector<16xi32>, vector<16xi32>], vector<16xi32>,
      tpu.vector_store_idx %arg5[%broadcast_in_dim3A_311, %and3A_367], %shift_left3A_436 {add = true} : memref<32x256xi32, #tpu.memory_space<vmem>>[vector<16xi32>, vector<16xi32>], vector<16xi32>,
      tpu.vector_store_idx %arg5[%broadcast_in_dim3A_311, %and3A_370], %shift_left3A_445 {add = true} : memref<32x256xi32, #tpu.memory_space<vmem>>[vector<16xi32>, vector<16xi32>], vector<16xi32>,
      tpu.vector_store_idx %arg5[%broadcast_in_dim3A_311, %and3A_373], %shift_left3A_454 {add = true} : memref<32x256xi32, #tpu.memory_space<vmem>>[vector<16xi32>, vector<16xi32>], vector<16xi32>,
      tpu.vector_store_idx %arg5[%broadcast_in_dim3A_311, %and3A_376], %shift_left3A_463 {add = true} : memref<32x256xi32, #tpu.memory_space<vmem>>[vector<16xi32>, vector<16xi32>], vector<16xi32>,
      tpu.vector_store_idx %arg5[%broadcast_in_dim3A_311, %and3A_379], %shift_left3A_472 {add = true} : memref<32x256xi32, #tpu.memory_space<vmem>>[vector<16xi32>, vector<16xi32>], vector<16xi32>,
      tpu.vector_store_idx %arg5[%broadcast_in_dim3A_311, %and3A_382], %shift_left3A_481 {add = true} : memref<32x256xi32, #tpu.memory_space<vmem>>[vector<16xi32>, vector<16xi32>], vector<16xi32>,
      tpu.vector_store_idx %arg5[%broadcast_in_dim3A_311, %and3A_385], %shift_left3A_490 {add = true} : memref<32x256xi32, #tpu.memory_space<vmem>>[vector<16xi32>, vector<16xi32>], vector<16xi32>,
      tpu.vector_store_idx %arg5[%broadcast_in_dim3A_311, %and3A_388], %shift_left3A_499 {add = true} : memref<32x256xi32, #tpu.memory_space<vmem>>[vector<16xi32>, vector<16xi32>], vector<16xi32>,
      tpu.vector_store_idx %arg5[%broadcast_in_dim3A_311, %and3A_391], %shift_left3A_508 masked %ge3A_8 {add = true} : memref<32x256xi32, #tpu.memory_space<vmem>>[vector<16xi32>, vector<16xi32>], vector<16xi32>, vector<16xi1>
      %scan3A_509 = arith.constant 0 : i32
      scf.yield %scan3A_509 : i32
    }
    %scan3A_68 = arith.constant 16 : i32
    %add3A_69 = arith.constant 64 : i32
    %add3A_70 = arith.addi %mul3A_2, %add3A_69 : i32
    %dma_start3A_71 = arith.constant 0 : i32
    %dma_start3A_72 = tpu.memref_slice %arg3[%add3A_70, %dma_start3A_71] : memref<4096x256xi32, #tpu.memory_space<hbm>> -> memref<32x256xi32, #tpu.memory_space<hbm>>
    %dma_start3A_73 = arith.constant 0 : i32
    %dma_start3A_74 = tpu.memref_slice %arg3[%add3A_70, %dma_start3A_73] : memref<4096x256xi32, #tpu.memory_space<hbm>> -> memref<32x256xi32, #tpu.memory_space<hbm>>
    tpu.enqueue_dma source(%arg5 : memref<32x256xi32, #tpu.memory_space<vmem>>) target(%dma_start3A_74 : memref<32x256xi32, #tpu.memory_space<hbm>>) target_semaphore(%arg8 : memref<!tpu.dma_semaphore, #tpu.memory_space<semaphore_mem>>)
    %dma_wait3A_75 = arith.constant 0 : i32
    %dma_wait3A_76 = tpu.memref_slice %arg3[%add3A_46, %dma_wait3A_75] : memref<4096x256xi32, #tpu.memory_space<hbm>> -> memref<32x256xi32, #tpu.memory_space<hbm>>
    %dma_wait3A_77 = arith.constant 0 : i32
    %dma_wait3A_78 = tpu.memref_slice %arg3[%add3A_46, %dma_wait3A_77] : memref<4096x256xi32, #tpu.memory_space<hbm>> -> memref<32x256xi32, #tpu.memory_space<hbm>>
    tpu.wait_dma2 semaphore(%arg9 : memref<!tpu.dma_semaphore, #tpu.memory_space<semaphore_mem>>) src(%arg6 : memref<32x256xi32, #tpu.memory_space<vmem>>) dst(%dma_wait3A_78 : memref<32x256xi32, #tpu.memory_space<hbm>>)
    %scan3A_79 = arith.constant 0 : i32
    %scan3A_80 = arith.constant 0 : i32
    %scan3A_81 = arith.constant 32 : i32
    %scan3A_82 = arith.addi %scan3A_80, %scan3A_81 : i32
    %scan3A_83 = arith.constant 1 : i32
    %scan3A_84 = scf.for %scan3A_107 = %scan3A_80 to %scan3A_82 step %scan3A_83 iter_args(%scan3A_108 = %scan3A_79) -> (i32)  : i32 {
      %swap3A = arith.index_cast %scan3A_107 : i32 to index
      %swap3A_109 = arith.constant 0 : index
      %swap3A_110 = tpu.vector_load %arg6[%swap3A, %swap3A_109] {strides = array<i32>} : memref<32x256xi32, #tpu.memory_space<vmem>>, vector<16xi32>,
      tpu.vector_store %arg6[%swap3A, %swap3A_109], %broadcast_in_dim3A_6 {strides = array<i32>} : memref<32x256xi32, #tpu.memory_space<vmem>>, vector<16xi32>,
      %swap3A_111 = arith.index_cast %scan3A_107 : i32 to index
      %swap3A_112 = arith.constant 16 : index
      %swap3A_113 = tpu.vector_load %arg6[%swap3A_111, %swap3A_112] {strides = array<i32>} : memref<32x256xi32, #tpu.memory_space<vmem>>, vector<16xi32>,
      tpu.vector_store %arg6[%swap3A_111, %swap3A_112], %broadcast_in_dim3A_6 {strides = array<i32>} : memref<32x256xi32, #tpu.memory_space<vmem>>, vector<16xi32>,
      %swap3A_114 = arith.index_cast %scan3A_107 : i32 to index
      %swap3A_115 = arith.constant 32 : index
      %swap3A_116 = tpu.vector_load %arg6[%swap3A_114, %swap3A_115] {strides = array<i32>} : memref<32x256xi32, #tpu.memory_space<vmem>>, vector<16xi32>,
      tpu.vector_store %arg6[%swap3A_114, %swap3A_115], %broadcast_in_dim3A_6 {strides = array<i32>} : memref<32x256xi32, #tpu.memory_space<vmem>>, vector<16xi32>,
      %swap3A_117 = arith.index_cast %scan3A_107 : i32 to index
      %swap3A_118 = arith.constant 48 : index
      %swap3A_119 = tpu.vector_load %arg6[%swap3A_117, %swap3A_118] {strides = array<i32>} : memref<32x256xi32, #tpu.memory_space<vmem>>, vector<16xi32>,
      tpu.vector_store %arg6[%swap3A_117, %swap3A_118], %broadcast_in_dim3A_6 {strides = array<i32>} : memref<32x256xi32, #tpu.memory_space<vmem>>, vector<16xi32>,
      %swap3A_120 = arith.index_cast %scan3A_107 : i32 to index
      %swap3A_121 = arith.constant 64 : index
      %swap3A_122 = tpu.vector_load %arg6[%swap3A_120, %swap3A_121] {strides = array<i32>} : memref<32x256xi32, #tpu.memory_space<vmem>>, vector<16xi32>,
      tpu.vector_store %arg6[%swap3A_120, %swap3A_121], %broadcast_in_dim3A_6 {strides = array<i32>} : memref<32x256xi32, #tpu.memory_space<vmem>>, vector<16xi32>,
      %swap3A_123 = arith.index_cast %scan3A_107 : i32 to index
      %swap3A_124 = arith.constant 80 : index
      %swap3A_125 = tpu.vector_load %arg6[%swap3A_123, %swap3A_124] {strides = array<i32>} : memref<32x256xi32, #tpu.memory_space<vmem>>, vector<16xi32>,
      tpu.vector_store %arg6[%swap3A_123, %swap3A_124], %broadcast_in_dim3A_6 {strides = array<i32>} : memref<32x256xi32, #tpu.memory_space<vmem>>, vector<16xi32>,
      %swap3A_126 = arith.index_cast %scan3A_107 : i32 to index
      %swap3A_127 = arith.constant 96 : index
      %swap3A_128 = tpu.vector_load %arg6[%swap3A_126, %swap3A_127] {strides = array<i32>} : memref<32x256xi32, #tpu.memory_space<vmem>>, vector<16xi32>,
      tpu.vector_store %arg6[%swap3A_126, %swap3A_127], %broadcast_in_dim3A_6 {strides = array<i32>} : memref<32x256xi32, #tpu.memory_space<vmem>>, vector<16xi32>,
      %swap3A_129 = arith.index_cast %scan3A_107 : i32 to index
      %swap3A_130 = arith.constant 112 : index
      %swap3A_131 = tpu.vector_load %arg6[%swap3A_129, %swap3A_130] {strides = array<i32>} : memref<32x256xi32, #tpu.memory_space<vmem>>, vector<16xi32>,
      tpu.vector_store %arg6[%swap3A_129, %swap3A_130], %broadcast_in_dim3A_6 {strides = array<i32>} : memref<32x256xi32, #tpu.memory_space<vmem>>, vector<16xi32>,
      %swap3A_132 = arith.index_cast %scan3A_107 : i32 to index
      %swap3A_133 = arith.constant 128 : index
      %swap3A_134 = tpu.vector_load %arg6[%swap3A_132, %swap3A_133] {strides = array<i32>} : memref<32x256xi32, #tpu.memory_space<vmem>>, vector<16xi32>,
      tpu.vector_store %arg6[%swap3A_132, %swap3A_133], %broadcast_in_dim3A_6 {strides = array<i32>} : memref<32x256xi32, #tpu.memory_space<vmem>>, vector<16xi32>,
      %swap3A_135 = arith.index_cast %scan3A_107 : i32 to index
      %swap3A_136 = arith.constant 144 : index
      %swap3A_137 = tpu.vector_load %arg6[%swap3A_135, %swap3A_136] {strides = array<i32>} : memref<32x256xi32, #tpu.memory_space<vmem>>, vector<16xi32>,
      tpu.vector_store %arg6[%swap3A_135, %swap3A_136], %broadcast_in_dim3A_6 {strides = array<i32>} : memref<32x256xi32, #tpu.memory_space<vmem>>, vector<16xi32>,
      %swap3A_138 = arith.index_cast %scan3A_107 : i32 to index
      %swap3A_139 = arith.constant 160 : index
      %swap3A_140 = tpu.vector_load %arg6[%swap3A_138, %swap3A_139] {strides = array<i32>} : memref<32x256xi32, #tpu.memory_space<vmem>>, vector<16xi32>,
      tpu.vector_store %arg6[%swap3A_138, %swap3A_139], %broadcast_in_dim3A_6 {strides = array<i32>} : memref<32x256xi32, #tpu.memory_space<vmem>>, vector<16xi32>,
      %swap3A_141 = arith.index_cast %scan3A_107 : i32 to index
      %swap3A_142 = arith.constant 176 : index
      %swap3A_143 = tpu.vector_load %arg6[%swap3A_141, %swap3A_142] {strides = array<i32>} : memref<32x256xi32, #tpu.memory_space<vmem>>, vector<16xi32>,
      tpu.vector_store %arg6[%swap3A_141, %swap3A_142], %broadcast_in_dim3A_6 {strides = array<i32>} : memref<32x256xi32, #tpu.memory_space<vmem>>, vector<16xi32>,
      %swap3A_144 = arith.index_cast %scan3A_107 : i32 to index
      %swap3A_145 = arith.constant 192 : index
      %swap3A_146 = tpu.vector_load %arg6[%swap3A_144, %swap3A_145] {strides = array<i32>} : memref<32x256xi32, #tpu.memory_space<vmem>>, vector<16xi32>,
      tpu.vector_store %arg6[%swap3A_144, %swap3A_145], %broadcast_in_dim3A_6 {strides = array<i32>} : memref<32x256xi32, #tpu.memory_space<vmem>>, vector<16xi32>,
      %swap3A_147 = arith.index_cast %scan3A_107 : i32 to index
      %swap3A_148 = arith.constant 208 : index
      %swap3A_149 = tpu.vector_load %arg6[%swap3A_147, %swap3A_148] {strides = array<i32>} : memref<32x256xi32, #tpu.memory_space<vmem>>, vector<16xi32>,
      tpu.vector_store %arg6[%swap3A_147, %swap3A_148], %broadcast_in_dim3A_6 {strides = array<i32>} : memref<32x256xi32, #tpu.memory_space<vmem>>, vector<16xi32>,
      %swap3A_150 = arith.index_cast %scan3A_107 : i32 to index
      %swap3A_151 = arith.constant 224 : index
      %swap3A_152 = tpu.vector_load %arg6[%swap3A_150, %swap3A_151] {strides = array<i32>} : memref<32x256xi32, #tpu.memory_space<vmem>>, vector<16xi32>,
      tpu.vector_store %arg6[%swap3A_150, %swap3A_151], %broadcast_in_dim3A_6 {strides = array<i32>} : memref<32x256xi32, #tpu.memory_space<vmem>>, vector<16xi32>,
      %swap3A_153 = arith.index_cast %scan3A_107 : i32 to index
      %swap3A_154 = arith.constant 240 : index
      %swap3A_155 = tpu.vector_load %arg6[%swap3A_153, %swap3A_154] {strides = array<i32>} : memref<32x256xi32, #tpu.memory_space<vmem>>, vector<16xi32>,
      tpu.vector_store %arg6[%swap3A_153, %swap3A_154], %broadcast_in_dim3A_6 {strides = array<i32>} : memref<32x256xi32, #tpu.memory_space<vmem>>, vector<16xi32>,
      %scan3A_156 = arith.constant 0 : i32
      scf.yield %scan3A_156 : i32
    }
    %scan3A_85 = arith.constant 32 : i32
    %scan3A_86 = arith.constant 0 : i32
    %scan3A_87 = arith.constant 0 : i32
    %scan3A_88 = arith.constant 16 : i32
    %scan3A_89 = arith.addi %scan3A_87, %scan3A_88 : i32
    %scan3A_90 = arith.constant 1 : i32
    %scan3A_91 = scf.for %scan3A_107 = %scan3A_87 to %scan3A_89 step %scan3A_90 iter_args(%scan3A_108 = %scan3A_86) -> (i32)  : i32 {
      %mul3A_109 = arith.constant 2 : i32
      %mul3A_110 = arith.muli %scan3A_107, %mul3A_109 : i32
      %add3A_111 = arith.constant 0 : i32
      %add3A_112 = arith.addi %mul3A_110, %add3A_111 : i32
      %broadcast_in_dim3A_113 = vector.broadcast %add3A_112 : i32 to vector<16xi32>
      %add3A_114 = arith.constant 96 : i32
      %add3A_115 = arith.addi %add3A_114, %add3A_112 : i32
      %get3A = arith.index_cast %add3A_115 : i32 to index
      %get3A_116 = arith.constant 0 : index
      %get3A_117 = tpu.vector_load %arg4[%get3A, %get3A_116] {strides = array<i32>} : memref<128x200xi32, #tpu.memory_space<vmem>>, vector<16xi32>,
      %get3A_118 = arith.index_cast %add3A_115 : i32 to index
      %get3A_119 = arith.constant 16 : index
      %get3A_120 = tpu.vector_load %arg4[%get3A_118, %get3A_119] {strides = array<i32>} : memref<128x200xi32, #tpu.memory_space<vmem>>, vector<16xi32>,
      %get3A_121 = arith.index_cast %add3A_115 : i32 to index
      %get3A_122 = arith.constant 32 : index
      %get3A_123 = tpu.vector_load %arg4[%get3A_121, %get3A_122] {strides = array<i32>} : memref<128x200xi32, #tpu.memory_space<vmem>>, vector<16xi32>,
      %get3A_124 = arith.index_cast %add3A_115 : i32 to index
      %get3A_125 = arith.constant 48 : index
      %get3A_126 = tpu.vector_load %arg4[%get3A_124, %get3A_125] {strides = array<i32>} : memref<128x200xi32, #tpu.memory_space<vmem>>, vector<16xi32>,
      %get3A_127 = arith.index_cast %add3A_115 : i32 to index
      %get3A_128 = arith.constant 64 : index
      %get3A_129 = tpu.vector_load %arg4[%get3A_127, %get3A_128] {strides = array<i32>} : memref<128x200xi32, #tpu.memory_space<vmem>>, vector<16xi32>,
      %get3A_130 = arith.index_cast %add3A_115 : i32 to index
      %get3A_131 = arith.constant 80 : index
      %get3A_132 = tpu.vector_load %arg4[%get3A_130, %get3A_131] {strides = array<i32>} : memref<128x200xi32, #tpu.memory_space<vmem>>, vector<16xi32>,
      %get3A_133 = arith.index_cast %add3A_115 : i32 to index
      %get3A_134 = arith.constant 96 : index
      %get3A_135 = tpu.vector_load %arg4[%get3A_133, %get3A_134] {strides = array<i32>} : memref<128x200xi32, #tpu.memory_space<vmem>>, vector<16xi32>,
      %get3A_136 = arith.index_cast %add3A_115 : i32 to index
      %get3A_137 = arith.constant 112 : index
      %get3A_138 = tpu.vector_load %arg4[%get3A_136, %get3A_137] {strides = array<i32>} : memref<128x200xi32, #tpu.memory_space<vmem>>, vector<16xi32>,
      %get3A_139 = arith.index_cast %add3A_115 : i32 to index
      %get3A_140 = arith.constant 128 : index
      %get3A_141 = tpu.vector_load %arg4[%get3A_139, %get3A_140] {strides = array<i32>} : memref<128x200xi32, #tpu.memory_space<vmem>>, vector<16xi32>,
      %get3A_142 = arith.index_cast %add3A_115 : i32 to index
      %get3A_143 = arith.constant 144 : index
      %get3A_144 = tpu.vector_load %arg4[%get3A_142, %get3A_143] {strides = array<i32>} : memref<128x200xi32, #tpu.memory_space<vmem>>, vector<16xi32>,
      %get3A_145 = arith.index_cast %add3A_115 : i32 to index
      %get3A_146 = arith.constant 160 : index
      %get3A_147 = tpu.vector_load %arg4[%get3A_145, %get3A_146] {strides = array<i32>} : memref<128x200xi32, #tpu.memory_space<vmem>>, vector<16xi32>,
      %get3A_148 = arith.index_cast %add3A_115 : i32 to index
      %get3A_149 = arith.constant 176 : index
      %get3A_150 = tpu.vector_load %arg4[%get3A_148, %get3A_149] {strides = array<i32>} : memref<128x200xi32, #tpu.memory_space<vmem>>, vector<16xi32>,
      %get3A_151 = arith.index_cast %add3A_115 : i32 to index
      %get3A_152 = arith.constant 184 : index
      %get3A_153 = tpu.vector_load %arg4[%get3A_151, %get3A_152] {strides = array<i32>} : memref<128x200xi32, #tpu.memory_space<vmem>>, vector<16xi32>,
      %and3A = arith.constant 255 : i32
      %and3A_154 = vector.broadcast %and3A : i32 to vector<16xi32>
      %and3A_155 = arith.andi %get3A_117, %and3A_154 : vector<16xi32>
      %and3A_156 = arith.constant 255 : i32
      %and3A_157 = vector.broadcast %and3A_156 : i32 to vector<16xi32>
      %and3A_158 = arith.andi %get3A_120, %and3A_157 : vector<16xi32>
      %and3A_159 = arith.constant 255 : i32
      %and3A_160 = vector.broadcast %and3A_159 : i32 to vector<16xi32>
      %and3A_161 = arith.andi %get3A_123, %and3A_160 : vector<16xi32>
      %and3A_162 = arith.constant 255 : i32
      %and3A_163 = vector.broadcast %and3A_162 : i32 to vector<16xi32>
      %and3A_164 = arith.andi %get3A_126, %and3A_163 : vector<16xi32>
      %and3A_165 = arith.constant 255 : i32
      %and3A_166 = vector.broadcast %and3A_165 : i32 to vector<16xi32>
      %and3A_167 = arith.andi %get3A_129, %and3A_166 : vector<16xi32>
      %and3A_168 = arith.constant 255 : i32
      %and3A_169 = vector.broadcast %and3A_168 : i32 to vector<16xi32>
      %and3A_170 = arith.andi %get3A_132, %and3A_169 : vector<16xi32>
      %and3A_171 = arith.constant 255 : i32
      %and3A_172 = vector.broadcast %and3A_171 : i32 to vector<16xi32>
      %and3A_173 = arith.andi %get3A_135, %and3A_172 : vector<16xi32>
      %and3A_174 = arith.constant 255 : i32
      %and3A_175 = vector.broadcast %and3A_174 : i32 to vector<16xi32>
      %and3A_176 = arith.andi %get3A_138, %and3A_175 : vector<16xi32>
      %and3A_177 = arith.constant 255 : i32
      %and3A_178 = vector.broadcast %and3A_177 : i32 to vector<16xi32>
      %and3A_179 = arith.andi %get3A_141, %and3A_178 : vector<16xi32>
      %and3A_180 = arith.constant 255 : i32
      %and3A_181 = vector.broadcast %and3A_180 : i32 to vector<16xi32>
      %and3A_182 = arith.andi %get3A_144, %and3A_181 : vector<16xi32>
      %and3A_183 = arith.constant 255 : i32
      %and3A_184 = vector.broadcast %and3A_183 : i32 to vector<16xi32>
      %and3A_185 = arith.andi %get3A_147, %and3A_184 : vector<16xi32>
      %and3A_186 = arith.constant 255 : i32
      %and3A_187 = vector.broadcast %and3A_186 : i32 to vector<16xi32>
      %and3A_188 = arith.andi %get3A_150, %and3A_187 : vector<16xi32>
      %and3A_189 = arith.constant 255 : i32
      %and3A_190 = vector.broadcast %and3A_189 : i32 to vector<16xi32>
      %and3A_191 = arith.andi %get3A_153, %and3A_190 : vector<16xi32>
      %broadcast_in_dim3A_192 = arith.constant 1 : i32
      %broadcast_in_dim3A_193 = vector.broadcast %broadcast_in_dim3A_192 : i32 to vector<16xi32>
      %shift_right_logical3A = arith.constant 8 : i32
      %shift_right_logical3A_194 = vector.broadcast %shift_right_logical3A : i32 to vector<16xi32>
      %shift_right_logical3A_195 = arith.shrui %get3A_117, %shift_right_logical3A_194 : vector<16xi32>
      %shift_left3A = arith.constant 3 : i32
      %shift_left3A_196 = vector.broadcast %shift_left3A : i32 to vector<16xi32>
      %shift_left3A_197 = arith.shli %shift_right_logical3A_195, %shift_left3A_196 : vector<16xi32>
      %shift_left3A_198 = arith.shli %broadcast_in_dim3A_193, %shift_left3A_197 : vector<16xi32>
      %broadcast_in_dim3A_199 = arith.constant 1 : i32
      %broadcast_in_dim3A_200 = vector.broadcast %broadcast_in_dim3A_199 : i32 to vector<16xi32>
      %shift_right_logical3A_201 = arith.constant 8 : i32
      %shift_right_logical3A_202 = vector.broadcast %shift_right_logical3A_201 : i32 to vector<16xi32>
      %shift_right_logical3A_203 = arith.shrui %get3A_120, %shift_right_logical3A_202 : vector<16xi32>
      %shift_left3A_204 = arith.constant 3 : i32
      %shift_left3A_205 = vector.broadcast %shift_left3A_204 : i32 to vector<16xi32>
      %shift_left3A_206 = arith.shli %shift_right_logical3A_203, %shift_left3A_205 : vector<16xi32>
      %shift_left3A_207 = arith.shli %broadcast_in_dim3A_200, %shift_left3A_206 : vector<16xi32>
      %broadcast_in_dim3A_208 = arith.constant 1 : i32
      %broadcast_in_dim3A_209 = vector.broadcast %broadcast_in_dim3A_208 : i32 to vector<16xi32>
      %shift_right_logical3A_210 = arith.constant 8 : i32
      %shift_right_logical3A_211 = vector.broadcast %shift_right_logical3A_210 : i32 to vector<16xi32>
      %shift_right_logical3A_212 = arith.shrui %get3A_123, %shift_right_logical3A_211 : vector<16xi32>
      %shift_left3A_213 = arith.constant 3 : i32
      %shift_left3A_214 = vector.broadcast %shift_left3A_213 : i32 to vector<16xi32>
      %shift_left3A_215 = arith.shli %shift_right_logical3A_212, %shift_left3A_214 : vector<16xi32>
      %shift_left3A_216 = arith.shli %broadcast_in_dim3A_209, %shift_left3A_215 : vector<16xi32>
      %broadcast_in_dim3A_217 = arith.constant 1 : i32
      %broadcast_in_dim3A_218 = vector.broadcast %broadcast_in_dim3A_217 : i32 to vector<16xi32>
      %shift_right_logical3A_219 = arith.constant 8 : i32
      %shift_right_logical3A_220 = vector.broadcast %shift_right_logical3A_219 : i32 to vector<16xi32>
      %shift_right_logical3A_221 = arith.shrui %get3A_126, %shift_right_logical3A_220 : vector<16xi32>
      %shift_left3A_222 = arith.constant 3 : i32
      %shift_left3A_223 = vector.broadcast %shift_left3A_222 : i32 to vector<16xi32>
      %shift_left3A_224 = arith.shli %shift_right_logical3A_221, %shift_left3A_223 : vector<16xi32>
      %shift_left3A_225 = arith.shli %broadcast_in_dim3A_218, %shift_left3A_224 : vector<16xi32>
      %broadcast_in_dim3A_226 = arith.constant 1 : i32
      %broadcast_in_dim3A_227 = vector.broadcast %broadcast_in_dim3A_226 : i32 to vector<16xi32>
      %shift_right_logical3A_228 = arith.constant 8 : i32
      %shift_right_logical3A_229 = vector.broadcast %shift_right_logical3A_228 : i32 to vector<16xi32>
      %shift_right_logical3A_230 = arith.shrui %get3A_129, %shift_right_logical3A_229 : vector<16xi32>
      %shift_left3A_231 = arith.constant 3 : i32
      %shift_left3A_232 = vector.broadcast %shift_left3A_231 : i32 to vector<16xi32>
      %shift_left3A_233 = arith.shli %shift_right_logical3A_230, %shift_left3A_232 : vector<16xi32>
      %shift_left3A_234 = arith.shli %broadcast_in_dim3A_227, %shift_left3A_233 : vector<16xi32>
      %broadcast_in_dim3A_235 = arith.constant 1 : i32
      %broadcast_in_dim3A_236 = vector.broadcast %broadcast_in_dim3A_235 : i32 to vector<16xi32>
      %shift_right_logical3A_237 = arith.constant 8 : i32
      %shift_right_logical3A_238 = vector.broadcast %shift_right_logical3A_237 : i32 to vector<16xi32>
      %shift_right_logical3A_239 = arith.shrui %get3A_132, %shift_right_logical3A_238 : vector<16xi32>
      %shift_left3A_240 = arith.constant 3 : i32
      %shift_left3A_241 = vector.broadcast %shift_left3A_240 : i32 to vector<16xi32>
      %shift_left3A_242 = arith.shli %shift_right_logical3A_239, %shift_left3A_241 : vector<16xi32>
      %shift_left3A_243 = arith.shli %broadcast_in_dim3A_236, %shift_left3A_242 : vector<16xi32>
      %broadcast_in_dim3A_244 = arith.constant 1 : i32
      %broadcast_in_dim3A_245 = vector.broadcast %broadcast_in_dim3A_244 : i32 to vector<16xi32>
      %shift_right_logical3A_246 = arith.constant 8 : i32
      %shift_right_logical3A_247 = vector.broadcast %shift_right_logical3A_246 : i32 to vector<16xi32>
      %shift_right_logical3A_248 = arith.shrui %get3A_135, %shift_right_logical3A_247 : vector<16xi32>
      %shift_left3A_249 = arith.constant 3 : i32
      %shift_left3A_250 = vector.broadcast %shift_left3A_249 : i32 to vector<16xi32>
      %shift_left3A_251 = arith.shli %shift_right_logical3A_248, %shift_left3A_250 : vector<16xi32>
      %shift_left3A_252 = arith.shli %broadcast_in_dim3A_245, %shift_left3A_251 : vector<16xi32>
      %broadcast_in_dim3A_253 = arith.constant 1 : i32
      %broadcast_in_dim3A_254 = vector.broadcast %broadcast_in_dim3A_253 : i32 to vector<16xi32>
      %shift_right_logical3A_255 = arith.constant 8 : i32
      %shift_right_logical3A_256 = vector.broadcast %shift_right_logical3A_255 : i32 to vector<16xi32>
      %shift_right_logical3A_257 = arith.shrui %get3A_138, %shift_right_logical3A_256 : vector<16xi32>
      %shift_left3A_258 = arith.constant 3 : i32
      %shift_left3A_259 = vector.broadcast %shift_left3A_258 : i32 to vector<16xi32>
      %shift_left3A_260 = arith.shli %shift_right_logical3A_257, %shift_left3A_259 : vector<16xi32>
      %shift_left3A_261 = arith.shli %broadcast_in_dim3A_254, %shift_left3A_260 : vector<16xi32>
      %broadcast_in_dim3A_262 = arith.constant 1 : i32
      %broadcast_in_dim3A_263 = vector.broadcast %broadcast_in_dim3A_262 : i32 to vector<16xi32>
      %shift_right_logical3A_264 = arith.constant 8 : i32
      %shift_right_logical3A_265 = vector.broadcast %shift_right_logical3A_264 : i32 to vector<16xi32>
      %shift_right_logical3A_266 = arith.shrui %get3A_141, %shift_right_logical3A_265 : vector<16xi32>
      %shift_left3A_267 = arith.constant 3 : i32
      %shift_left3A_268 = vector.broadcast %shift_left3A_267 : i32 to vector<16xi32>
      %shift_left3A_269 = arith.shli %shift_right_logical3A_266, %shift_left3A_268 : vector<16xi32>
      %shift_left3A_270 = arith.shli %broadcast_in_dim3A_263, %shift_left3A_269 : vector<16xi32>
      %broadcast_in_dim3A_271 = arith.constant 1 : i32
      %broadcast_in_dim3A_272 = vector.broadcast %broadcast_in_dim3A_271 : i32 to vector<16xi32>
      %shift_right_logical3A_273 = arith.constant 8 : i32
      %shift_right_logical3A_274 = vector.broadcast %shift_right_logical3A_273 : i32 to vector<16xi32>
      %shift_right_logical3A_275 = arith.shrui %get3A_144, %shift_right_logical3A_274 : vector<16xi32>
      %shift_left3A_276 = arith.constant 3 : i32
      %shift_left3A_277 = vector.broadcast %shift_left3A_276 : i32 to vector<16xi32>
      %shift_left3A_278 = arith.shli %shift_right_logical3A_275, %shift_left3A_277 : vector<16xi32>
      %shift_left3A_279 = arith.shli %broadcast_in_dim3A_272, %shift_left3A_278 : vector<16xi32>
      %broadcast_in_dim3A_280 = arith.constant 1 : i32
      %broadcast_in_dim3A_281 = vector.broadcast %broadcast_in_dim3A_280 : i32 to vector<16xi32>
      %shift_right_logical3A_282 = arith.constant 8 : i32
      %shift_right_logical3A_283 = vector.broadcast %shift_right_logical3A_282 : i32 to vector<16xi32>
      %shift_right_logical3A_284 = arith.shrui %get3A_147, %shift_right_logical3A_283 : vector<16xi32>
      %shift_left3A_285 = arith.constant 3 : i32
      %shift_left3A_286 = vector.broadcast %shift_left3A_285 : i32 to vector<16xi32>
      %shift_left3A_287 = arith.shli %shift_right_logical3A_284, %shift_left3A_286 : vector<16xi32>
      %shift_left3A_288 = arith.shli %broadcast_in_dim3A_281, %shift_left3A_287 : vector<16xi32>
      %broadcast_in_dim3A_289 = arith.constant 1 : i32
      %broadcast_in_dim3A_290 = vector.broadcast %broadcast_in_dim3A_289 : i32 to vector<16xi32>
      %shift_right_logical3A_291 = arith.constant 8 : i32
      %shift_right_logical3A_292 = vector.broadcast %shift_right_logical3A_291 : i32 to vector<16xi32>
      %shift_right_logical3A_293 = arith.shrui %get3A_150, %shift_right_logical3A_292 : vector<16xi32>
      %shift_left3A_294 = arith.constant 3 : i32
      %shift_left3A_295 = vector.broadcast %shift_left3A_294 : i32 to vector<16xi32>
      %shift_left3A_296 = arith.shli %shift_right_logical3A_293, %shift_left3A_295 : vector<16xi32>
      %shift_left3A_297 = arith.shli %broadcast_in_dim3A_290, %shift_left3A_296 : vector<16xi32>
      %broadcast_in_dim3A_298 = arith.constant 1 : i32
      %broadcast_in_dim3A_299 = vector.broadcast %broadcast_in_dim3A_298 : i32 to vector<16xi32>
      %shift_right_logical3A_300 = arith.constant 8 : i32
      %shift_right_logical3A_301 = vector.broadcast %shift_right_logical3A_300 : i32 to vector<16xi32>
      %shift_right_logical3A_302 = arith.shrui %get3A_153, %shift_right_logical3A_301 : vector<16xi32>
      %shift_left3A_303 = arith.constant 3 : i32
      %shift_left3A_304 = vector.broadcast %shift_left3A_303 : i32 to vector<16xi32>
      %shift_left3A_305 = arith.shli %shift_right_logical3A_302, %shift_left3A_304 : vector<16xi32>
      %shift_left3A_306 = arith.shli %broadcast_in_dim3A_299, %shift_left3A_305 : vector<16xi32>
      tpu.vector_store_idx %arg6[%broadcast_in_dim3A_113, %and3A_155], %shift_left3A_198 {add = true} : memref<32x256xi32, #tpu.memory_space<vmem>>[vector<16xi32>, vector<16xi32>], vector<16xi32>,
      tpu.vector_store_idx %arg6[%broadcast_in_dim3A_113, %and3A_158], %shift_left3A_207 {add = true} : memref<32x256xi32, #tpu.memory_space<vmem>>[vector<16xi32>, vector<16xi32>], vector<16xi32>,
      tpu.vector_store_idx %arg6[%broadcast_in_dim3A_113, %and3A_161], %shift_left3A_216 {add = true} : memref<32x256xi32, #tpu.memory_space<vmem>>[vector<16xi32>, vector<16xi32>], vector<16xi32>,
      tpu.vector_store_idx %arg6[%broadcast_in_dim3A_113, %and3A_164], %shift_left3A_225 {add = true} : memref<32x256xi32, #tpu.memory_space<vmem>>[vector<16xi32>, vector<16xi32>], vector<16xi32>,
      tpu.vector_store_idx %arg6[%broadcast_in_dim3A_113, %and3A_167], %shift_left3A_234 {add = true} : memref<32x256xi32, #tpu.memory_space<vmem>>[vector<16xi32>, vector<16xi32>], vector<16xi32>,
      tpu.vector_store_idx %arg6[%broadcast_in_dim3A_113, %and3A_170], %shift_left3A_243 {add = true} : memref<32x256xi32, #tpu.memory_space<vmem>>[vector<16xi32>, vector<16xi32>], vector<16xi32>,
      tpu.vector_store_idx %arg6[%broadcast_in_dim3A_113, %and3A_173], %shift_left3A_252 {add = true} : memref<32x256xi32, #tpu.memory_space<vmem>>[vector<16xi32>, vector<16xi32>], vector<16xi32>,
      tpu.vector_store_idx %arg6[%broadcast_in_dim3A_113, %and3A_176], %shift_left3A_261 {add = true} : memref<32x256xi32, #tpu.memory_space<vmem>>[vector<16xi32>, vector<16xi32>], vector<16xi32>,
      tpu.vector_store_idx %arg6[%broadcast_in_dim3A_113, %and3A_179], %shift_left3A_270 {add = true} : memref<32x256xi32, #tpu.memory_space<vmem>>[vector<16xi32>, vector<16xi32>], vector<16xi32>,
      tpu.vector_store_idx %arg6[%broadcast_in_dim3A_113, %and3A_182], %shift_left3A_279 {add = true} : memref<32x256xi32, #tpu.memory_space<vmem>>[vector<16xi32>, vector<16xi32>], vector<16xi32>,
      tpu.vector_store_idx %arg6[%broadcast_in_dim3A_113, %and3A_185], %shift_left3A_288 {add = true} : memref<32x256xi32, #tpu.memory_space<vmem>>[vector<16xi32>, vector<16xi32>], vector<16xi32>,
      tpu.vector_store_idx %arg6[%broadcast_in_dim3A_113, %and3A_188], %shift_left3A_297 {add = true} : memref<32x256xi32, #tpu.memory_space<vmem>>[vector<16xi32>, vector<16xi32>], vector<16xi32>,
      tpu.vector_store_idx %arg6[%broadcast_in_dim3A_113, %and3A_191], %shift_left3A_306 masked %ge3A_8 {add = true} : memref<32x256xi32, #tpu.memory_space<vmem>>[vector<16xi32>, vector<16xi32>], vector<16xi32>, vector<16xi1>
      %mul3A_307 = arith.constant 2 : i32
      %mul3A_308 = arith.muli %scan3A_107, %mul3A_307 : i32
      %add3A_309 = arith.constant 1 : i32
      %add3A_310 = arith.addi %mul3A_308, %add3A_309 : i32
      %broadcast_in_dim3A_311 = vector.broadcast %add3A_310 : i32 to vector<16xi32>
      %add3A_312 = arith.constant 96 : i32
      %add3A_313 = arith.addi %add3A_312, %add3A_310 : i32
      %get3A_314 = arith.index_cast %add3A_313 : i32 to index
      %get3A_315 = arith.constant 0 : index
      %get3A_316 = tpu.vector_load %arg4[%get3A_314, %get3A_315] {strides = array<i32>} : memref<128x200xi32, #tpu.memory_space<vmem>>, vector<16xi32>,
      %get3A_317 = arith.index_cast %add3A_313 : i32 to index
      %get3A_318 = arith.constant 16 : index
      %get3A_319 = tpu.vector_load %arg4[%get3A_317, %get3A_318] {strides = array<i32>} : memref<128x200xi32, #tpu.memory_space<vmem>>, vector<16xi32>,
      %get3A_320 = arith.index_cast %add3A_313 : i32 to index
      %get3A_321 = arith.constant 32 : index
      %get3A_322 = tpu.vector_load %arg4[%get3A_320, %get3A_321] {strides = array<i32>} : memref<128x200xi32, #tpu.memory_space<vmem>>, vector<16xi32>,
      %get3A_323 = arith.index_cast %add3A_313 : i32 to index
      %get3A_324 = arith.constant 48 : index
      %get3A_325 = tpu.vector_load %arg4[%get3A_323, %get3A_324] {strides = array<i32>} : memref<128x200xi32, #tpu.memory_space<vmem>>, vector<16xi32>,
      %get3A_326 = arith.index_cast %add3A_313 : i32 to index
      %get3A_327 = arith.constant 64 : index
      %get3A_328 = tpu.vector_load %arg4[%get3A_326, %get3A_327] {strides = array<i32>} : memref<128x200xi32, #tpu.memory_space<vmem>>, vector<16xi32>,
      %get3A_329 = arith.index_cast %add3A_313 : i32 to index
      %get3A_330 = arith.constant 80 : index
      %get3A_331 = tpu.vector_load %arg4[%get3A_329, %get3A_330] {strides = array<i32>} : memref<128x200xi32, #tpu.memory_space<vmem>>, vector<16xi32>,
      %get3A_332 = arith.index_cast %add3A_313 : i32 to index
      %get3A_333 = arith.constant 96 : index
      %get3A_334 = tpu.vector_load %arg4[%get3A_332, %get3A_333] {strides = array<i32>} : memref<128x200xi32, #tpu.memory_space<vmem>>, vector<16xi32>,
      %get3A_335 = arith.index_cast %add3A_313 : i32 to index
      %get3A_336 = arith.constant 112 : index
      %get3A_337 = tpu.vector_load %arg4[%get3A_335, %get3A_336] {strides = array<i32>} : memref<128x200xi32, #tpu.memory_space<vmem>>, vector<16xi32>,
      %get3A_338 = arith.index_cast %add3A_313 : i32 to index
      %get3A_339 = arith.constant 128 : index
      %get3A_340 = tpu.vector_load %arg4[%get3A_338, %get3A_339] {strides = array<i32>} : memref<128x200xi32, #tpu.memory_space<vmem>>, vector<16xi32>,
      %get3A_341 = arith.index_cast %add3A_313 : i32 to index
      %get3A_342 = arith.constant 144 : index
      %get3A_343 = tpu.vector_load %arg4[%get3A_341, %get3A_342] {strides = array<i32>} : memref<128x200xi32, #tpu.memory_space<vmem>>, vector<16xi32>,
      %get3A_344 = arith.index_cast %add3A_313 : i32 to index
      %get3A_345 = arith.constant 160 : index
      %get3A_346 = tpu.vector_load %arg4[%get3A_344, %get3A_345] {strides = array<i32>} : memref<128x200xi32, #tpu.memory_space<vmem>>, vector<16xi32>,
      %get3A_347 = arith.index_cast %add3A_313 : i32 to index
      %get3A_348 = arith.constant 176 : index
      %get3A_349 = tpu.vector_load %arg4[%get3A_347, %get3A_348] {strides = array<i32>} : memref<128x200xi32, #tpu.memory_space<vmem>>, vector<16xi32>,
      %get3A_350 = arith.index_cast %add3A_313 : i32 to index
      %get3A_351 = arith.constant 184 : index
      %get3A_352 = tpu.vector_load %arg4[%get3A_350, %get3A_351] {strides = array<i32>} : memref<128x200xi32, #tpu.memory_space<vmem>>, vector<16xi32>,
      %and3A_353 = arith.constant 255 : i32
      %and3A_354 = vector.broadcast %and3A_353 : i32 to vector<16xi32>
      %and3A_355 = arith.andi %get3A_316, %and3A_354 : vector<16xi32>
      %and3A_356 = arith.constant 255 : i32
      %and3A_357 = vector.broadcast %and3A_356 : i32 to vector<16xi32>
      %and3A_358 = arith.andi %get3A_319, %and3A_357 : vector<16xi32>
      %and3A_359 = arith.constant 255 : i32
      %and3A_360 = vector.broadcast %and3A_359 : i32 to vector<16xi32>
      %and3A_361 = arith.andi %get3A_322, %and3A_360 : vector<16xi32>
      %and3A_362 = arith.constant 255 : i32
      %and3A_363 = vector.broadcast %and3A_362 : i32 to vector<16xi32>
      %and3A_364 = arith.andi %get3A_325, %and3A_363 : vector<16xi32>
      %and3A_365 = arith.constant 255 : i32
      %and3A_366 = vector.broadcast %and3A_365 : i32 to vector<16xi32>
      %and3A_367 = arith.andi %get3A_328, %and3A_366 : vector<16xi32>
      %and3A_368 = arith.constant 255 : i32
      %and3A_369 = vector.broadcast %and3A_368 : i32 to vector<16xi32>
      %and3A_370 = arith.andi %get3A_331, %and3A_369 : vector<16xi32>
      %and3A_371 = arith.constant 255 : i32
      %and3A_372 = vector.broadcast %and3A_371 : i32 to vector<16xi32>
      %and3A_373 = arith.andi %get3A_334, %and3A_372 : vector<16xi32>
      %and3A_374 = arith.constant 255 : i32
      %and3A_375 = vector.broadcast %and3A_374 : i32 to vector<16xi32>
      %and3A_376 = arith.andi %get3A_337, %and3A_375 : vector<16xi32>
      %and3A_377 = arith.constant 255 : i32
      %and3A_378 = vector.broadcast %and3A_377 : i32 to vector<16xi32>
      %and3A_379 = arith.andi %get3A_340, %and3A_378 : vector<16xi32>
      %and3A_380 = arith.constant 255 : i32
      %and3A_381 = vector.broadcast %and3A_380 : i32 to vector<16xi32>
      %and3A_382 = arith.andi %get3A_343, %and3A_381 : vector<16xi32>
      %and3A_383 = arith.constant 255 : i32
      %and3A_384 = vector.broadcast %and3A_383 : i32 to vector<16xi32>
      %and3A_385 = arith.andi %get3A_346, %and3A_384 : vector<16xi32>
      %and3A_386 = arith.constant 255 : i32
      %and3A_387 = vector.broadcast %and3A_386 : i32 to vector<16xi32>
      %and3A_388 = arith.andi %get3A_349, %and3A_387 : vector<16xi32>
      %and3A_389 = arith.constant 255 : i32
      %and3A_390 = vector.broadcast %and3A_389 : i32 to vector<16xi32>
      %and3A_391 = arith.andi %get3A_352, %and3A_390 : vector<16xi32>
      %broadcast_in_dim3A_392 = arith.constant 1 : i32
      %broadcast_in_dim3A_393 = vector.broadcast %broadcast_in_dim3A_392 : i32 to vector<16xi32>
      %shift_right_logical3A_394 = arith.constant 8 : i32
      %shift_right_logical3A_395 = vector.broadcast %shift_right_logical3A_394 : i32 to vector<16xi32>
      %shift_right_logical3A_396 = arith.shrui %get3A_316, %shift_right_logical3A_395 : vector<16xi32>
      %shift_left3A_397 = arith.constant 3 : i32
      %shift_left3A_398 = vector.broadcast %shift_left3A_397 : i32 to vector<16xi32>
      %shift_left3A_399 = arith.shli %shift_right_logical3A_396, %shift_left3A_398 : vector<16xi32>
      %shift_left3A_400 = arith.shli %broadcast_in_dim3A_393, %shift_left3A_399 : vector<16xi32>
      %broadcast_in_dim3A_401 = arith.constant 1 : i32
      %broadcast_in_dim3A_402 = vector.broadcast %broadcast_in_dim3A_401 : i32 to vector<16xi32>
      %shift_right_logical3A_403 = arith.constant 8 : i32
      %shift_right_logical3A_404 = vector.broadcast %shift_right_logical3A_403 : i32 to vector<16xi32>
      %shift_right_logical3A_405 = arith.shrui %get3A_319, %shift_right_logical3A_404 : vector<16xi32>
      %shift_left3A_406 = arith.constant 3 : i32
      %shift_left3A_407 = vector.broadcast %shift_left3A_406 : i32 to vector<16xi32>
      %shift_left3A_408 = arith.shli %shift_right_logical3A_405, %shift_left3A_407 : vector<16xi32>
      %shift_left3A_409 = arith.shli %broadcast_in_dim3A_402, %shift_left3A_408 : vector<16xi32>
      %broadcast_in_dim3A_410 = arith.constant 1 : i32
      %broadcast_in_dim3A_411 = vector.broadcast %broadcast_in_dim3A_410 : i32 to vector<16xi32>
      %shift_right_logical3A_412 = arith.constant 8 : i32
      %shift_right_logical3A_413 = vector.broadcast %shift_right_logical3A_412 : i32 to vector<16xi32>
      %shift_right_logical3A_414 = arith.shrui %get3A_322, %shift_right_logical3A_413 : vector<16xi32>
      %shift_left3A_415 = arith.constant 3 : i32
      %shift_left3A_416 = vector.broadcast %shift_left3A_415 : i32 to vector<16xi32>
      %shift_left3A_417 = arith.shli %shift_right_logical3A_414, %shift_left3A_416 : vector<16xi32>
      %shift_left3A_418 = arith.shli %broadcast_in_dim3A_411, %shift_left3A_417 : vector<16xi32>
      %broadcast_in_dim3A_419 = arith.constant 1 : i32
      %broadcast_in_dim3A_420 = vector.broadcast %broadcast_in_dim3A_419 : i32 to vector<16xi32>
      %shift_right_logical3A_421 = arith.constant 8 : i32
      %shift_right_logical3A_422 = vector.broadcast %shift_right_logical3A_421 : i32 to vector<16xi32>
      %shift_right_logical3A_423 = arith.shrui %get3A_325, %shift_right_logical3A_422 : vector<16xi32>
      %shift_left3A_424 = arith.constant 3 : i32
      %shift_left3A_425 = vector.broadcast %shift_left3A_424 : i32 to vector<16xi32>
      %shift_left3A_426 = arith.shli %shift_right_logical3A_423, %shift_left3A_425 : vector<16xi32>
      %shift_left3A_427 = arith.shli %broadcast_in_dim3A_420, %shift_left3A_426 : vector<16xi32>
      %broadcast_in_dim3A_428 = arith.constant 1 : i32
      %broadcast_in_dim3A_429 = vector.broadcast %broadcast_in_dim3A_428 : i32 to vector<16xi32>
      %shift_right_logical3A_430 = arith.constant 8 : i32
      %shift_right_logical3A_431 = vector.broadcast %shift_right_logical3A_430 : i32 to vector<16xi32>
      %shift_right_logical3A_432 = arith.shrui %get3A_328, %shift_right_logical3A_431 : vector<16xi32>
      %shift_left3A_433 = arith.constant 3 : i32
      %shift_left3A_434 = vector.broadcast %shift_left3A_433 : i32 to vector<16xi32>
      %shift_left3A_435 = arith.shli %shift_right_logical3A_432, %shift_left3A_434 : vector<16xi32>
      %shift_left3A_436 = arith.shli %broadcast_in_dim3A_429, %shift_left3A_435 : vector<16xi32>
      %broadcast_in_dim3A_437 = arith.constant 1 : i32
      %broadcast_in_dim3A_438 = vector.broadcast %broadcast_in_dim3A_437 : i32 to vector<16xi32>
      %shift_right_logical3A_439 = arith.constant 8 : i32
      %shift_right_logical3A_440 = vector.broadcast %shift_right_logical3A_439 : i32 to vector<16xi32>
      %shift_right_logical3A_441 = arith.shrui %get3A_331, %shift_right_logical3A_440 : vector<16xi32>
      %shift_left3A_442 = arith.constant 3 : i32
      %shift_left3A_443 = vector.broadcast %shift_left3A_442 : i32 to vector<16xi32>
      %shift_left3A_444 = arith.shli %shift_right_logical3A_441, %shift_left3A_443 : vector<16xi32>
      %shift_left3A_445 = arith.shli %broadcast_in_dim3A_438, %shift_left3A_444 : vector<16xi32>
      %broadcast_in_dim3A_446 = arith.constant 1 : i32
      %broadcast_in_dim3A_447 = vector.broadcast %broadcast_in_dim3A_446 : i32 to vector<16xi32>
      %shift_right_logical3A_448 = arith.constant 8 : i32
      %shift_right_logical3A_449 = vector.broadcast %shift_right_logical3A_448 : i32 to vector<16xi32>
      %shift_right_logical3A_450 = arith.shrui %get3A_334, %shift_right_logical3A_449 : vector<16xi32>
      %shift_left3A_451 = arith.constant 3 : i32
      %shift_left3A_452 = vector.broadcast %shift_left3A_451 : i32 to vector<16xi32>
      %shift_left3A_453 = arith.shli %shift_right_logical3A_450, %shift_left3A_452 : vector<16xi32>
      %shift_left3A_454 = arith.shli %broadcast_in_dim3A_447, %shift_left3A_453 : vector<16xi32>
      %broadcast_in_dim3A_455 = arith.constant 1 : i32
      %broadcast_in_dim3A_456 = vector.broadcast %broadcast_in_dim3A_455 : i32 to vector<16xi32>
      %shift_right_logical3A_457 = arith.constant 8 : i32
      %shift_right_logical3A_458 = vector.broadcast %shift_right_logical3A_457 : i32 to vector<16xi32>
      %shift_right_logical3A_459 = arith.shrui %get3A_337, %shift_right_logical3A_458 : vector<16xi32>
      %shift_left3A_460 = arith.constant 3 : i32
      %shift_left3A_461 = vector.broadcast %shift_left3A_460 : i32 to vector<16xi32>
      %shift_left3A_462 = arith.shli %shift_right_logical3A_459, %shift_left3A_461 : vector<16xi32>
      %shift_left3A_463 = arith.shli %broadcast_in_dim3A_456, %shift_left3A_462 : vector<16xi32>
      %broadcast_in_dim3A_464 = arith.constant 1 : i32
      %broadcast_in_dim3A_465 = vector.broadcast %broadcast_in_dim3A_464 : i32 to vector<16xi32>
      %shift_right_logical3A_466 = arith.constant 8 : i32
      %shift_right_logical3A_467 = vector.broadcast %shift_right_logical3A_466 : i32 to vector<16xi32>
      %shift_right_logical3A_468 = arith.shrui %get3A_340, %shift_right_logical3A_467 : vector<16xi32>
      %shift_left3A_469 = arith.constant 3 : i32
      %shift_left3A_470 = vector.broadcast %shift_left3A_469 : i32 to vector<16xi32>
      %shift_left3A_471 = arith.shli %shift_right_logical3A_468, %shift_left3A_470 : vector<16xi32>
      %shift_left3A_472 = arith.shli %broadcast_in_dim3A_465, %shift_left3A_471 : vector<16xi32>
      %broadcast_in_dim3A_473 = arith.constant 1 : i32
      %broadcast_in_dim3A_474 = vector.broadcast %broadcast_in_dim3A_473 : i32 to vector<16xi32>
      %shift_right_logical3A_475 = arith.constant 8 : i32
      %shift_right_logical3A_476 = vector.broadcast %shift_right_logical3A_475 : i32 to vector<16xi32>
      %shift_right_logical3A_477 = arith.shrui %get3A_343, %shift_right_logical3A_476 : vector<16xi32>
      %shift_left3A_478 = arith.constant 3 : i32
      %shift_left3A_479 = vector.broadcast %shift_left3A_478 : i32 to vector<16xi32>
      %shift_left3A_480 = arith.shli %shift_right_logical3A_477, %shift_left3A_479 : vector<16xi32>
      %shift_left3A_481 = arith.shli %broadcast_in_dim3A_474, %shift_left3A_480 : vector<16xi32>
      %broadcast_in_dim3A_482 = arith.constant 1 : i32
      %broadcast_in_dim3A_483 = vector.broadcast %broadcast_in_dim3A_482 : i32 to vector<16xi32>
      %shift_right_logical3A_484 = arith.constant 8 : i32
      %shift_right_logical3A_485 = vector.broadcast %shift_right_logical3A_484 : i32 to vector<16xi32>
      %shift_right_logical3A_486 = arith.shrui %get3A_346, %shift_right_logical3A_485 : vector<16xi32>
      %shift_left3A_487 = arith.constant 3 : i32
      %shift_left3A_488 = vector.broadcast %shift_left3A_487 : i32 to vector<16xi32>
      %shift_left3A_489 = arith.shli %shift_right_logical3A_486, %shift_left3A_488 : vector<16xi32>
      %shift_left3A_490 = arith.shli %broadcast_in_dim3A_483, %shift_left3A_489 : vector<16xi32>
      %broadcast_in_dim3A_491 = arith.constant 1 : i32
      %broadcast_in_dim3A_492 = vector.broadcast %broadcast_in_dim3A_491 : i32 to vector<16xi32>
      %shift_right_logical3A_493 = arith.constant 8 : i32
      %shift_right_logical3A_494 = vector.broadcast %shift_right_logical3A_493 : i32 to vector<16xi32>
      %shift_right_logical3A_495 = arith.shrui %get3A_349, %shift_right_logical3A_494 : vector<16xi32>
      %shift_left3A_496 = arith.constant 3 : i32
      %shift_left3A_497 = vector.broadcast %shift_left3A_496 : i32 to vector<16xi32>
      %shift_left3A_498 = arith.shli %shift_right_logical3A_495, %shift_left3A_497 : vector<16xi32>
      %shift_left3A_499 = arith.shli %broadcast_in_dim3A_492, %shift_left3A_498 : vector<16xi32>
      %broadcast_in_dim3A_500 = arith.constant 1 : i32
      %broadcast_in_dim3A_501 = vector.broadcast %broadcast_in_dim3A_500 : i32 to vector<16xi32>
      %shift_right_logical3A_502 = arith.constant 8 : i32
      %shift_right_logical3A_503 = vector.broadcast %shift_right_logical3A_502 : i32 to vector<16xi32>
      %shift_right_logical3A_504 = arith.shrui %get3A_352, %shift_right_logical3A_503 : vector<16xi32>
      %shift_left3A_505 = arith.constant 3 : i32
      %shift_left3A_506 = vector.broadcast %shift_left3A_505 : i32 to vector<16xi32>
      %shift_left3A_507 = arith.shli %shift_right_logical3A_504, %shift_left3A_506 : vector<16xi32>
      %shift_left3A_508 = arith.shli %broadcast_in_dim3A_501, %shift_left3A_507 : vector<16xi32>
      tpu.vector_store_idx %arg6[%broadcast_in_dim3A_311, %and3A_355], %shift_left3A_400 {add = true} : memref<32x256xi32, #tpu.memory_space<vmem>>[vector<16xi32>, vector<16xi32>], vector<16xi32>,
      tpu.vector_store_idx %arg6[%broadcast_in_dim3A_311, %and3A_358], %shift_left3A_409 {add = true} : memref<32x256xi32, #tpu.memory_space<vmem>>[vector<16xi32>, vector<16xi32>], vector<16xi32>,
      tpu.vector_store_idx %arg6[%broadcast_in_dim3A_311, %and3A_361], %shift_left3A_418 {add = true} : memref<32x256xi32, #tpu.memory_space<vmem>>[vector<16xi32>, vector<16xi32>], vector<16xi32>,
      tpu.vector_store_idx %arg6[%broadcast_in_dim3A_311, %and3A_364], %shift_left3A_427 {add = true} : memref<32x256xi32, #tpu.memory_space<vmem>>[vector<16xi32>, vector<16xi32>], vector<16xi32>,
      tpu.vector_store_idx %arg6[%broadcast_in_dim3A_311, %and3A_367], %shift_left3A_436 {add = true} : memref<32x256xi32, #tpu.memory_space<vmem>>[vector<16xi32>, vector<16xi32>], vector<16xi32>,
      tpu.vector_store_idx %arg6[%broadcast_in_dim3A_311, %and3A_370], %shift_left3A_445 {add = true} : memref<32x256xi32, #tpu.memory_space<vmem>>[vector<16xi32>, vector<16xi32>], vector<16xi32>,
      tpu.vector_store_idx %arg6[%broadcast_in_dim3A_311, %and3A_373], %shift_left3A_454 {add = true} : memref<32x256xi32, #tpu.memory_space<vmem>>[vector<16xi32>, vector<16xi32>], vector<16xi32>,
      tpu.vector_store_idx %arg6[%broadcast_in_dim3A_311, %and3A_376], %shift_left3A_463 {add = true} : memref<32x256xi32, #tpu.memory_space<vmem>>[vector<16xi32>, vector<16xi32>], vector<16xi32>,
      tpu.vector_store_idx %arg6[%broadcast_in_dim3A_311, %and3A_379], %shift_left3A_472 {add = true} : memref<32x256xi32, #tpu.memory_space<vmem>>[vector<16xi32>, vector<16xi32>], vector<16xi32>,
      tpu.vector_store_idx %arg6[%broadcast_in_dim3A_311, %and3A_382], %shift_left3A_481 {add = true} : memref<32x256xi32, #tpu.memory_space<vmem>>[vector<16xi32>, vector<16xi32>], vector<16xi32>,
      tpu.vector_store_idx %arg6[%broadcast_in_dim3A_311, %and3A_385], %shift_left3A_490 {add = true} : memref<32x256xi32, #tpu.memory_space<vmem>>[vector<16xi32>, vector<16xi32>], vector<16xi32>,
      tpu.vector_store_idx %arg6[%broadcast_in_dim3A_311, %and3A_388], %shift_left3A_499 {add = true} : memref<32x256xi32, #tpu.memory_space<vmem>>[vector<16xi32>, vector<16xi32>], vector<16xi32>,
      tpu.vector_store_idx %arg6[%broadcast_in_dim3A_311, %and3A_391], %shift_left3A_508 masked %ge3A_8 {add = true} : memref<32x256xi32, #tpu.memory_space<vmem>>[vector<16xi32>, vector<16xi32>], vector<16xi32>, vector<16xi1>
      %scan3A_509 = arith.constant 0 : i32
      scf.yield %scan3A_509 : i32
    }
    %scan3A_92 = arith.constant 16 : i32
    %add3A_93 = arith.constant 96 : i32
    %add3A_94 = arith.addi %mul3A_2, %add3A_93 : i32
    %dma_start3A_95 = arith.constant 0 : i32
    %dma_start3A_96 = tpu.memref_slice %arg3[%add3A_94, %dma_start3A_95] : memref<4096x256xi32, #tpu.memory_space<hbm>> -> memref<32x256xi32, #tpu.memory_space<hbm>>
    %dma_start3A_97 = arith.constant 0 : i32
    %dma_start3A_98 = tpu.memref_slice %arg3[%add3A_94, %dma_start3A_97] : memref<4096x256xi32, #tpu.memory_space<hbm>> -> memref<32x256xi32, #tpu.memory_space<hbm>>
    tpu.enqueue_dma source(%arg6 : memref<32x256xi32, #tpu.memory_space<vmem>>) target(%dma_start3A_98 : memref<32x256xi32, #tpu.memory_space<hbm>>) target_semaphore(%arg9 : memref<!tpu.dma_semaphore, #tpu.memory_space<semaphore_mem>>)
    %dma_wait3A_99 = arith.constant 0 : i32
    %dma_wait3A_100 = tpu.memref_slice %arg3[%add3A_70, %dma_wait3A_99] : memref<4096x256xi32, #tpu.memory_space<hbm>> -> memref<32x256xi32, #tpu.memory_space<hbm>>
    %dma_wait3A_101 = arith.constant 0 : i32
    %dma_wait3A_102 = tpu.memref_slice %arg3[%add3A_70, %dma_wait3A_101] : memref<4096x256xi32, #tpu.memory_space<hbm>> -> memref<32x256xi32, #tpu.memory_space<hbm>>
    tpu.wait_dma2 semaphore(%arg8 : memref<!tpu.dma_semaphore, #tpu.memory_space<semaphore_mem>>) src(%arg5 : memref<32x256xi32, #tpu.memory_space<vmem>>) dst(%dma_wait3A_102 : memref<32x256xi32, #tpu.memory_space<hbm>>)
    %dma_wait3A_103 = arith.constant 0 : i32
    %dma_wait3A_104 = tpu.memref_slice %arg3[%add3A_94, %dma_wait3A_103] : memref<4096x256xi32, #tpu.memory_space<hbm>> -> memref<32x256xi32, #tpu.memory_space<hbm>>
    %dma_wait3A_105 = arith.constant 0 : i32
    %dma_wait3A_106 = tpu.memref_slice %arg3[%add3A_94, %dma_wait3A_105] : memref<4096x256xi32, #tpu.memory_space<hbm>> -> memref<32x256xi32, #tpu.memory_space<hbm>>
    tpu.wait_dma2 semaphore(%arg9 : memref<!tpu.dma_semaphore, #tpu.memory_space<semaphore_mem>>) src(%arg6 : memref<32x256xi32, #tpu.memory_space<vmem>>) dst(%dma_wait3A_106 : memref<32x256xi32, #tpu.memory_space<hbm>>)
    return
  }
}

module attributes {stable_mosaic.version = 14 : i64} {
  func.func @_tc_fold_body(%arg0: memref<1024x128xf32, #tpu.memory_space<vmem>>, %arg1: memref<128x128xf32, #tpu.memory_space<vmem>>, %arg2: memref<1024x128xbf16, #tpu.memory_space<vmem>>) attributes {dimension_semantics = [], scalar_prefetch = 0 : i64, scratch_operands = 0 : i64, tpu.core_type = #tpu.core_type<tc>} {
    %get3A = arith.constant 0 : index
    %get3A_0 = arith.constant 0 : index
    %get3A_1 = vector.load %arg0[%get3A, %get3A_0] : memref<1024x128xf32, #tpu.memory_space<vmem>>, vector<1024x128xf32>
    %get3A_2 = arith.constant 0 : index
    %get3A_3 = arith.constant 0 : index
    %get3A_4 = vector.load %arg1[%get3A_2, %get3A_3] : memref<128x128xf32, #tpu.memory_space<vmem>>, vector<128x128xf32>
    %dot_general3A = arith.constant dense<0.000000e+00> : vector<1024x128xf32>
    %dot_general3A_5 = tpu.matmul %get3A_1, %get3A_4, %dot_general3A {dimension_numbers = #tpu.dot_dimension_numbers<[1], [1], [0], [0], [0, 0, 1, 0], [], []>, transpose_lhs_hint = false} : vector<1024x128xf32>, vector<128x128xf32>, vector<1024x128xf32> -> vector<1024x128xf32>
    %mul3A = arith.constant 5.000000e-03 : f32
    %mul3A_6 = vector.broadcast %mul3A : f32 to vector<1024x128xf32>
    %mul3A_7 = arith.mulf %dot_general3A_5, %mul3A_6 : vector<1024x128xf32>
    %convert_element_type3A = arith.truncf %mul3A_7 : vector<1024x128xf32> to vector<1024x128xbf16>
    %swap3A = arith.constant 0 : index
    %swap3A_8 = arith.constant 0 : index
    %swap3A_9 = vector.load %arg2[%swap3A, %swap3A_8] : memref<1024x128xbf16, #tpu.memory_space<vmem>>, vector<1024x128xbf16>
    tpu.vector_store %arg2[%swap3A, %swap3A_8], %convert_element_type3A {strides = array<i32>} : memref<1024x128xbf16, #tpu.memory_space<vmem>>, vector<1024x128xbf16>,
    return
  }
}

module attributes {stable_mosaic.version = 14 : i64} {
  func.func @_tc_mm_body(%arg0: i32, %arg1: memref<2048x256xi32, #tpu.memory_space<vmem>>, %arg2: memref<1024x128xbf16, #tpu.memory_space<vmem>>, %arg3: memref<1x128xf32, #tpu.memory_space<vmem>>, %arg4: memref<2048x128xf32, #tpu.memory_space<vmem>>) attributes {dimension_semantics = [#tpu.dimension_semantics<arbitrary>], iteration_bounds = array<i64: 2>, scalar_prefetch = 0 : i64, scratch_operands = 0 : i64, tpu.core_type = #tpu.core_type<tc>, window_params = [{transform_indices = @transform_0, window_bounds = array<i64: 2048, 256>}, {pipeline_mode = #tpu.pipeline_mode<synchronous>, transform_indices = @transform_1, window_bounds = array<i64: 1024, 128>}, {pipeline_mode = #tpu.pipeline_mode<synchronous>, transform_indices = @transform_2, window_bounds = array<i64: 1, 128>}, {transform_indices = @transform_3, window_bounds = array<i64: 2048, 128>}]} {
    %get3A = arith.constant 0 : index
    %get3A_0 = arith.constant 0 : index
    %get3A_1 = vector.load %arg1[%get3A, %get3A_0] : memref<2048x256xi32, #tpu.memory_space<vmem>>, vector<2048x256xi32>
    %get3A_2 = arith.constant 0 : index
    %get3A_3 = arith.constant 0 : index
    %get3A_4 = vector.load %arg3[%get3A_2, %get3A_3] : memref<1x128xf32, #tpu.memory_space<vmem>>, vector<1x128xf32>
    %broadcast_in_dim3A = arith.constant 0.000000e+00 : f32
    %broadcast_in_dim3A_5 = vector.broadcast %broadcast_in_dim3A : f32 to vector<2048x128xf32>
    %add3A = vector.broadcast %get3A_4 : vector<1x128xf32> to vector<2048x128xf32>
    %add3A_6 = arith.addf %add3A, %broadcast_in_dim3A_5 : vector<2048x128xf32>
    %shift_right_logical3A = arith.constant 0 : i32
    %shift_right_logical3A_7 = vector.broadcast %shift_right_logical3A : i32 to vector<2048x256xi32>
    %shift_right_logical3A_8 = arith.shrui %get3A_1, %shift_right_logical3A_7 : vector<2048x256xi32>
    %and3A = arith.constant 255 : i32
    %and3A_9 = vector.broadcast %and3A : i32 to vector<2048x256xi32>
    %and3A_10 = arith.andi %shift_right_logical3A_8, %and3A_9 : vector<2048x256xi32>
    %convert_element_type3A = arith.sitofp %and3A_10 : vector<2048x256xi32> to vector<2048x256xf32>
    %convert_element_type3A_11 = arith.truncf %convert_element_type3A : vector<2048x256xf32> to vector<2048x256xbf16>
    %get3A_12 = arith.constant 0 : index
    %get3A_13 = arith.constant 0 : index
    %get3A_14 = vector.load %arg2[%get3A_12, %get3A_13] : memref<1024x128xbf16, #tpu.memory_space<vmem>>, vector<256x128xbf16>
    %dot_general3A = arith.constant dense<0.000000e+00> : vector<2048x128xf32>
    %dot_general3A_15 = tpu.matmul %convert_element_type3A_11, %get3A_14, %dot_general3A {dimension_numbers = #tpu.dot_dimension_numbers<[1], [0], [0], [1], [0, 0, 1, 1], [], []>, transpose_lhs_hint = false} : vector<2048x256xbf16>, vector<256x128xbf16>, vector<2048x128xf32> -> vector<2048x128xf32>
    %add3A_16 = arith.addf %add3A_6, %dot_general3A_15 : vector<2048x128xf32>
    %shift_right_logical3A_17 = arith.constant 8 : i32
    %shift_right_logical3A_18 = vector.broadcast %shift_right_logical3A_17 : i32 to vector<2048x256xi32>
    %shift_right_logical3A_19 = arith.shrui %get3A_1, %shift_right_logical3A_18 : vector<2048x256xi32>
    %and3A_20 = arith.constant 255 : i32
    %and3A_21 = vector.broadcast %and3A_20 : i32 to vector<2048x256xi32>
    %and3A_22 = arith.andi %shift_right_logical3A_19, %and3A_21 : vector<2048x256xi32>
    %convert_element_type3A_23 = arith.sitofp %and3A_22 : vector<2048x256xi32> to vector<2048x256xf32>
    %convert_element_type3A_24 = arith.truncf %convert_element_type3A_23 : vector<2048x256xf32> to vector<2048x256xbf16>
    %get3A_25 = arith.constant 256 : index
    %get3A_26 = arith.constant 0 : index
    %get3A_27 = vector.load %arg2[%get3A_25, %get3A_26] : memref<1024x128xbf16, #tpu.memory_space<vmem>>, vector<256x128xbf16>
    %dot_general3A_28 = arith.constant dense<0.000000e+00> : vector<2048x128xf32>
    %dot_general3A_29 = tpu.matmul %convert_element_type3A_24, %get3A_27, %dot_general3A_28 {dimension_numbers = #tpu.dot_dimension_numbers<[1], [0], [0], [1], [0, 0, 1, 1], [], []>, transpose_lhs_hint = false} : vector<2048x256xbf16>, vector<256x128xbf16>, vector<2048x128xf32> -> vector<2048x128xf32>
    %add3A_30 = arith.addf %add3A_16, %dot_general3A_29 : vector<2048x128xf32>
    %shift_right_logical3A_31 = arith.constant 16 : i32
    %shift_right_logical3A_32 = vector.broadcast %shift_right_logical3A_31 : i32 to vector<2048x256xi32>
    %shift_right_logical3A_33 = arith.shrui %get3A_1, %shift_right_logical3A_32 : vector<2048x256xi32>
    %and3A_34 = arith.constant 255 : i32
    %and3A_35 = vector.broadcast %and3A_34 : i32 to vector<2048x256xi32>
    %and3A_36 = arith.andi %shift_right_logical3A_33, %and3A_35 : vector<2048x256xi32>
    %convert_element_type3A_37 = arith.sitofp %and3A_36 : vector<2048x256xi32> to vector<2048x256xf32>
    %convert_element_type3A_38 = arith.truncf %convert_element_type3A_37 : vector<2048x256xf32> to vector<2048x256xbf16>
    %get3A_39 = arith.constant 512 : index
    %get3A_40 = arith.constant 0 : index
    %get3A_41 = vector.load %arg2[%get3A_39, %get3A_40] : memref<1024x128xbf16, #tpu.memory_space<vmem>>, vector<256x128xbf16>
    %dot_general3A_42 = arith.constant dense<0.000000e+00> : vector<2048x128xf32>
    %dot_general3A_43 = tpu.matmul %convert_element_type3A_38, %get3A_41, %dot_general3A_42 {dimension_numbers = #tpu.dot_dimension_numbers<[1], [0], [0], [1], [0, 0, 1, 1], [], []>, transpose_lhs_hint = false} : vector<2048x256xbf16>, vector<256x128xbf16>, vector<2048x128xf32> -> vector<2048x128xf32>
    %add3A_44 = arith.addf %add3A_30, %dot_general3A_43 : vector<2048x128xf32>
    %shift_right_logical3A_45 = arith.constant 24 : i32
    %shift_right_logical3A_46 = vector.broadcast %shift_right_logical3A_45 : i32 to vector<2048x256xi32>
    %shift_right_logical3A_47 = arith.shrui %get3A_1, %shift_right_logical3A_46 : vector<2048x256xi32>
    %and3A_48 = arith.constant 255 : i32
    %and3A_49 = vector.broadcast %and3A_48 : i32 to vector<2048x256xi32>
    %and3A_50 = arith.andi %shift_right_logical3A_47, %and3A_49 : vector<2048x256xi32>
    %convert_element_type3A_51 = arith.sitofp %and3A_50 : vector<2048x256xi32> to vector<2048x256xf32>
    %convert_element_type3A_52 = arith.truncf %convert_element_type3A_51 : vector<2048x256xf32> to vector<2048x256xbf16>
    %get3A_53 = arith.constant 768 : index
    %get3A_54 = arith.constant 0 : index
    %get3A_55 = vector.load %arg2[%get3A_53, %get3A_54] : memref<1024x128xbf16, #tpu.memory_space<vmem>>, vector<256x128xbf16>
    %dot_general3A_56 = arith.constant dense<0.000000e+00> : vector<2048x128xf32>
    %dot_general3A_57 = tpu.matmul %convert_element_type3A_52, %get3A_55, %dot_general3A_56 {dimension_numbers = #tpu.dot_dimension_numbers<[1], [0], [0], [1], [0, 0, 1, 1], [], []>, transpose_lhs_hint = false} : vector<2048x256xbf16>, vector<256x128xbf16>, vector<2048x128xf32> -> vector<2048x128xf32>
    %add3A_58 = arith.addf %add3A_44, %dot_general3A_57 : vector<2048x128xf32>
    %swap3A = arith.constant 0 : index
    %swap3A_59 = arith.constant 0 : index
    %swap3A_60 = vector.load %arg4[%swap3A, %swap3A_59] : memref<2048x128xf32, #tpu.memory_space<vmem>>, vector<2048x128xf32>
    tpu.vector_store %arg4[%swap3A, %swap3A_59], %add3A_58 {strides = array<i32>} : memref<2048x128xf32, #tpu.memory_space<vmem>>, vector<2048x128xf32>,
    return
  }
  func.func @transform_0(%arg0: i32) -> (i32, i32) {
    %c0_i32 = arith.constant 0 : i32
    %c0_i32_0 = arith.constant 0 : i32
    return %arg0, %c0_i32 : i32, i32
  }
  func.func @transform_1(%arg0: i32) -> (i32, i32) {
    %c0_i32 = arith.constant 0 : i32
    %c0_i32_0 = arith.constant 0 : i32
    %c0_i32_1 = arith.constant 0 : i32
    return %c0_i32, %c0_i32_0 : i32, i32
  }
  func.func @transform_2(%arg0: i32) -> (i32, i32) {
    %c0_i32 = arith.constant 0 : i32
    %c0_i32_0 = arith.constant 0 : i32
    %c0_i32_1 = arith.constant 0 : i32
    return %c0_i32, %c0_i32_0 : i32, i32
  }
  func.func @transform_3(%arg0: i32) -> (i32, i32) {
    %c0_i32 = arith.constant 0 : i32
    %c0_i32_0 = arith.constant 0 : i32
    return %arg0, %c0_i32 : i32, i32
  }
}

</mosaic_0001>

<sc_bundles>
// kernel: sc_row_histogram.3.cloned.1.call-start
scs
__scs_entry_jumppad:
0x0: {  	(pc) =	sbr.rel $0x88, $3  }
0x1: {  	(tag) =	ssettag $0x0;
	lr =	simm.s32 $0x1  }
0x2: {  	[smem:$0x3F9D] =	sst lr;
	_ =	strace $0xD0000000  }
0x3: {  	_ = 	snop  }
0x4: {  	_ = 	snop  }
0x5: {  	_ = 	snop  }
0x6: {  	_ = 	snop  }
0x7: {  	_ = 	snop  }
__scs_overlays_trampoline_lowered:
0x8: {  	[smem:$0x3FAC] =	sst s0  }
0x9: {  	[smem:$0x3FAD] =	sst s1  }
0xa: {  	[smem:$0x3FAE] =	sst s2  }
0xb: {  	[smem:$0x3FAF] =	sst s3  }
0xc: {  	[smem:$0x3FB0] =	sst s4  }
0xd: {  	[smem:$0x3FB1] =	sst s5  }
0xe: {  	[smem:$0x3FB2] =	sst s6  }
0xf: {  	[smem:$0x3FB3] =	sst s7  }
0x10: {  	[smem:$0x3FB4] =	sst s8  }
0x11: {  	[smem:$0x3FB5] =	sst s9;
	s0 =	simm.s32 @!p0 $0x0  }
0x12: {  	s1 =	sld [smem:$0x3F9B];
	s0 =	simm.s32 @p0 $0x1  }
0x13: {  	[smem:$0x3FB6] =	sst s0;
	s0 =	simm.s32 @!p1 $0x0  }
0x14: {  	s2 =	sld [smem:$0x3F9A];
	s0 =	simm.s32 @p1 $0x1  }
0x15: {  	[smem:$0x3FB7] =	sst s0;
	s0 =	simm.s32 @!p2 $0x0  }
0x16: {  	s3 =	sld [smem:$0x3FDB];
	s0 =	simm.s32 @p2 $0x1  }
0x17: {  	s4 =	simm.s32 $0x1BF5;
	[smem:$0x3FB9] =	sst s0  }
0x18: {  	s0 =	sld [smem:$0x3F9C];
	_ =	swait.ge [sflag:s4], $0x0  }
0x19: {  	s7 =	sld [smem:$0x3F9D]  }
0x1a: {  	s8 =	sadd.s32 $0xFFFFE003, lr  }
0x1b: {  	s9 =	sadd.s32 $0xFFFFFEF7, lr;
	s5 =	simm.s32 $0xFFFFFFFF;
	p2 =	slt.u32 s8, $0xFFFFF086  }
0x1c: {  	p1 =	slt.u32 s9, $0xF7A;
	s5 =	simm.s32 @!p2 $0x0  }
0x1d: {  	s5 =	simm.s32 @p1 $0x1;
	p0 =	seq.s32 s7, s2  }
0x1e: {  	s7 =	smul.u32 @!p0 $0xF7A, s2;
	p2 =	seq.s32 @!p0 s5, $0x0  }
0x1f: {  	s9 =	smul.u32 $0xF7A, s1;
	s8 =	simm.s32 @!p0 $0x1BF5;
	p2 =	por !p2, p0  }
0x20: {  	[sflag:s8] =	ssyncset.s32 @!p0 $0xFFFFF086;
	s6 =	sadd.s32 @!p0 s3, s7;
	s7 =	simm.s32 @!p0 $0x108  }
0x21: {  	s3 =	sadd.s32 s3, s9;
	s6 =	sadd.s32 @!p0 $0x88, s6;
	s7 =	simm.s32 @p2 $0x1082  }
0x22: {  	[simem:s7], [sflag:s8] =	dma.local @!p0 [hbm:s6], $0xF7A  }
0x23: {  	s9 =	sor.u32 $0xD0000000, s2;
	s6 =	simm.s32 $0x108;
	_ =	swait.ge @!p0 [sflag:s8], $0x0  }
0x24: {  	s3 =	sadd.s32 $0x88, s3;
	s6 =	simm.s32 @!p1 $0x1082;
	[sflag:s4] =	ssyncset.s32 $0xFFFFF086  }
0x25: {  	[simem:s6], [sflag:s4] =	dma.local [hbm:s3], $0xF7A  }
0x26: {  	[smem:$0x3F9D] =	sst s1;
	(tag) =	ssettag s2;
	_ =	strace s9  }
0x27: {  	s1 =	sld [smem:$0x3FAD]  }
0x28: {  	s2 =	sld [smem:$0x3FAE]  }
0x29: {  	s4 =	sld [smem:$0x3FB0]  }
0x2a: {  	p0 =	seq.s32 s5, $0x0;
	s5 =	sld [smem:$0x3FB1]  }
0x2b: {  	s6 =	sld [smem:$0x3FB2]  }
0x2c: {  	s7 =	sld [smem:$0x3FB3]  }
0x2d: {  	s3 =	simm.s32 $0x108;
	s8 =	sld [smem:$0x3FB4]  }
0x2e: {  	s3 =	simm.s32 @!p0 $0x1082;
	s9 =	sld [smem:$0x3FB5]  }
0x2f: {  	lr =	sadd.s32 s0, s3;
	s0 =	sld [smem:$0x3FAC]  }
0x30: {  	s3 =	sld [smem:$0x3FAF]  }
0x31: {  	[smem:$0x3FB8] =	sst s10  }
0x32: {  	s10 =	sld [smem:$0x3FB6];
	_ =	sdelay $0x3  }
0x33: {  	p0 =	seq.s32 s10, $0x1;
	s10 =	sld [smem:$0x3FB8];
	_ =	sdelay $0x3  }
0x34: {  	[smem:$0x3FB8] =	sst s10  }
0x35: {  	s10 =	sld [smem:$0x3FB7];
	_ =	sdelay $0x3  }
0x36: {  	p1 =	seq.s32 s10, $0x1;
	s10 =	sld [smem:$0x3FB8];
	_ =	sdelay $0x3  }
0x37: {  	[smem:$0x3FB8] =	sst s10  }
0x38: {  	s10 =	sld [smem:$0x3FB9]  }
0x39: {  	_ = 	snop;
	(pc) =	sbr.ind lr, $3  }
0x3a: {  	_ = 	snop  }
0x3b: {  	_ = 	snop  }
0x3c: {  	p2 =	seq.s32 s10, $0x1;
	s10 =	sld [smem:$0x3FB8]  }
0x3d: {  	_ =	shalt  }
0x3e: {  	_ =	shalt  }
0x3f: {  	_ =	shalt  }
0x40: {  	_ =	shalt  }
0x41: {  	_ =	shalt  }
0x42: {  	_ =	shalt  }
0x43: {  	_ =	shalt  }
0x44: {  	_ =	shalt  }
0x45: {  	_ =	shalt  }
0x46: {  	_ =	shalt  }
0x47: {  	_ =	shalt  }
0x48: {  	_ =	shalt  }
0x49: {  	_ =	shalt  }
0x4a: {  	_ =	shalt  }
0x4b: {  	_ =	shalt  }
0x4c: {  	_ =	shalt  }
0x4d: {  	_ =	shalt  }
0x4e: {  	_ =	shalt  }
0x4f: {  	_ =	shalt  }
0x50: {  	_ =	shalt  }
0x51: {  	_ =	shalt  }
0x52: {  	_ =	shalt  }
0x53: {  	_ =	shalt  }
0x54: {  	_ =	shalt  }
0x55: {  	_ =	shalt  }
0x56: {  	_ =	shalt  }
0x57: {  	_ =	shalt  }
0x58: {  	_ =	shalt  }
0x59: {  	_ =	shalt  }
0x5a: {  	_ =	shalt  }
0x5b: {  	_ =	shalt  }
0x5c: {  	_ =	shalt  }
0x5d: {  	_ =	shalt  }
0x5e: {  	_ =	shalt  }
0x5f: {  	_ =	shalt  }
0x60: {  	_ =	shalt  }
0x61: {  	_ =	shalt  }
0x62: {  	_ =	shalt  }
0x63: {  	_ =	shalt  }
0x64: {  	_ =	shalt  }
0x65: {  	_ =	shalt  }
0x66: {  	_ =	shalt  }
0x67: {  	_ =	shalt  }
0x68: {  	_ =	shalt  }
0x69: {  	_ =	shalt  }
0x6a: {  	_ =	shalt  }
0x6b: {  	_ =	shalt  }
0x6c: {  	_ =	shalt  }
0x6d: {  	_ =	shalt  }
0x6e: {  	_ =	shalt  }
0x6f: {  	_ =	shalt  }
0x70: {  	_ =	shalt  }
0x71: {  	_ =	shalt  }
0x72: {  	_ =	shalt  }
0x73: {  	_ =	shalt  }
0x74: {  	_ =	shalt  }
0x75: {  	_ =	shalt  }
0x76: {  	_ =	shalt  }
0x77: {  	_ =	shalt  }
0x78: {  	_ =	shalt  }
0x79: {  	_ =	shalt  }
0x7a: {  	_ =	shalt  }
0x7b: {  	_ =	shalt  }
0x7c: {  	_ =	shalt  }
0x7d: {  	_ =	shalt  }
0x7e: {  	_ =	shalt  }
0x7f: {  	_ =	shalt  }
0x80: {  	_ =	shalt  }
0x81: {  	_ =	shalt  }
0x82: {  	_ =	shalt  }
0x83: {  	_ =	shalt  }
0x84: {  	_ =	shalt  }
0x85: {  	_ =	shalt  }
0x86: {  	_ =	shalt  }
0x87: {  	_ =	shalt  }
.Lfunc_end0:
.L_simem_size_0:
called_computation_lowered:
.L_overlay_start_0:
0x88: {  	s2 =	sld [smem:$0x3FD9]  }
0x89: {  	s3 =	sld [smem:$0x3FFE];
	_ =	sdelay $0x1  }
0x8a: {  	s1 =	srdreg.scid  }
0x8b: {  	s0 =	sand.u32 $0x1, s1  }
0x8c: {  	s16 =	sshll.u32 s0, $0xA;
	s2 =	sadd.s32 s3, s2  }
0x8d: {  	s2 =	sadd.s32 s2, s16  }
0x8e: {  	[smem:$0x3FC4] =	sst s2  }
0x8f: {  	_ = 	snop  }
0x90: {  	(tm) =	ssettm $0x1  }
0x91: {  	s17 =	sld [smem:$0x3FFB];
	_ =	sdelay $0x3  }
0x92: {  	_ =	strace s17  }
0x93: {  	s2 =	sld [smem:$0x3FFC];
	_ =	sdelay $0x3  }
0x94: {  	_ =	strace s2  }
0x95: {  	s2 =	sld [smem:$0x3FFD];
	_ =	sdelay $0x3  }
0x96: {  	_ =	strace s2  }
0x97: {  	_ =	strace $0x8FFFFFFF  }
0x98: {  	s18 =	sld [smem:$0x3FDB];
	_ =	sdelay $0x1  }
0x99: {  	s19 =	simm.s32 $_scs_section_size  }
0x9a: {  	s4 =	simm.s32 $_size__tile_overlayer_lowered;
	s5 =	simm.s32 $_tile_overlayer_lowered  }
0x9b: {  	s22 =	simm.s32 $0x1BFF;
	s21 =	sshll.u32 s5, $0x1;
	s2 =	sadd.s32 s19, s18  }
0x9c: {  	s6 =	simm.s32 $0x0;
	s20 =	sshll.u32 s4, $0x1;
	s4 =	sadd.s32 s21, s2  }
0x9d: {  	[timem:s6], [sflag:s22] =	dma.local [hbm:s4], s20  }
0x9e: {  	_ =	swait.ge [sflag:s22], s20  }
0x9f: {  	s3 =	ssub.s32 $0x0, s20;
	[sflag:s22] =	ssyncset.done $0x0  }
0xa0: {  	[sflag:s22] =	ssyncadd.s32 s3;
	_ =	sdelay $0x1  }
0xa1: {  	s23 =	simm.s32 $0x1B8B  }
0xa2: {  	_ =	swait.ge [sflag:s23], $0x1  }
0xa3: {  	[sflag:s23] =	ssyncset.done $0x0  }
0xa4: {  	s25 =	simm.s32 $0x1B8E;
	s24 =	sld [smem:$0x3FFE];
	[sflag:s23] =	ssyncadd.s32 $0xFFFFFFFF  }
0xa5: {  	s26 =	simm.s32 $execute0_lowered;
	[smem:$0x3FD2] =	sst s25  }
0xa6: {  	s4 =	sshll.u32 s26, $0x1;
	_ =	strace $0x80000046;
	[dreg:$0x1] =	wrdreg $0xFFFFFFFF  }
0xa7: {  	s28 =	simm.s32 $_size_execute0_lowered;
	s2 =	sadd.s32 s2, s4;
	[dreg:$0x0] =	wrdreg $0x0  }
0xa8: {  	s4 =	sshll.u32 s28, $0x1;
	[dreg:$0x2] =	wrdreg s2  }
0xa9: {  	[dreg:$0x3] =	wrdreg s4  }
0xaa: {  	[dreg:$0x4] =	wrdreg $0xC0  }
0xab: {  	_ =	task [dreg:s6], $0x5FFFF  }
0xac: {  	[dreg:$0x1] =	wrdreg $0xFFFFFFFF  }
0xad: {  	[dreg:$0x0] =	wrdreg $0x60  }
0xae: {  	[dreg:$0x2] =	wrdreg s24  }
0xaf: {  	[dreg:$0x3] =	wrdreg $0x9  }
0xb0: {  	_ =	task.clear_ibuf [dreg:s6], $0x4FFFF;
	_ =	strace $0x90000046  }
0xb1: {  	s29 =	simm.s32 $0x9;
	_ =	strace $0x80000048  }
0xb2: {  	_ =	swait.ge [sflag:s29], $0x1  }
0xb3: {  	[sflag:s29] =	ssyncadd.s32 $0xFFFFFFFF  }
0xb4: {  	_ =	strace $0x90000048  }
0xb5: {  	_ =	sfence  }
0xb6: {  	s30 =	sld [smem:$0x0];
	_ =	sdelay $0x2  }
0xb7: {  	s31 =	sshll.u32 s1, $0xD;
	s1 =	sshrl.u32 s1, $0x2  }
0xb8: {  	s3 =	sand.u32 $0x4000, s31;
	s1 =	sadd.s32 s1, s30  }
0xb9: {  	s0 =	sor.u32 s3, s0;
	s1 =	sshll.u32 s1, $0x11  }
0xba: {  	s0 =	sor.u32 s1, s0  }
0xbb: {  	s0 =	sadd.s32 $0x8F2B, s0  }
0xbc: {  	[sflag:s0] =	ssyncadd.remote.s32 $0x1  }
0xbd: {  	_ =	sfence.sel $0xFFFF  }
0xbe: {  	[dreg:$0x0] =	wrdreg $0xFFFFFFFF;
	(pc) =	sbr.abs _section_cstart, $3  }
0xbf: {  	[dreg:$0x1] =	wrdreg $0xFFFFFFFF  }
0xc0: {  	_ =	task.clear_ibuf [dreg:s6], $0x2FFFF;
	_ =	strace $0x9FFFFFFF  }
0xc1: {  	(tm) =	ssettm $0x7FFFFFFF  }
tec
execute0_lowered:
.L_overlay_start_1:
0x0: {  	(tag) =	ssettag $0x1  }
0x1: {  	s3 =	rddreg [dreg:$0x0]  }
0x2: {  	s0 =	rddreg [dreg:$0x1];
	s4 =	srdreg.scid  }
0x3: {  	s2 =	simm.s32 $0x0;
	s1 =	stileid.u32;
	s9 =	simm.s32 $0x1  }
0x4: {  	s10 =	simm.s32 $0x8000;
	s11 =	simm.s32 $0xA000;
	s12 =	simm.s32 $0x2  }
0x5: {  	s13 =	simm.s32 $0x3;
	s14 =	simm.s32 $0x0;
	s4 =	sand.u32 $0x1, s4  }
0x6: {  	s5 =	sshll.u32 s1, $0xD;
	s6 =	sshll.u32 s4, $0xC;
	s4 =	ssub.s32 $0x2, s4  }
0x7: {  	[smem:$0x7FF] =	sst s2;
	s5 =	sor.u32 s6, s5;
	s31 =	sshrl.u32 s4, $0x1  }
0x8: {  	_ =	strace $0x80000047;
	s7 =	sadd.s32 s5, s3;
	s8 =	ssub.s32 s4, s31  }
0x9: {  	s3 =	sadd.s32 $0xC00, s7;
	s4 =	sadd.s32 $0x20C00, s7;
	s5 =	sadd.s32 $0x21000, s7  }
0xa: {  	v0 =	vimm.s32 $0x0;
	v1 =	vimm.s32 $0x1;
	vm0 =	vcmask $0x3F20;
	s6 =	sadd.s32 $0x21400, s7;
	s7 =	sadd.s32 $0x21800, s7;
	s8 =	smax.u32 s8, $0x1  }
.LBB2_1:
0xb: {  	[tilespmem:s2], [sflag:$0x1] =	stream.linear.gather [hbm4b:s3+s2], $0x8000, $0x38;
	[tilespmem:$0xC000] =	vst v63  }
0xc: {  	s15 =	sand.u32 $0x1800, s2;
	s16 =	sand.u32 $0x380, s2  }
0xd: {  	s15 =	sor.u32 s16, s15  }
0xe: {  	[tilespmem:s15+$0x8470] =	vst v0  }
0xf: {  	[tilespmem:s15+$0x8000] =	vst v0  }
0x10: {  	[tilespmem:s15+$0x8010] =	vst v0  }
0x11: {  	[tilespmem:s15+$0x8020] =	vst v0  }
0x12: {  	[tilespmem:s15+$0x8030] =	vst v0  }
0x13: {  	[tilespmem:s15+$0x8040] =	vst v0  }
0x14: {  	[tilespmem:s15+$0x8050] =	vst v0  }
0x15: {  	[tilespmem:s15+$0x8060] =	vst v0  }
0x16: {  	[tilespmem:s15+$0x8070] =	vst v0  }
0x17: {  	[tilespmem:s15+$0x8400] =	vst v0  }
0x18: {  	[tilespmem:s15+$0x8410] =	vst v0  }
0x19: {  	[tilespmem:s15+$0x8420] =	vst v0  }
0x1a: {  	[tilespmem:s15+$0x8430] =	vst v0  }
0x1b: {  	s17 =	simm.s32 $0x100;
	s16 =	simm.s32 $0x80;
	[tilespmem:s15+$0x8440] =	vst v0  }
0x1c: {  	s18 =	sand.u32 $0x1800, s17;
	s17 =	simm.s32 $0x200;
	s19 =	sand.u32 $0x380, s16;
	[tilespmem:s15+$0x8450] =	vst v0  }
.LBB2_2:
0x1d: {  	p0 =	sne.s32 s17, $0x1F00;
	[tilespmem:s15+$0x8460] =	vst v0;
	s15 =	sor.u32 s19, s18  }
0x1e: {  	[tilespmem:s15+$0x8470] =	vst v0  }
0x1f: {  	[tilespmem:s15+$0x8000] =	vst v0  }
0x20: {  	[tilespmem:s15+$0x8010] =	vst v0  }
0x21: {  	[tilespmem:s15+$0x8020] =	vst v0  }
0x22: {  	[tilespmem:s15+$0x8030] =	vst v0  }
0x23: {  	[tilespmem:s15+$0x8040] =	vst v0  }
0x24: {  	[tilespmem:s15+$0x8050] =	vst v0  }
0x25: {  	[tilespmem:s15+$0x8060] =	vst v0  }
0x26: {  	[tilespmem:s15+$0x8070] =	vst v0  }
0x27: {  	[tilespmem:s15+$0x8400] =	vst v0  }
.Ltmp0:
0x28: {  	[tilespmem:s15+$0x8410] =	vst v0;
	(pc) =	sbr.rel @p0 .LBB2_2-.Ltmp0, $4  }
0x29: {  	[tilespmem:s15+$0x8420] =	vst v0  }
0x2a: {  	[tilespmem:s15+$0x8430] =	vst v0  }
0x2b: {  	s16 =	sadd.s32 $0x80, s16;
	[tilespmem:s15+$0x8440] =	vst v0  }
0x2c: {  	s18 =	sand.u32 $0x1800, s17;
	s17 =	sadd.s32 $0x100, s17;
	s19 =	sand.u32 $0x380, s16;
	[tilespmem:s15+$0x8450] =	vst v0  }
0x2d: {  	s16 =	sor.u32 s19, s18;
	[tilespmem:s15+$0x8460] =	vst v0  }
0x2e: {  	[tilespmem:s16+$0x8470] =	vst v0  }
0x2f: {  	[tilespmem:s16+$0x8000] =	vst v0  }
0x30: {  	[tilespmem:s16+$0x8010] =	vst v0  }
0x31: {  	[tilespmem:s16+$0x8020] =	vst v0  }
0x32: {  	[tilespmem:s16+$0x8030] =	vst v0  }
0x33: {  	[tilespmem:s16+$0x8040] =	vst v0  }
0x34: {  	[tilespmem:s16+$0x8050] =	vst v0  }
0x35: {  	[tilespmem:s16+$0x8060] =	vst v0  }
0x36: {  	[tilespmem:s16+$0x8070] =	vst v0  }
0x37: {  	[tilespmem:s16+$0x8400] =	vst v0  }
0x38: {  	[tilespmem:s16+$0x8410] =	vst v0  }
0x39: {  	[tilespmem:s16+$0x8420] =	vst v0  }
0x3a: {  	[tilespmem:s16+$0x8430] =	vst v0  }
0x3b: {  	[tilespmem:s16+$0x8440] =	vst v0  }
0x3c: {  	[tilespmem:s16+$0x8450] =	vst v0  }
0x3d: {  	[tilespmem:s16+$0x8460] =	vst v0  }
0x3e: {  	_ =	swait.ge [sflag:s9], $0x8000  }
0x3f: {  	s15 =	simm.s32 $0x0;
	[sflag:s9] =	ssyncset.done $0x0  }
0x40: {  	s17 =	simm.s32 $0x0;
	s16 =	simm.s32 $0x0;
	[sflag:s9] =	ssyncadd.s32 $0xFFFF8000  }
.LBB2_4:
0x41: {  	s18 =	sand.u32 $0x1800, s15;
	s19 =	sand.u32 $0x300, s16  }
0x42: {  	s19 =	sor.u32 s19, s18  }
0x43: {  	v2 =	vld [tilespmem:s19+$0x0]  }
0x44: {  	v3 =	vld [tilespmem:s19+$0x10]  }
0x45: {  	v4 =	vld [tilespmem:s19+$0x20]  }
0x46: {  	v5 =	vld [tilespmem:s19+$0x30]  }
0x47: {  	v6 =	vld [tilespmem:s19+$0x40]  }
0x48: {  	v7 =	vld [tilespmem:s19+$0x50]  }
0x49: {  	v9 =	vld [tilespmem:s19+$0x60]  }
0x4a: {  	v11 =	vld [tilespmem:s19+$0x70]  }
0x4b: {  	v8 =	vmov s17;
	v14 =	vld [tilespmem:s19+$0x400]  }
0x4c: {  	v22 =	vshll.u32 v8, $0x8;
	v8 =	vshll.u32 v8, $0x7  }
0x4d: {  	v22 =	vand.u32 $0x1800, v22;
	v8 =	vand.u32 $0x300, v8  }
0x4e: {  	v10 =	vshrl.u32 v2, $0x5;
	v12 =	vshrl.u32 v3, $0x5;
	v13 =	vshrl.u32 v4, $0x5  }
0x4f: {  	v15 =	vshrl.u32 v5, $0x5;
	v16 =	vshrl.u32 v6, $0x5;
	v17 =	vshrl.u32 v7, $0x5  }
0x50: {  	v18 =	vshrl.u32 v9, $0x5;
	v19 =	vshrl.u32 v11, $0x5;
	v20 =	vshrl.u32 v14, $0x5  }
0x51: {  	v34 =	vld [tilespmem:s19+$0x410];
	v21 =	vshll.u32 v2, $0x3;
	v2 =	vand.u32 $0x7F, v2;
	v26 =	vshll.u32 v3, $0x3  }
0x52: {  	v35 =	vld [tilespmem:s19+$0x420];
	v3 =	vand.u32 $0x7F, v3;
	v23 =	vshll.u32 v4, $0x3;
	v4 =	vand.u32 $0x7F, v4  }
0x53: {  	v37 =	vld [tilespmem:s19+$0x438];
	v28 =	vshll.u32 v5, $0x3;
	v5 =	vand.u32 $0x7F, v5;
	v29 =	vshll.u32 v6, $0x3  }
0x54: {  	v6 =	vand.u32 $0x7F, v6;
	v31 =	vshll.u32 v7, $0x3;
	v7 =	vand.u32 $0x7F, v7  }
0x55: {  	v32 =	vshll.u32 v9, $0x3;
	v9 =	vand.u32 $0x7F, v9;
	v24 =	vshll.u32 v11, $0x3  }
0x56: {  	v11 =	vand.u32 $0x7F, v11;
	v25 =	vshll.u32 v14, $0x3;
	v14 =	vand.u32 $0x7F, v14  }
0x57: {  	v39 =	vshll.u32 v34, $0x3;
	v40 =	vshll.u32 v35, $0x3;
	v41 =	vand.u32 $0x7F, v35  }
0x58: {  	v45 =	vshll.u32 v37, $0x3;
	v46 =	vand.u32 $0x7F, v37;
	v48 =	vshrl.u32 v34, $0x5  }
0x59: {  	v10 =	vand.u32 $0x7FFFFF8, v10;
	v12 =	vand.u32 $0x7FFFFF8, v12;
	v13 =	vand.u32 $0x7FFFFF8, v13  }
0x5a: {  	v15 =	vand.u32 $0x7FFFFF8, v15;
	v16 =	vand.u32 $0x7FFFFF8, v16;
	v17 =	vand.u32 $0x7FFFFF8, v17  }
0x5b: {  	v18 =	vand.u32 $0x7FFFFF8, v18;
	v19 =	vand.u32 $0x7FFFFF8, v19;
	v21 =	vand.u32 $0x400, v21  }
0x5c: {  	v27 =	vand.u32 $0x400, v23;
	v30 =	vand.u32 $0x400, v29;
	v33 =	vand.u32 $0x400, v32  }
0x5d: {  	v24 =	vand.u32 $0x400, v24;
	v36 =	vand.u32 $0x400, v25;
	v10 =	vshll.u32 v1, v10  }
0x5e: {  	v12 =	vshll.u32 v1, v12;
	v13 =	vshll.u32 v1, v13;
	v15 =	vshll.u32 v1, v15  }
0x5f: {  	v16 =	vshll.u32 v1, v16;
	v17 =	vshll.u32 v1, v17;
	v18 =	vshll.u32 v1, v18  }
0x60: {  	v19 =	vshll.u32 v1, v19;
	v2 =	vor.u32 v21, v2;
	v21 =	vand.u32 $0x400, v26  }
0x61: {  	v4 =	vor.u32 v27, v4;
	v6 =	vor.u32 v30, v6;
	v9 =	vor.u32 v33, v9  }
0x62: {  	v11 =	vor.u32 v24, v11;
	v14 =	vor.u32 v36, v14;
	v2 =	vor.u32 v22, v2  }
0x63: {  	v3 =	vor.u32 v21, v3;
	v4 =	vor.u32 v22, v4;
	v21 =	vand.u32 $0x400, v28  }
0x64: {  	v6 =	vor.u32 v22, v6;
	v2 =	vor.u32 v8, v2;
	v3 =	vor.u32 v22, v3  }
0x65: {  	v9 =	vor.u32 v22, v9;
	v11 =	vor.u32 v22, v11;
	v3 =	vor.u32 v8, v3  }
0x66: {  	v26 =	vld [tilespmem:s19+$0x430];
	v38 =	vor.u32 v22, v14;
	v5 =	vor.u32 v21, v5;
	v21 =	vand.u32 $0x400, v31  }
0x67: {  	v4 =	vor.u32 v8, v4;
	v5 =	vor.u32 v22, v5;
	v7 =	vor.u32 v21, v7  }
0x68: {  	v6 =	vor.u32 v8, v6;
	v5 =	vor.u32 v8, v5;
	v7 =	vor.u32 v22, v7  }
0x69: {  	v42 =	vand.u32 $0x400, v40;
	v9 =	vor.u32 v8, v9;
	v7 =	vor.u32 v8, v7;
	[tilespmem:v2+s10+$0x0] =	vst.idx.add.s32.msk $0xffff, v10  }
0x6a: {  	v2 =	vor.u32 v8, v11;
	v11 =	vand.u32 $0x400, v39;
	[tilespmem:v3+s10+$0x0] =	vst.idx.add.s32.msk $0xffff, v12;
	v3 =	vand.u32 $0x7F, v34  }
0x6b: {  	v43 =	vshll.u32 v26, $0x3;
	v10 =	vor.u32 v8, v38;
	v3 =	vor.u32 v11, v3  }
0x6c: {  	v44 =	vand.u32 $0x7F, v26;
	[tilespmem:v4+s10+$0x0] =	vst.idx.add.s32.msk $0xffff, v13;
	v4 =	vor.u32 v42, v41;
	v3 =	vor.u32 v22, v3  }
0x6d: {  	[tilespmem:v5+s10+$0x0] =	vst.idx.add.s32.msk $0xffff, v15;
	v4 =	vor.u32 v22, v4;
	v5 =	vand.u32 $0x400, v43;
	v3 =	vor.u32 v8, v3  }
0x6e: {  	v47 =	vand.u32 $0x400, v45;
	[tilespmem:v6+s10+$0x0] =	vst.idx.add.s32.msk $0xffff, v16;
	v5 =	vor.u32 v5, v44;
	v4 =	vor.u32 v8, v4  }
0x6f: {  	v49 =	vshrl.u32 v35, $0x5;
	v6 =	vor.u32 v47, v46;
	[tilespmem:v7+s10+$0x0] =	vst.idx.add.s32.msk $0xffff, v17;
	v5 =	vor.u32 v22, v5  }
0x70: {  	v20 =	vand.u32 $0x7FFFFF8, v20;
	v6 =	vor.u32 v22, v6;
	[tilespmem:v9+s10+$0x0] =	vst.idx.add.s32.msk $0xffff, v18;
	v5 =	vor.u32 v8, v5  }
0x71: {  	v20 =	vshll.u32 v1, v20;
	v7 =	vand.u32 $0x7FFFFF8, v48;
	[tilespmem:v2+s10+$0x0] =	vst.idx.add.s32.msk $0xffff, v19;
	v2 =	vor.u32 v8, v6  }
0x72: {  	v51 =	vand.u32 $0x7FFFFF8, v49;
	v52 =	vshrl.u32 v26, $0x5;
	v50 =	vshll.u32 v1, v7;
	[tilespmem:v10+s10+$0x0] =	vst.idx.add.s32.msk $0xffff, v20  }
0x73: {  	v53 =	vshrl.u32 v37, $0x5;
	v7 =	vshll.u32 v1, v51;
	v8 =	vand.u32 $0x7FFFFF8, v52;
	[tilespmem:v3+s10+$0x0] =	vst.idx.add.s32.msk $0xffff, v50  }
0x74: {  	s30 =	sadd.s32 $0x80, s16;
	v54 =	vand.u32 $0x7FFFFF8, v53;
	v3 =	vshll.u32 v1, v8;
	[tilespmem:v4+s10+$0x0] =	vst.idx.add.s32.msk $0xffff, v7  }
0x75: {  	v55 =	vshll.u32 v1, v54;
	s19 =	sand.u32 $0x380, s30;
	[tilespmem:v5+s10+$0x0] =	vst.idx.add.s32.msk $0xffff, v3  }
0x76: {  	s18 =	sor.u32 s19, s18;
	[tilespmem:v2+s10+$0x0] =	vst.idx.add.s32.msk vm0, v55  }
0x77: {  	v2 =	vld [tilespmem:s18+$0x0]  }
0x78: {  	v3 =	vld [tilespmem:s18+$0x10]  }
0x79: {  	v4 =	vld [tilespmem:s18+$0x20]  }
0x7a: {  	v5 =	vld [tilespmem:s18+$0x30]  }
0x7b: {  	v56 =	vld [tilespmem:s18+$0x40]  }
0x7c: {  	v7 =	vld [tilespmem:s18+$0x50]  }
0x7d: {  	v58 =	vld [tilespmem:s18+$0x60]  }
0x7e: {  	s31 =	sadd.s32 $0x1, s17;
	v60 =	vld [tilespmem:s18+$0x70]  }
0x7f: {  	v57 =	vmov s31;
	v63 =	vld [tilespmem:s18+$0x400]  }
0x80: {  	v8 =	vshll.u32 v57, $0x7  }
0x81: {  	v29 =	vshll.u32 v57, $0x8;
	v8 =	vand.u32 $0x380, v8;
	v59 =	vshrl.u32 v2, $0x5  }
0x82: {  	v61 =	vshrl.u32 v3, $0x5;
	v62 =	vshrl.u32 v4, $0x5;
	v22 =	vshrl.u32 v5, $0x5  }
0x83: {  	v23 =	vshrl.u32 v56, $0x5;
	v24 =	vshrl.u32 v7, $0x5;
	v25 =	vshrl.u32 v58, $0x5  }
0x84: {  	v39 =	vld [tilespmem:s18+$0x410];
	v26 =	vshrl.u32 v60, $0x5;
	v27 =	vshrl.u32 v63, $0x5;
	v28 =	vshll.u32 v2, $0x3  }
0x85: {  	v40 =	vld [tilespmem:s18+$0x420];
	v2 =	vand.u32 $0x7F, v2;
	v30 =	vshll.u32 v3, $0x3;
	v3 =	vand.u32 $0x7F, v3  }
0x86: {  	v43 =	vld [tilespmem:s18+$0x430];
	v31 =	vshll.u32 v4, $0x3;
	v4 =	vand.u32 $0x7F, v4;
	v33 =	vshll.u32 v5, $0x3  }
0x87: {  	v45 =	vld [tilespmem:s18+$0x438];
	v5 =	vand.u32 $0x7F, v5;
	v34 =	vshll.u32 v56, $0x3;
	v6 =	vand.u32 $0x7F, v56  }
0x88: {  	v36 =	vshll.u32 v7, $0x3;
	v7 =	vand.u32 $0x7F, v7;
	v37 =	vshll.u32 v58, $0x3  }
0x89: {  	v9 =	vand.u32 $0x7F, v58;
	v41 =	vshll.u32 v60, $0x3;
	v11 =	vand.u32 $0x7F, v60  }
0x8a: {  	v42 =	vshll.u32 v63, $0x3;
	v14 =	vand.u32 $0x7F, v63;
	v47 =	vshll.u32 v39, $0x3  }
0x8b: {  	v48 =	vshll.u32 v40, $0x3;
	v49 =	vand.u32 $0x7F, v40;
	v51 =	vshll.u32 v43, $0x3  }
0x8c: {  	v52 =	vand.u32 $0x7F, v43;
	v53 =	vshll.u32 v45, $0x3;
	v54 =	vand.u32 $0x7F, v45  }
0x8d: {  	v10 =	vand.u32 $0x7FFFFF8, v59;
	v12 =	vand.u32 $0x7FFFFF8, v61;
	v13 =	vand.u32 $0x7FFFFF8, v62  }
0x8e: {  	v15 =	vand.u32 $0x7FFFFF8, v22;
	v16 =	vand.u32 $0x7FFFFF8, v23;
	v17 =	vand.u32 $0x7FFFFF8, v24  }
0x8f: {  	v18 =	vand.u32 $0x7FFFFF8, v25;
	v19 =	vand.u32 $0x7FFFFF8, v26;
	v21 =	vand.u32 $0x400, v28  }
0x90: {  	v22 =	vand.u32 $0x1800, v29;
	v32 =	vand.u32 $0x400, v31;
	v35 =	vand.u32 $0x400, v34  }
0x91: {  	v38 =	vand.u32 $0x400, v37;
	v24 =	vand.u32 $0x400, v41;
	v44 =	vand.u32 $0x400, v42  }
0x92: {  	v10 =	vshll.u32 v1, v10;
	v12 =	vshll.u32 v1, v12;
	v13 =	vshll.u32 v1, v13  }
0x93: {  	v15 =	vshll.u32 v1, v15;
	v16 =	vshll.u32 v1, v16;
	v17 =	vshll.u32 v1, v17  }
0x94: {  	v18 =	vshll.u32 v1, v18;
	v19 =	vshll.u32 v1, v19;
	v2 =	vor.u32 v21, v2  }
0x95: {  	v21 =	vand.u32 $0x400, v30;
	v4 =	vor.u32 v32, v4;
	v6 =	vor.u32 v35, v6  }
0x96: {  	v9 =	vor.u32 v38, v9;
	v11 =	vor.u32 v24, v11;
	v14 =	vor.u32 v44, v14  }
0x97: {  	v2 =	vor.u32 v22, v2;
	v3 =	vor.u32 v21, v3;
	v4 =	vor.u32 v22, v4  }
0x98: {  	v21 =	vand.u32 $0x400, v33;
	v2 =	vor.u32 v8, v2;
	v3 =	vor.u32 v22, v3  }
0x99: {  	v6 =	vor.u32 v22, v6;
	v9 =	vor.u32 v22, v9;
	v3 =	vor.u32 v8, v3  }
0x9a: {  	v11 =	vor.u32 v22, v11;
	v5 =	vor.u32 v21, v5;
	v21 =	vand.u32 $0x400, v36  }
0x9b: {  	v4 =	vor.u32 v8, v4;
	v5 =	vor.u32 v22, v5;
	v7 =	vor.u32 v21, v7  }
0x9c: {  	v46 =	vor.u32 v22, v14;
	v5 =	vor.u32 v8, v5;
	v7 =	vor.u32 v22, v7  }
0x9d: {  	v50 =	vand.u32 $0x400, v48;
	v6 =	vor.u32 v8, v6;
	v7 =	vor.u32 v8, v7;
	[tilespmem:v2+s10+$0x0] =	vst.idx.add.s32.msk $0xffff, v10  }
0x9e: {  	v2 =	vor.u32 v8, v11;
	v11 =	vand.u32 $0x400, v47;
	[tilespmem:v3+s10+$0x0] =	vst.idx.add.s32.msk $0xffff, v12;
	v3 =	vand.u32 $0x7F, v39  }
0x9f: {  	v9 =	vor.u32 v8, v9;
	v10 =	vor.u32 v8, v46;
	v3 =	vor.u32 v11, v3  }
0xa0: {  	v56 =	vshrl.u32 v39, $0x5;
	[tilespmem:v4+s10+$0x0] =	vst.idx.add.s32.msk $0xffff, v13;
	v4 =	vor.u32 v50, v49;
	v3 =	vor.u32 v22, v3  }
0xa1: {  	[tilespmem:v5+s10+$0x0] =	vst.idx.add.s32.msk $0xffff, v15;
	v4 =	vor.u32 v22, v4;
	v5 =	vand.u32 $0x400, v51;
	v3 =	vor.u32 v8, v3  }
0xa2: {  	v55 =	vand.u32 $0x400, v53;
	[tilespmem:v6+s10+$0x0] =	vst.idx.add.s32.msk $0xffff, v16;
	v5 =	vor.u32 v5, v52;
	v4 =	vor.u32 v8, v4  }
0xa3: {  	v57 =	vshrl.u32 v40, $0x5;
	v6 =	vor.u32 v55, v54;
	[tilespmem:v7+s10+$0x0] =	vst.idx.add.s32.msk $0xffff, v17;
	v5 =	vor.u32 v22, v5  }
0xa4: {  	v20 =	vand.u32 $0x7FFFFF8, v27;
	v6 =	vor.u32 v22, v6;
	[tilespmem:v9+s10+$0x0] =	vst.idx.add.s32.msk $0xffff, v18;
	v5 =	vor.u32 v8, v5  }
0xa5: {  	p0 =	sne.s32 s17, $0x1E;
	v20 =	vshll.u32 v1, v20;
	v7 =	vand.u32 $0x7FFFFF8, v56;
	[tilespmem:v2+s10+$0x0] =	vst.idx.add.s32.msk $0xffff, v19;
	v2 =	vor.u32 v8, v6  }
.Ltmp1:
0xa6: {  	v60 =	vshrl.u32 v43, $0x5;
	v59 =	vand.u32 $0x7FFFFF8, v57;
	v58 =	vshll.u32 v1, v7;
	[tilespmem:v10+s10+$0x0] =	vst.idx.add.s32.msk $0xffff, v20;
	(pc) =	sbr.rel @p0 .LBB2_4-.Ltmp1, $4  }
0xa7: {  	v61 =	vshrl.u32 v45, $0x5;
	v7 =	vshll.u32 v1, v59;
	v8 =	vand.u32 $0x7FFFFF8, v60;
	[tilespmem:v3+s10+$0x0] =	vst.idx.add.s32.msk $0xffff, v58  }
0xa8: {  	v62 =	vand.u32 $0x7FFFFF8, v61;
	v3 =	vshll.u32 v1, v8;
	[tilespmem:v4+s10+$0x0] =	vst.idx.add.s32.msk $0xffff, v7  }
0xa9: {  	v63 =	vshll.u32 v1, v62;
	[tilespmem:v5+s10+$0x0] =	vst.idx.add.s32.msk $0xffff, v3  }
0xaa: {  	s16 =	sadd.s32 $0x100, s16;
	s15 =	sadd.s32 $0x200, s15;
	s17 =	sadd.s32 $0x2, s17;
	[tilespmem:v2+s10+$0x0] =	vst.idx.add.s32.msk vm0, v63  }
0xab: {  	s15 =	simm.s32 $0x0  }
0xac: {  	[hbm4b:s4+s15] =	stream.linear.scatter [tilespmem:s10], [sflag:$0x2], $0x2000, $0x38;
	[tilespmem:$0xC000] =	vst v63  }
0xad: {  	s16 =	sand.u32 $0x1800, s15;
	s17 =	sand.u32 $0x380, s15  }
0xae: {  	s16 =	sor.u32 s17, s16  }
0xaf: {  	[tilespmem:s16+$0xA470] =	vst v0  }
0xb0: {  	[tilespmem:s16+$0xA000] =	vst v0  }
0xb1: {  	[tilespmem:s16+$0xA010] =	vst v0  }
0xb2: {  	[tilespmem:s16+$0xA020] =	vst v0  }
0xb3: {  	[tilespmem:s16+$0xA030] =	vst v0  }
0xb4: {  	[tilespmem:s16+$0xA040] =	vst v0  }
0xb5: {  	[tilespmem:s16+$0xA050] =	vst v0  }
0xb6: {  	[tilespmem:s16+$0xA060] =	vst v0  }
0xb7: {  	[tilespmem:s16+$0xA070] =	vst v0  }
0xb8: {  	[tilespmem:s16+$0xA400] =	vst v0  }
0xb9: {  	[tilespmem:s16+$0xA410] =	vst v0  }
0xba: {  	[tilespmem:s16+$0xA420] =	vst v0  }
0xbb: {  	[tilespmem:s16+$0xA430] =	vst v0  }
0xbc: {  	s18 =	simm.s32 $0x100;
	s17 =	simm.s32 $0x80;
	[tilespmem:s16+$0xA440] =	vst v0  }
0xbd: {  	s19 =	sand.u32 $0x1800, s18;
	s18 =	simm.s32 $0x200;
	s20 =	sand.u32 $0x380, s17;
	[tilespmem:s16+$0xA450] =	vst v0  }
.LBB2_6:
0xbe: {  	p0 =	sne.s32 s18, $0x1F00;
	[tilespmem:s16+$0xA460] =	vst v0;
	s16 =	sor.u32 s20, s19  }
0xbf: {  	[tilespmem:s16+$0xA470] =	vst v0  }
0xc0: {  	[tilespmem:s16+$0xA000] =	vst v0  }
0xc1: {  	[tilespmem:s16+$0xA010] =	vst v0  }
0xc2: {  	[tilespmem:s16+$0xA020] =	vst v0  }
0xc3: {  	[tilespmem:s16+$0xA030] =	vst v0  }
0xc4: {  	[tilespmem:s16+$0xA040] =	vst v0  }
0xc5: {  	[tilespmem:s16+$0xA050] =	vst v0  }
0xc6: {  	[tilespmem:s16+$0xA060] =	vst v0  }
0xc7: {  	[tilespmem:s16+$0xA070] =	vst v0  }
0xc8: {  	[tilespmem:s16+$0xA400] =	vst v0  }
.Ltmp2:
0xc9: {  	[tilespmem:s16+$0xA410] =	vst v0;
	(pc) =	sbr.rel @p0 .LBB2_6-.Ltmp2, $4  }
0xca: {  	[tilespmem:s16+$0xA420] =	vst v0  }
0xcb: {  	[tilespmem:s16+$0xA430] =	vst v0  }
0xcc: {  	s17 =	sadd.s32 $0x80, s17;
	[tilespmem:s16+$0xA440] =	vst v0  }
0xcd: {  	s19 =	sand.u32 $0x1800, s18;
	s18 =	sadd.s32 $0x100, s18;
	s20 =	sand.u32 $0x380, s17;
	[tilespmem:s16+$0xA450] =	vst v0  }
0xce: {  	s17 =	sor.u32 s20, s19;
	[tilespmem:s16+$0xA460] =	vst v0  }
0xcf: {  	[tilespmem:s17+$0xA470] =	vst v0  }
0xd0: {  	[tilespmem:s17+$0xA000] =	vst v0  }
0xd1: {  	[tilespmem:s17+$0xA010] =	vst v0  }
0xd2: {  	[tilespmem:s17+$0xA020] =	vst v0  }
0xd3: {  	[tilespmem:s17+$0xA030] =	vst v0  }
0xd4: {  	[tilespmem:s17+$0xA040] =	vst v0  }
0xd5: {  	[tilespmem:s17+$0xA050] =	vst v0  }
0xd6: {  	[tilespmem:s17+$0xA060] =	vst v0  }
0xd7: {  	[tilespmem:s17+$0xA070] =	vst v0  }
0xd8: {  	[tilespmem:s17+$0xA400] =	vst v0  }
0xd9: {  	[tilespmem:s17+$0xA410] =	vst v0  }
0xda: {  	[tilespmem:s17+$0xA420] =	vst v0  }
0xdb: {  	[tilespmem:s17+$0xA430] =	vst v0  }
0xdc: {  	[tilespmem:s17+$0xA440] =	vst v0  }
0xdd: {  	[tilespmem:s17+$0xA450] =	vst v0  }
0xde: {  	s16 =	simm.s32 $0x0;
	[tilespmem:s17+$0xA460] =	vst v0;
	s17 =	simm.s32 $0x0  }
.LBB2_8:
0xdf: {  	s18 =	sand.u32 $0x1800, s15;
	s19 =	sand.u32 $0x300, s16  }
0xe0: {  	s18 =	sor.u32 s19, s18  }
0xe1: {  	v2 =	vld [tilespmem:s18+$0x2000]  }
0xe2: {  	v3 =	vld [tilespmem:s18+$0x2010]  }
0xe3: {  	v4 =	vld [tilespmem:s18+$0x2020]  }
0xe4: {  	v5 =	vld [tilespmem:s18+$0x2030]  }
0xe5: {  	v6 =	vld [tilespmem:s18+$0x2040]  }
0xe6: {  	v7 =	vld [tilespmem:s18+$0x2050]  }
0xe7: {  	v9 =	vld [tilespmem:s18+$0x2060]  }
0xe8: {  	v11 =	vld [tilespmem:s18+$0x2070]  }
0xe9: {  	v8 =	vmov s17;
	v14 =	vld [tilespmem:s18+$0x2400]  }
0xea: {  	v22 =	vshll.u32 v8, $0x8;
	v8 =	vshll.u32 v8, $0x7  }
0xeb: {  	v22 =	vand.u32 $0x1800, v22;
	v8 =	vand.u32 $0x300, v8  }
0xec: {  	v10 =	vshrl.u32 v2, $0x5;
	v12 =	vshrl.u32 v3, $0x5;
	v13 =	vshrl.u32 v4, $0x5  }
0xed: {  	v15 =	vshrl.u32 v5, $0x5;
	v16 =	vshrl.u32 v6, $0x5;
	v17 =	vshrl.u32 v7, $0x5  }
0xee: {  	v18 =	vshrl.u32 v9, $0x5;
	v19 =	vshrl.u32 v11, $0x5;
	v20 =	vshrl.u32 v14, $0x5  }
0xef: {  	v34 =	vld [tilespmem:s18+$0x2410];
	v21 =	vshll.u32 v2, $0x3;
	v2 =	vand.u32 $0x7F, v2;
	v26 =	vshll.u32 v3, $0x3  }
0xf0: {  	v35 =	vld [tilespmem:s18+$0x2420];
	v3 =	vand.u32 $0x7F, v3;
	v23 =	vshll.u32 v4, $0x3;
	v4 =	vand.u32 $0x7F, v4  }
0xf1: {  	v37 =	vld [tilespmem:s18+$0x2438];
	v28 =	vshll.u32 v5, $0x3;
	v5 =	vand.u32 $0x7F, v5;
	v29 =	vshll.u32 v6, $0x3  }
0xf2: {  	v6 =	vand.u32 $0x7F, v6;
	v31 =	vshll.u32 v7, $0x3;
	v7 =	vand.u32 $0x7F, v7  }
0xf3: {  	v32 =	vshll.u32 v9, $0x3;
	v9 =	vand.u32 $0x7F, v9;
	v24 =	vshll.u32 v11, $0x3  }
0xf4: {  	v11 =	vand.u32 $0x7F, v11;
	v25 =	vshll.u32 v14, $0x3;
	v14 =	vand.u32 $0x7F, v14  }
0xf5: {  	v39 =	vshll.u32 v34, $0x3;
	v40 =	vshll.u32 v35, $0x3;
	v41 =	vand.u32 $0x7F, v35  }
0xf6: {  	v45 =	vshll.u32 v37, $0x3;
	v46 =	vand.u32 $0x7F, v37;
	v48 =	vshrl.u32 v34, $0x5  }
0xf7: {  	v10 =	vand.u32 $0x7FFFFF8, v10;
	v12 =	vand.u32 $0x7FFFFF8, v12;
	v13 =	vand.u32 $0x7FFFFF8, v13  }
0xf8: {  	v15 =	vand.u32 $0x7FFFFF8, v15;
	v16 =	vand.u32 $0x7FFFFF8, v16;
	v17 =	vand.u32 $0x7FFFFF8, v17  }
0xf9: {  	v18 =	vand.u32 $0x7FFFFF8, v18;
	v19 =	vand.u32 $0x7FFFFF8, v19;
	v21 =	vand.u32 $0x400, v21  }
0xfa: {  	v27 =	vand.u32 $0x400, v23;
	v30 =	vand.u32 $0x400, v29;
	v33 =	vand.u32 $0x400, v32  }
0xfb: {  	v24 =	vand.u32 $0x400, v24;
	v36 =	vand.u32 $0x400, v25;
	v10 =	vshll.u32 v1, v10  }
0xfc: {  	v12 =	vshll.u32 v1, v12;
	v13 =	vshll.u32 v1, v13;
	v15 =	vshll.u32 v1, v15  }
0xfd: {  	v16 =	vshll.u32 v1, v16;
	v17 =	vshll.u32 v1, v17;
	v18 =	vshll.u32 v1, v18  }
0xfe: {  	v19 =	vshll.u32 v1, v19;
	v2 =	vor.u32 v21, v2;
	v21 =	vand.u32 $0x400, v26  }
0xff: {  	v4 =	vor.u32 v27, v4;
	v6 =	vor.u32 v30, v6;
	v9 =	vor.u32 v33, v9  }
0x100: {  	v11 =	vor.u32 v24, v11;
	v14 =	vor.u32 v36, v14;
	v2 =	vor.u32 v22, v2  }
0x101: {  	v3 =	vor.u32 v21, v3;
	v4 =	vor.u32 v22, v4;
	v21 =	vand.u32 $0x400, v28  }
0x102: {  	v6 =	vor.u32 v22, v6;
	v2 =	vor.u32 v8, v2;
	v3 =	vor.u32 v22, v3  }
0x103: {  	v9 =	vor.u32 v22, v9;
	v11 =	vor.u32 v22, v11;
	v3 =	vor.u32 v8, v3  }
0x104: {  	v26 =	vld [tilespmem:s18+$0x2430];
	v38 =	vor.u32 v22, v14;
	v5 =	vor.u32 v21, v5;
	v21 =	vand.u32 $0x400, v31  }
0x105: {  	v4 =	vor.u32 v8, v4;
	v5 =	vor.u32 v22, v5;
	v7 =	vor.u32 v21, v7  }
0x106: {  	v6 =	vor.u32 v8, v6;
	v5 =	vor.u32 v8, v5;
	v7 =	vor.u32 v22, v7  }
0x107: {  	v42 =	vand.u32 $0x400, v40;
	v9 =	vor.u32 v8, v9;
	v7 =	vor.u32 v8, v7;
	[tilespmem:v2+s11+$0x0] =	vst.idx.add.s32.msk $0xffff, v10  }
0x108: {  	v2 =	vor.u32 v8, v11;
	v11 =	vand.u32 $0x400, v39;
	[tilespmem:v3+s11+$0x0] =	vst.idx.add.s32.msk $0xffff, v12;
	v3 =	vand.u32 $0x7F, v34  }
0x109: {  	v43 =	vshll.u32 v26, $0x3;
	v10 =	vor.u32 v8, v38;
	v3 =	vor.u32 v11, v3  }
0x10a: {  	v44 =	vand.u32 $0x7F, v26;
	[tilespmem:v4+s11+$0x0] =	vst.idx.add.s32.msk $0xffff, v13;
	v4 =	vor.u32 v42, v41;
	v3 =	vor.u32 v22, v3  }
0x10b: {  	[tilespmem:v5+s11+$0x0] =	vst.idx.add.s32.msk $0xffff, v15;
	v4 =	vor.u32 v22, v4;
	v5 =	vand.u32 $0x400, v43;
	v3 =	vor.u32 v8, v3  }
0x10c: {  	v47 =	vand.u32 $0x400, v45;
	[tilespmem:v6+s11+$0x0] =	vst.idx.add.s32.msk $0xffff, v16;
	v5 =	vor.u32 v5, v44;
	v4 =	vor.u32 v8, v4  }
0x10d: {  	v49 =	vshrl.u32 v35, $0x5;
	v6 =	vor.u32 v47, v46;
	[tilespmem:v7+s11+$0x0] =	vst.idx.add.s32.msk $0xffff, v17;
	v5 =	vor.u32 v22, v5  }
0x10e: {  	v20 =	vand.u32 $0x7FFFFF8, v20;
	v6 =	vor.u32 v22, v6;
	[tilespmem:v9+s11+$0x0] =	vst.idx.add.s32.msk $0xffff, v18;
	v5 =	vor.u32 v8, v5  }
0x10f: {  	v20 =	vshll.u32 v1, v20;
	v7 =	vand.u32 $0x7FFFFF8, v48;
	[tilespmem:v2+s11+$0x0] =	vst.idx.add.s32.msk $0xffff, v19;
	v2 =	vor.u32 v8, v6  }
0x110: {  	v51 =	vand.u32 $0x7FFFFF8, v49;
	v52 =	vshrl.u32 v26, $0x5;
	v50 =	vshll.u32 v1, v7;
	[tilespmem:v10+s11+$0x0] =	vst.idx.add.s32.msk $0xffff, v20  }
0x111: {  	v53 =	vshrl.u32 v37, $0x5;
	v7 =	vshll.u32 v1, v51;
	v8 =	vand.u32 $0x7FFFFF8, v52;
	[tilespmem:v3+s11+$0x0] =	vst.idx.add.s32.msk $0xffff, v50  }
0x112: {  	s29 =	sadd.s32 $0x2100, s15;
	s30 =	sadd.s32 $0x1080, s16;
	v54 =	vand.u32 $0x7FFFFF8, v53;
	v3 =	vshll.u32 v1, v8;
	[tilespmem:v4+s11+$0x0] =	vst.idx.add.s32.msk $0xffff, v7  }
0x113: {  	s19 =	sand.u32 $0x380, s30;
	v55 =	vshll.u32 v1, v54;
	s18 =	sand.u32 $0x3800, s29;
	[tilespmem:v5+s11+$0x0] =	vst.idx.add.s32.msk $0xffff, v3  }
0x114: {  	s18 =	sor.u32 s19, s18;
	[tilespmem:v2+s11+$0x0] =	vst.idx.add.s32.msk vm0, v55  }
0x115: {  	v2 =	vld [tilespmem:s18+$0x0]  }
0x116: {  	v3 =	vld [tilespmem:s18+$0x10]  }
0x117: {  	v4 =	vld [tilespmem:s18+$0x20]  }
0x118: {  	v5 =	vld [tilespmem:s18+$0x30]  }
0x119: {  	v56 =	vld [tilespmem:s18+$0x40]  }
0x11a: {  	v7 =	vld [tilespmem:s18+$0x50]  }
0x11b: {  	v58 =	vld [tilespmem:s18+$0x60]  }
0x11c: {  	s31 =	sadd.s32 $0x1, s17;
	v60 =	vld [tilespmem:s18+$0x70]  }
0x11d: {  	v57 =	vmov s31;
	v63 =	vld [tilespmem:s18+$0x400]  }
0x11e: {  	v8 =	vshll.u32 v57, $0x7  }
0x11f: {  	v29 =	vshll.u32 v57, $0x8;
	v8 =	vand.u32 $0x380, v8;
	v59 =	vshrl.u32 v2, $0x5  }
0x120: {  	v61 =	vshrl.u32 v3, $0x5;
	v62 =	vshrl.u32 v4, $0x5;
	v22 =	vshrl.u32 v5, $0x5  }
0x121: {  	v23 =	vshrl.u32 v56, $0x5;
	v24 =	vshrl.u32 v7, $0x5;
	v25 =	vshrl.u32 v58, $0x5  }
0x122: {  	v39 =	vld [tilespmem:s18+$0x410];
	v26 =	vshrl.u32 v60, $0x5;
	v27 =	vshrl.u32 v63, $0x5;
	v28 =	vshll.u32 v2, $0x3  }
0x123: {  	v40 =	vld [tilespmem:s18+$0x420];
	v2 =	vand.u32 $0x7F, v2;
	v30 =	vshll.u32 v3, $0x3;
	v3 =	vand.u32 $0x7F, v3  }
0x124: {  	v43 =	vld [tilespmem:s18+$0x430];
	v31 =	vshll.u32 v4, $0x3;
	v4 =	vand.u32 $0x7F, v4;
	v33 =	vshll.u32 v5, $0x3  }
0x125: {  	v45 =	vld [tilespmem:s18+$0x438];
	v5 =	vand.u32 $0x7F, v5;
	v34 =	vshll.u32 v56, $0x3;
	v6 =	vand.u32 $0x7F, v56  }
0x126: {  	v36 =	vshll.u32 v7, $0x3;
	v7 =	vand.u32 $0x7F, v7;
	v37 =	vshll.u32 v58, $0x3  }
0x127: {  	v9 =	vand.u32 $0x7F, v58;
	v41 =	vshll.u32 v60, $0x3;
	v11 =	vand.u32 $0x7F, v60  }
0x128: {  	v42 =	vshll.u32 v63, $0x3;
	v14 =	vand.u32 $0x7F, v63;
	v47 =	vshll.u32 v39, $0x3  }
0x129: {  	v48 =	vshll.u32 v40, $0x3;
	v49 =	vand.u32 $0x7F, v40;
	v51 =	vshll.u32 v43, $0x3  }
0x12a: {  	v52 =	vand.u32 $0x7F, v43;
	v53 =	vshll.u32 v45, $0x3;
	v54 =	vand.u32 $0x7F, v45  }
0x12b: {  	v10 =	vand.u32 $0x7FFFFF8, v59;
	v12 =	vand.u32 $0x7FFFFF8, v61;
	v13 =	vand.u32 $0x7FFFFF8, v62  }
0x12c: {  	v15 =	vand.u32 $0x7FFFFF8, v22;
	v16 =	vand.u32 $0x7FFFFF8, v23;
	v17 =	vand.u32 $0x7FFFFF8, v24  }
0x12d: {  	v18 =	vand.u32 $0x7FFFFF8, v25;
	v19 =	vand.u32 $0x7FFFFF8, v26;
	v21 =	vand.u32 $0x400, v28  }
0x12e: {  	v22 =	vand.u32 $0x1800, v29;
	v32 =	vand.u32 $0x400, v31;
	v35 =	vand.u32 $0x400, v34  }
0x12f: {  	v38 =	vand.u32 $0x400, v37;
	v24 =	vand.u32 $0x400, v41;
	v44 =	vand.u32 $0x400, v42  }
0x130: {  	v10 =	vshll.u32 v1, v10;
	v12 =	vshll.u32 v1, v12;
	v13 =	vshll.u32 v1, v13  }
0x131: {  	v15 =	vshll.u32 v1, v15;
	v16 =	vshll.u32 v1, v16;
	v17 =	vshll.u32 v1, v17  }
0x132: {  	v18 =	vshll.u32 v1, v18;
	v19 =	vshll.u32 v1, v19;
	v2 =	vor.u32 v21, v2  }
0x133: {  	v21 =	vand.u32 $0x400, v30;
	v4 =	vor.u32 v32, v4;
	v6 =	vor.u32 v35, v6  }
0x134: {  	v9 =	vor.u32 v38, v9;
	v11 =	vor.u32 v24, v11;
	v14 =	vor.u32 v44, v14  }
0x135: {  	v2 =	vor.u32 v22, v2;
	v3 =	vor.u32 v21, v3;
	v4 =	vor.u32 v22, v4  }
0x136: {  	v21 =	vand.u32 $0x400, v33;
	v2 =	vor.u32 v8, v2;
	v3 =	vor.u32 v22, v3  }
0x137: {  	v6 =	vor.u32 v22, v6;
	v9 =	vor.u32 v22, v9;
	v3 =	vor.u32 v8, v3  }
0x138: {  	v11 =	vor.u32 v22, v11;
	v5 =	vor.u32 v21, v5;
	v21 =	vand.u32 $0x400, v36  }
0x139: {  	v4 =	vor.u32 v8, v4;
	v5 =	vor.u32 v22, v5;
	v7 =	vor.u32 v21, v7  }
0x13a: {  	v46 =	vor.u32 v22, v14;
	v5 =	vor.u32 v8, v5;
	v7 =	vor.u32 v22, v7  }
0x13b: {  	v50 =	vand.u32 $0x400, v48;
	v6 =	vor.u32 v8, v6;
	v7 =	vor.u32 v8, v7;
	[tilespmem:v2+s11+$0x0] =	vst.idx.add.s32.msk $0xffff, v10  }
0x13c: {  	v2 =	vor.u32 v8, v11;
	v11 =	vand.u32 $0x400, v47;
	[tilespmem:v3+s11+$0x0] =	vst.idx.add.s32.msk $0xffff, v12;
	v3 =	vand.u32 $0x7F, v39  }
0x13d: {  	v9 =	vor.u32 v8, v9;
	v10 =	vor.u32 v8, v46;
	v3 =	vor.u32 v11, v3  }
0x13e: {  	v56 =	vshrl.u32 v39, $0x5;
	[tilespmem:v4+s11+$0x0] =	vst.idx.add.s32.msk $0xffff, v13;
	v4 =	vor.u32 v50, v49;
	v3 =	vor.u32 v22, v3  }
0x13f: {  	[tilespmem:v5+s11+$0x0] =	vst.idx.add.s32.msk $0xffff, v15;
	v4 =	vor.u32 v22, v4;
	v5 =	vand.u32 $0x400, v51;
	v3 =	vor.u32 v8, v3  }
0x140: {  	v55 =	vand.u32 $0x400, v53;
	[tilespmem:v6+s11+$0x0] =	vst.idx.add.s32.msk $0xffff, v16;
	v5 =	vor.u32 v5, v52;
	v4 =	vor.u32 v8, v4  }
0x141: {  	v57 =	vshrl.u32 v40, $0x5;
	v6 =	vor.u32 v55, v54;
	[tilespmem:v7+s11+$0x0] =	vst.idx.add.s32.msk $0xffff, v17;
	v5 =	vor.u32 v22, v5  }
0x142: {  	v20 =	vand.u32 $0x7FFFFF8, v27;
	v6 =	vor.u32 v22, v6;
	[tilespmem:v9+s11+$0x0] =	vst.idx.add.s32.msk $0xffff, v18;
	v5 =	vor.u32 v8, v5  }
0x143: {  	p0 =	sne.s32 s17, $0x1E;
	v20 =	vshll.u32 v1, v20;
	v7 =	vand.u32 $0x7FFFFF8, v56;
	[tilespmem:v2+s11+$0x0] =	vst.idx.add.s32.msk $0xffff, v19;
	v2 =	vor.u32 v8, v6  }
.Ltmp3:
0x144: {  	v60 =	vshrl.u32 v43, $0x5;
	v59 =	vand.u32 $0x7FFFFF8, v57;
	v58 =	vshll.u32 v1, v7;
	[tilespmem:v10+s11+$0x0] =	vst.idx.add.s32.msk $0xffff, v20;
	(pc) =	sbr.rel @p0 .LBB2_8-.Ltmp3, $4  }
0x145: {  	v61 =	vshrl.u32 v45, $0x5;
	v7 =	vshll.u32 v1, v59;
	v8 =	vand.u32 $0x7FFFFF8, v60;
	[tilespmem:v3+s11+$0x0] =	vst.idx.add.s32.msk $0xffff, v58  }
0x146: {  	v62 =	vand.u32 $0x7FFFFF8, v61;
	v3 =	vshll.u32 v1, v8;
	[tilespmem:v4+s11+$0x0] =	vst.idx.add.s32.msk $0xffff, v7  }
0x147: {  	v63 =	vshll.u32 v1, v62;
	[tilespmem:v5+s11+$0x0] =	vst.idx.add.s32.msk $0xffff, v3  }
0x148: {  	s16 =	sadd.s32 $0x100, s16;
	s15 =	sadd.s32 $0x200, s15;
	s17 =	sadd.s32 $0x2, s17;
	[tilespmem:v2+s11+$0x0] =	vst.idx.add.s32.msk vm0, v63  }
0x149: {  	s15 =	simm.s32 $0x0  }
0x14a: {  	[hbm4b:s5+s15] =	stream.linear.scatter [tilespmem:s11], [sflag:$0x3], $0x2000, $0x38;
	[tilespmem:$0xC000] =	vst v63  }
0x14b: {  	_ =	swait.ge [sflag:s12], $0x2000  }
0x14c: {  	s16 =	sand.u32 $0x1800, s15;
	s17 =	sand.u32 $0x380, s15;
	[sflag:s12] =	ssyncset.done $0x0  }
0x14d: {  	s16 =	sor.u32 s17, s16;
	[sflag:s12] =	ssyncadd.s32 $0xFFFFE000  }
0x14e: {  	[tilespmem:s16+$0x8470] =	vst v0  }
0x14f: {  	[tilespmem:s16+$0x8000] =	vst v0  }
0x150: {  	[tilespmem:s16+$0x8010] =	vst v0  }
0x151: {  	[tilespmem:s16+$0x8020] =	vst v0  }
0x152: {  	[tilespmem:s16+$0x8030] =	vst v0  }
0x153: {  	[tilespmem:s16+$0x8040] =	vst v0  }
0x154: {  	[tilespmem:s16+$0x8050] =	vst v0  }
0x155: {  	[tilespmem:s16+$0x8060] =	vst v0  }
0x156: {  	[tilespmem:s16+$0x8070] =	vst v0  }
0x157: {  	[tilespmem:s16+$0x8400] =	vst v0  }
0x158: {  	[tilespmem:s16+$0x8410] =	vst v0  }
0x159: {  	[tilespmem:s16+$0x8420] =	vst v0  }
0x15a: {  	[tilespmem:s16+$0x8430] =	vst v0  }
0x15b: {  	s18 =	simm.s32 $0x100;
	s17 =	simm.s32 $0x80;
	[tilespmem:s16+$0x8440] =	vst v0  }
0x15c: {  	s19 =	sand.u32 $0x1800, s18;
	s18 =	simm.s32 $0x200;
	s20 =	sand.u32 $0x380, s17;
	[tilespmem:s16+$0x8450] =	vst v0  }
.LBB2_10:
0x15d: {  	p0 =	sne.s32 s18, $0x1F00;
	[tilespmem:s16+$0x8460] =	vst v0;
	s16 =	sor.u32 s20, s19  }
0x15e: {  	[tilespmem:s16+$0x8470] =	vst v0  }
0x15f: {  	[tilespmem:s16+$0x8000] =	vst v0  }
0x160: {  	[tilespmem:s16+$0x8010] =	vst v0  }
0x161: {  	[tilespmem:s16+$0x8020] =	vst v0  }
0x162: {  	[tilespmem:s16+$0x8030] =	vst v0  }
0x163: {  	[tilespmem:s16+$0x8040] =	vst v0  }
0x164: {  	[tilespmem:s16+$0x8050] =	vst v0  }
0x165: {  	[tilespmem:s16+$0x8060] =	vst v0  }
0x166: {  	[tilespmem:s16+$0x8070] =	vst v0  }
0x167: {  	[tilespmem:s16+$0x8400] =	vst v0  }
.Ltmp4:
0x168: {  	[tilespmem:s16+$0x8410] =	vst v0;
	(pc) =	sbr.rel @p0 .LBB2_10-.Ltmp4, $4  }
0x169: {  	[tilespmem:s16+$0x8420] =	vst v0  }
0x16a: {  	[tilespmem:s16+$0x8430] =	vst v0  }
0x16b: {  	s17 =	sadd.s32 $0x80, s17;
	[tilespmem:s16+$0x8440] =	vst v0  }
0x16c: {  	s19 =	sand.u32 $0x1800, s18;
	s18 =	sadd.s32 $0x100, s18;
	s20 =	sand.u32 $0x380, s17;
	[tilespmem:s16+$0x8450] =	vst v0  }
0x16d: {  	s17 =	sor.u32 s20, s19;
	[tilespmem:s16+$0x8460] =	vst v0  }
0x16e: {  	[tilespmem:s17+$0x8470] =	vst v0  }
0x16f: {  	[tilespmem:s17+$0x8000] =	vst v0  }
0x170: {  	[tilespmem:s17+$0x8010] =	vst v0  }
0x171: {  	[tilespmem:s17+$0x8020] =	vst v0  }
0x172: {  	[tilespmem:s17+$0x8030] =	vst v0  }
0x173: {  	[tilespmem:s17+$0x8040] =	vst v0  }
0x174: {  	[tilespmem:s17+$0x8050] =	vst v0  }
0x175: {  	[tilespmem:s17+$0x8060] =	vst v0  }
0x176: {  	[tilespmem:s17+$0x8070] =	vst v0  }
0x177: {  	[tilespmem:s17+$0x8400] =	vst v0  }
0x178: {  	[tilespmem:s17+$0x8410] =	vst v0  }
0x179: {  	[tilespmem:s17+$0x8420] =	vst v0  }
0x17a: {  	[tilespmem:s17+$0x8430] =	vst v0  }
0x17b: {  	[tilespmem:s17+$0x8440] =	vst v0  }
0x17c: {  	[tilespmem:s17+$0x8450] =	vst v0  }
0x17d: {  	s16 =	simm.s32 $0x0;
	[tilespmem:s17+$0x8460] =	vst v0;
	s17 =	simm.s32 $0x0  }
.LBB2_12:
0x17e: {  	s18 =	sand.u32 $0x1800, s15;
	s19 =	sand.u32 $0x300, s16  }
0x17f: {  	s18 =	sor.u32 s19, s18  }
0x180: {  	v2 =	vld [tilespmem:s18+$0x4000]  }
0x181: {  	v3 =	vld [tilespmem:s18+$0x4010]  }
0x182: {  	v4 =	vld [tilespmem:s18+$0x4020]  }
0x183: {  	v5 =	vld [tilespmem:s18+$0x4030]  }
0x184: {  	v6 =	vld [tilespmem:s18+$0x4040]  }
0x185: {  	v7 =	vld [tilespmem:s18+$0x4050]  }
0x186: {  	v9 =	vld [tilespmem:s18+$0x4060]  }
0x187: {  	v11 =	vld [tilespmem:s18+$0x4070]  }
0x188: {  	v8 =	vmov s17;
	v14 =	vld [tilespmem:s18+$0x4400]  }
0x189: {  	v22 =	vshll.u32 v8, $0x8;
	v8 =	vshll.u32 v8, $0x7  }
0x18a: {  	v22 =	vand.u32 $0x1800, v22;
	v8 =	vand.u32 $0x300, v8  }
0x18b: {  	v10 =	vshrl.u32 v2, $0x5;
	v12 =	vshrl.u32 v3, $0x5;
	v13 =	vshrl.u32 v4, $0x5  }
0x18c: {  	v15 =	vshrl.u32 v5, $0x5;
	v16 =	vshrl.u32 v6, $0x5;
	v17 =	vshrl.u32 v7, $0x5  }
0x18d: {  	v18 =	vshrl.u32 v9, $0x5;
	v19 =	vshrl.u32 v11, $0x5;
	v20 =	vshrl.u32 v14, $0x5  }
0x18e: {  	v34 =	vld [tilespmem:s18+$0x4410];
	v21 =	vshll.u32 v2, $0x3;
	v2 =	vand.u32 $0x7F, v2;
	v26 =	vshll.u32 v3, $0x3  }
0x18f: {  	v35 =	vld [tilespmem:s18+$0x4420];
	v3 =	vand.u32 $0x7F, v3;
	v23 =	vshll.u32 v4, $0x3;
	v4 =	vand.u32 $0x7F, v4  }
0x190: {  	v37 =	vld [tilespmem:s18+$0x4438];
	v28 =	vshll.u32 v5, $0x3;
	v5 =	vand.u32 $0x7F, v5;
	v29 =	vshll.u32 v6, $0x3  }
0x191: {  	v6 =	vand.u32 $0x7F, v6;
	v31 =	vshll.u32 v7, $0x3;
	v7 =	vand.u32 $0x7F, v7  }
0x192: {  	v32 =	vshll.u32 v9, $0x3;
	v9 =	vand.u32 $0x7F, v9;
	v24 =	vshll.u32 v11, $0x3  }
0x193: {  	v11 =	vand.u32 $0x7F, v11;
	v25 =	vshll.u32 v14, $0x3;
	v14 =	vand.u32 $0x7F, v14  }
0x194: {  	v39 =	vshll.u32 v34, $0x3;
	v40 =	vshll.u32 v35, $0x3;
	v41 =	vand.u32 $0x7F, v35  }
0x195: {  	v45 =	vshll.u32 v37, $0x3;
	v46 =	vand.u32 $0x7F, v37;
	v48 =	vshrl.u32 v34, $0x5  }
0x196: {  	v10 =	vand.u32 $0x7FFFFF8, v10;
	v12 =	vand.u32 $0x7FFFFF8, v12;
	v13 =	vand.u32 $0x7FFFFF8, v13  }
0x197: {  	v15 =	vand.u32 $0x7FFFFF8, v15;
	v16 =	vand.u32 $0x7FFFFF8, v16;
	v17 =	vand.u32 $0x7FFFFF8, v17  }
0x198: {  	v18 =	vand.u32 $0x7FFFFF8, v18;
	v19 =	vand.u32 $0x7FFFFF8, v19;
	v21 =	vand.u32 $0x400, v21  }
0x199: {  	v27 =	vand.u32 $0x400, v23;
	v30 =	vand.u32 $0x400, v29;
	v33 =	vand.u32 $0x400, v32  }
0x19a: {  	v24 =	vand.u32 $0x400, v24;
	v36 =	vand.u32 $0x400, v25;
	v10 =	vshll.u32 v1, v10  }
0x19b: {  	v12 =	vshll.u32 v1, v12;
	v13 =	vshll.u32 v1, v13;
	v15 =	vshll.u32 v1, v15  }
0x19c: {  	v16 =	vshll.u32 v1, v16;
	v17 =	vshll.u32 v1, v17;
	v18 =	vshll.u32 v1, v18  }
0x19d: {  	v19 =	vshll.u32 v1, v19;
	v2 =	vor.u32 v21, v2;
	v21 =	vand.u32 $0x400, v26  }
0x19e: {  	v4 =	vor.u32 v27, v4;
	v6 =	vor.u32 v30, v6;
	v9 =	vor.u32 v33, v9  }
0x19f: {  	v11 =	vor.u32 v24, v11;
	v14 =	vor.u32 v36, v14;
	v2 =	vor.u32 v22, v2  }
0x1a0: {  	v3 =	vor.u32 v21, v3;
	v4 =	vor.u32 v22, v4;
	v21 =	vand.u32 $0x400, v28  }
0x1a1: {  	v6 =	vor.u32 v22, v6;
	v2 =	vor.u32 v8, v2;
	v3 =	vor.u32 v22, v3  }
0x1a2: {  	v9 =	vor.u32 v22, v9;
	v11 =	vor.u32 v22, v11;
	v3 =	vor.u32 v8, v3  }
0x1a3: {  	v26 =	vld [tilespmem:s18+$0x4430];
	v38 =	vor.u32 v22, v14;
	v5 =	vor.u32 v21, v5;
	v21 =	vand.u32 $0x400, v31  }
0x1a4: {  	v4 =	vor.u32 v8, v4;
	v5 =	vor.u32 v22, v5;
	v7 =	vor.u32 v21, v7  }
0x1a5: {  	v6 =	vor.u32 v8, v6;
	v5 =	vor.u32 v8, v5;
	v7 =	vor.u32 v22, v7  }
0x1a6: {  	v42 =	vand.u32 $0x400, v40;
	v9 =	vor.u32 v8, v9;
	v7 =	vor.u32 v8, v7;
	[tilespmem:v2+s10+$0x0] =	vst.idx.add.s32.msk $0xffff, v10  }
0x1a7: {  	v2 =	vor.u32 v8, v11;
	v11 =	vand.u32 $0x400, v39;
	[tilespmem:v3+s10+$0x0] =	vst.idx.add.s32.msk $0xffff, v12;
	v3 =	vand.u32 $0x7F, v34  }
0x1a8: {  	v43 =	vshll.u32 v26, $0x3;
	v10 =	vor.u32 v8, v38;
	v3 =	vor.u32 v11, v3  }
0x1a9: {  	v44 =	vand.u32 $0x7F, v26;
	[tilespmem:v4+s10+$0x0] =	vst.idx.add.s32.msk $0xffff, v13;
	v4 =	vor.u32 v42, v41;
	v3 =	vor.u32 v22, v3  }
0x1aa: {  	[tilespmem:v5+s10+$0x0] =	vst.idx.add.s32.msk $0xffff, v15;
	v4 =	vor.u32 v22, v4;
	v5 =	vand.u32 $0x400, v43;
	v3 =	vor.u32 v8, v3  }
0x1ab: {  	v47 =	vand.u32 $0x400, v45;
	[tilespmem:v6+s10+$0x0] =	vst.idx.add.s32.msk $0xffff, v16;
	v5 =	vor.u32 v5, v44;
	v4 =	vor.u32 v8, v4  }
0x1ac: {  	v49 =	vshrl.u32 v35, $0x5;
	v6 =	vor.u32 v47, v46;
	[tilespmem:v7+s10+$0x0] =	vst.idx.add.s32.msk $0xffff, v17;
	v5 =	vor.u32 v22, v5  }
0x1ad: {  	v20 =	vand.u32 $0x7FFFFF8, v20;
	v6 =	vor.u32 v22, v6;
	[tilespmem:v9+s10+$0x0] =	vst.idx.add.s32.msk $0xffff, v18;
	v5 =	vor.u32 v8, v5  }
0x1ae: {  	v20 =	vshll.u32 v1, v20;
	v7 =	vand.u32 $0x7FFFFF8, v48;
	[tilespmem:v2+s10+$0x0] =	vst.idx.add.s32.msk $0xffff, v19;
	v2 =	vor.u32 v8, v6  }
0x1af: {  	v51 =	vand.u32 $0x7FFFFF8, v49;
	v52 =	vshrl.u32 v26, $0x5;
	v50 =	vshll.u32 v1, v7;
	[tilespmem:v10+s10+$0x0] =	vst.idx.add.s32.msk $0xffff, v20  }
0x1b0: {  	v53 =	vshrl.u32 v37, $0x5;
	v7 =	vshll.u32 v1, v51;
	v8 =	vand.u32 $0x7FFFFF8, v52;
	[tilespmem:v3+s10+$0x0] =	vst.idx.add.s32.msk $0xffff, v50  }
0x1b1: {  	s29 =	sadd.s32 $0x4100, s15;
	s30 =	sadd.s32 $0x2080, s16;
	v54 =	vand.u32 $0x7FFFFF8, v53;
	v3 =	vshll.u32 v1, v8;
	[tilespmem:v4+s10+$0x0] =	vst.idx.add.s32.msk $0xffff, v7  }
0x1b2: {  	s19 =	sand.u32 $0x380, s30;
	v55 =	vshll.u32 v1, v54;
	s18 =	sand.u32 $0x5800, s29;
	[tilespmem:v5+s10+$0x0] =	vst.idx.add.s32.msk $0xffff, v3  }
0x1b3: {  	s18 =	sor.u32 s19, s18;
	[tilespmem:v2+s10+$0x0] =	vst.idx.add.s32.msk vm0, v55  }
0x1b4: {  	v2 =	vld [tilespmem:s18+$0x0]  }
0x1b5: {  	v3 =	vld [tilespmem:s18+$0x10]  }
0x1b6: {  	v4 =	vld [tilespmem:s18+$0x20]  }
0x1b7: {  	v5 =	vld [tilespmem:s18+$0x30]  }
0x1b8: {  	v56 =	vld [tilespmem:s18+$0x40]  }
0x1b9: {  	v7 =	vld [tilespmem:s18+$0x50]  }
0x1ba: {  	v58 =	vld [tilespmem:s18+$0x60]  }
0x1bb: {  	s31 =	sadd.s32 $0x1, s17;
	v60 =	vld [tilespmem:s18+$0x70]  }
0x1bc: {  	v57 =	vmov s31;
	v63 =	vld [tilespmem:s18+$0x400]  }
0x1bd: {  	v8 =	vshll.u32 v57, $0x7  }
0x1be: {  	v29 =	vshll.u32 v57, $0x8;
	v8 =	vand.u32 $0x380, v8;
	v59 =	vshrl.u32 v2, $0x5  }
0x1bf: {  	v61 =	vshrl.u32 v3, $0x5;
	v62 =	vshrl.u32 v4, $0x5;
	v22 =	vshrl.u32 v5, $0x5  }
0x1c0: {  	v23 =	vshrl.u32 v56, $0x5;
	v24 =	vshrl.u32 v7, $0x5;
	v25 =	vshrl.u32 v58, $0x5  }
0x1c1: {  	v39 =	vld [tilespmem:s18+$0x410];
	v26 =	vshrl.u32 v60, $0x5;
	v27 =	vshrl.u32 v63, $0x5;
	v28 =	vshll.u32 v2, $0x3  }
0x1c2: {  	v40 =	vld [tilespmem:s18+$0x420];
	v2 =	vand.u32 $0x7F, v2;
	v30 =	vshll.u32 v3, $0x3;
	v3 =	vand.u32 $0x7F, v3  }
0x1c3: {  	v43 =	vld [tilespmem:s18+$0x430];
	v31 =	vshll.u32 v4, $0x3;
	v4 =	vand.u32 $0x7F, v4;
	v33 =	vshll.u32 v5, $0x3  }
0x1c4: {  	v45 =	vld [tilespmem:s18+$0x438];
	v5 =	vand.u32 $0x7F, v5;
	v34 =	vshll.u32 v56, $0x3;
	v6 =	vand.u32 $0x7F, v56  }
0x1c5: {  	v36 =	vshll.u32 v7, $0x3;
	v7 =	vand.u32 $0x7F, v7;
	v37 =	vshll.u32 v58, $0x3  }
0x1c6: {  	v9 =	vand.u32 $0x7F, v58;
	v41 =	vshll.u32 v60, $0x3;
	v11 =	vand.u32 $0x7F, v60  }
0x1c7: {  	v42 =	vshll.u32 v63, $0x3;
	v14 =	vand.u32 $0x7F, v63;
	v47 =	vshll.u32 v39, $0x3  }
0x1c8: {  	v48 =	vshll.u32 v40, $0x3;
	v49 =	vand.u32 $0x7F, v40;
	v51 =	vshll.u32 v43, $0x3  }
0x1c9: {  	v52 =	vand.u32 $0x7F, v43;
	v53 =	vshll.u32 v45, $0x3;
	v54 =	vand.u32 $0x7F, v45  }
0x1ca: {  	v10 =	vand.u32 $0x7FFFFF8, v59;
	v12 =	vand.u32 $0x7FFFFF8, v61;
	v13 =	vand.u32 $0x7FFFFF8, v62  }
0x1cb: {  	v15 =	vand.u32 $0x7FFFFF8, v22;
	v16 =	vand.u32 $0x7FFFFF8, v23;
	v17 =	vand.u32 $0x7FFFFF8, v24  }
0x1cc: {  	v18 =	vand.u32 $0x7FFFFF8, v25;
	v19 =	vand.u32 $0x7FFFFF8, v26;
	v21 =	vand.u32 $0x400, v28  }
0x1cd: {  	v22 =	vand.u32 $0x1800, v29;
	v32 =	vand.u32 $0x400, v31;
	v35 =	vand.u32 $0x400, v34  }
0x1ce: {  	v38 =	vand.u32 $0x400, v37;
	v24 =	vand.u32 $0x400, v41;
	v44 =	vand.u32 $0x400, v42  }
0x1cf: {  	v10 =	vshll.u32 v1, v10;
	v12 =	vshll.u32 v1, v12;
	v13 =	vshll.u32 v1, v13  }
0x1d0: {  	v15 =	vshll.u32 v1, v15;
	v16 =	vshll.u32 v1, v16;
	v17 =	vshll.u32 v1, v17  }
0x1d1: {  	v18 =	vshll.u32 v1, v18;
	v19 =	vshll.u32 v1, v19;
	v2 =	vor.u32 v21, v2  }
0x1d2: {  	v21 =	vand.u32 $0x400, v30;
	v4 =	vor.u32 v32, v4;
	v6 =	vor.u32 v35, v6  }
0x1d3: {  	v9 =	vor.u32 v38, v9;
	v11 =	vor.u32 v24, v11;
	v14 =	vor.u32 v44, v14  }
0x1d4: {  	v2 =	vor.u32 v22, v2;
	v3 =	vor.u32 v21, v3;
	v4 =	vor.u32 v22, v4  }
0x1d5: {  	v21 =	vand.u32 $0x400, v33;
	v2 =	vor.u32 v8, v2;
	v3 =	vor.u32 v22, v3  }
0x1d6: {  	v6 =	vor.u32 v22, v6;
	v9 =	vor.u32 v22, v9;
	v3 =	vor.u32 v8, v3  }
0x1d7: {  	v11 =	vor.u32 v22, v11;
	v5 =	vor.u32 v21, v5;
	v21 =	vand.u32 $0x400, v36  }
0x1d8: {  	v4 =	vor.u32 v8, v4;
	v5 =	vor.u32 v22, v5;
	v7 =	vor.u32 v21, v7  }
0x1d9: {  	v46 =	vor.u32 v22, v14;
	v5 =	vor.u32 v8, v5;
	v7 =	vor.u32 v22, v7  }
0x1da: {  	v50 =	vand.u32 $0x400, v48;
	v6 =	vor.u32 v8, v6;
	v7 =	vor.u32 v8, v7;
	[tilespmem:v2+s10+$0x0] =	vst.idx.add.s32.msk $0xffff, v10  }
0x1db: {  	v2 =	vor.u32 v8, v11;
	v11 =	vand.u32 $0x400, v47;
	[tilespmem:v3+s10+$0x0] =	vst.idx.add.s32.msk $0xffff, v12;
	v3 =	vand.u32 $0x7F, v39  }
0x1dc: {  	v9 =	vor.u32 v8, v9;
	v10 =	vor.u32 v8, v46;
	v3 =	vor.u32 v11, v3  }
0x1dd: {  	v56 =	vshrl.u32 v39, $0x5;
	[tilespmem:v4+s10+$0x0] =	vst.idx.add.s32.msk $0xffff, v13;
	v4 =	vor.u32 v50, v49;
	v3 =	vor.u32 v22, v3  }
0x1de: {  	[tilespmem:v5+s10+$0x0] =	vst.idx.add.s32.msk $0xffff, v15;
	v4 =	vor.u32 v22, v4;
	v5 =	vand.u32 $0x400, v51;
	v3 =	vor.u32 v8, v3  }
0x1df: {  	v55 =	vand.u32 $0x400, v53;
	[tilespmem:v6+s10+$0x0] =	vst.idx.add.s32.msk $0xffff, v16;
	v5 =	vor.u32 v5, v52;
	v4 =	vor.u32 v8, v4  }
0x1e0: {  	v57 =	vshrl.u32 v40, $0x5;
	v6 =	vor.u32 v55, v54;
	[tilespmem:v7+s10+$0x0] =	vst.idx.add.s32.msk $0xffff, v17;
	v5 =	vor.u32 v22, v5  }
0x1e1: {  	v20 =	vand.u32 $0x7FFFFF8, v27;
	v6 =	vor.u32 v22, v6;
	[tilespmem:v9+s10+$0x0] =	vst.idx.add.s32.msk $0xffff, v18;
	v5 =	vor.u32 v8, v5  }
0x1e2: {  	p0 =	sne.s32 s17, $0x1E;
	v20 =	vshll.u32 v1, v20;
	v7 =	vand.u32 $0x7FFFFF8, v56;
	[tilespmem:v2+s10+$0x0] =	vst.idx.add.s32.msk $0xffff, v19;
	v2 =	vor.u32 v8, v6  }
.Ltmp5:
0x1e3: {  	v60 =	vshrl.u32 v43, $0x5;
	v59 =	vand.u32 $0x7FFFFF8, v57;
	v58 =	vshll.u32 v1, v7;
	[tilespmem:v10+s10+$0x0] =	vst.idx.add.s32.msk $0xffff, v20;
	(pc) =	sbr.rel @p0 .LBB2_12-.Ltmp5, $4  }
0x1e4: {  	v61 =	vshrl.u32 v45, $0x5;
	v7 =	vshll.u32 v1, v59;
	v8 =	vand.u32 $0x7FFFFF8, v60;
	[tilespmem:v3+s10+$0x0] =	vst.idx.add.s32.msk $0xffff, v58  }
0x1e5: {  	v62 =	vand.u32 $0x7FFFFF8, v61;
	v3 =	vshll.u32 v1, v8;
	[tilespmem:v4+s10+$0x0] =	vst.idx.add.s32.msk $0xffff, v7  }
0x1e6: {  	v63 =	vshll.u32 v1, v62;
	[tilespmem:v5+s10+$0x0] =	vst.idx.add.s32.msk $0xffff, v3  }
0x1e7: {  	s16 =	sadd.s32 $0x100, s16;
	s15 =	sadd.s32 $0x200, s15;
	s17 =	sadd.s32 $0x2, s17;
	[tilespmem:v2+s10+$0x0] =	vst.idx.add.s32.msk vm0, v63  }
0x1e8: {  	s15 =	simm.s32 $0x0  }
0x1e9: {  	[hbm4b:s6+s15] =	stream.linear.scatter [tilespmem:s10], [sflag:$0x2], $0x2000, $0x38;
	[tilespmem:$0xC000] =	vst v63  }
0x1ea: {  	_ =	swait.ge [sflag:s13], $0x2000  }
0x1eb: {  	s16 =	sand.u32 $0x1800, s15;
	s17 =	sand.u32 $0x380, s15;
	[sflag:s13] =	ssyncset.done $0x0  }
0x1ec: {  	s16 =	sor.u32 s17, s16;
	[sflag:s13] =	ssyncadd.s32 $0xFFFFE000  }
0x1ed: {  	[tilespmem:s16+$0xA470] =	vst v0  }
0x1ee: {  	[tilespmem:s16+$0xA000] =	vst v0  }
0x1ef: {  	[tilespmem:s16+$0xA010] =	vst v0  }
0x1f0: {  	[tilespmem:s16+$0xA020] =	vst v0  }
0x1f1: {  	[tilespmem:s16+$0xA030] =	vst v0  }
0x1f2: {  	[tilespmem:s16+$0xA040] =	vst v0  }
0x1f3: {  	[tilespmem:s16+$0xA050] =	vst v0  }
0x1f4: {  	[tilespmem:s16+$0xA060] =	vst v0  }
0x1f5: {  	[tilespmem:s16+$0xA070] =	vst v0  }
0x1f6: {  	[tilespmem:s16+$0xA400] =	vst v0  }
0x1f7: {  	[tilespmem:s16+$0xA410] =	vst v0  }
0x1f8: {  	[tilespmem:s16+$0xA420] =	vst v0  }
0x1f9: {  	[tilespmem:s16+$0xA430] =	vst v0  }
0x1fa: {  	s18 =	simm.s32 $0x100;
	s17 =	simm.s32 $0x80;
	[tilespmem:s16+$0xA440] =	vst v0  }
0x1fb: {  	s19 =	sand.u32 $0x1800, s18;
	s18 =	simm.s32 $0x200;
	s20 =	sand.u32 $0x380, s17;
	[tilespmem:s16+$0xA450] =	vst v0  }
.LBB2_14:
0x1fc: {  	p0 =	sne.s32 s18, $0x1F00;
	[tilespmem:s16+$0xA460] =	vst v0;
	s16 =	sor.u32 s20, s19  }
0x1fd: {  	[tilespmem:s16+$0xA470] =	vst v0  }
0x1fe: {  	[tilespmem:s16+$0xA000] =	vst v0  }
0x1ff: {  	[tilespmem:s16+$0xA010] =	vst v0  }
0x200: {  	[tilespmem:s16+$0xA020] =	vst v0  }
0x201: {  	[tilespmem:s16+$0xA030] =	vst v0  }
0x202: {  	[tilespmem:s16+$0xA040] =	vst v0  }
0x203: {  	[tilespmem:s16+$0xA050] =	vst v0  }
0x204: {  	[tilespmem:s16+$0xA060] =	vst v0  }
0x205: {  	[tilespmem:s16+$0xA070] =	vst v0  }
0x206: {  	[tilespmem:s16+$0xA400] =	vst v0  }
.Ltmp6:
0x207: {  	[tilespmem:s16+$0xA410] =	vst v0;
	(pc) =	sbr.rel @p0 .LBB2_14-.Ltmp6, $4  }
0x208: {  	[tilespmem:s16+$0xA420] =	vst v0  }
0x209: {  	[tilespmem:s16+$0xA430] =	vst v0  }
0x20a: {  	s17 =	sadd.s32 $0x80, s17;
	[tilespmem:s16+$0xA440] =	vst v0  }
0x20b: {  	s19 =	sand.u32 $0x1800, s18;
	s18 =	sadd.s32 $0x100, s18;
	s20 =	sand.u32 $0x380, s17;
	[tilespmem:s16+$0xA450] =	vst v0  }
0x20c: {  	s17 =	sor.u32 s20, s19;
	[tilespmem:s16+$0xA460] =	vst v0  }
0x20d: {  	[tilespmem:s17+$0xA470] =	vst v0  }
0x20e: {  	[tilespmem:s17+$0xA000] =	vst v0  }
0x20f: {  	[tilespmem:s17+$0xA010] =	vst v0  }
0x210: {  	[tilespmem:s17+$0xA020] =	vst v0  }
0x211: {  	[tilespmem:s17+$0xA030] =	vst v0  }
0x212: {  	[tilespmem:s17+$0xA040] =	vst v0  }
0x213: {  	[tilespmem:s17+$0xA050] =	vst v0  }
0x214: {  	[tilespmem:s17+$0xA060] =	vst v0  }
0x215: {  	[tilespmem:s17+$0xA070] =	vst v0  }
0x216: {  	[tilespmem:s17+$0xA400] =	vst v0  }
0x217: {  	[tilespmem:s17+$0xA410] =	vst v0  }
0x218: {  	[tilespmem:s17+$0xA420] =	vst v0  }
0x219: {  	[tilespmem:s17+$0xA430] =	vst v0  }
0x21a: {  	[tilespmem:s17+$0xA440] =	vst v0  }
0x21b: {  	[tilespmem:s17+$0xA450] =	vst v0  }
0x21c: {  	s16 =	simm.s32 $0x0;
	[tilespmem:s17+$0xA460] =	vst v0;
	s17 =	simm.s32 $0x0  }
.LBB2_16:
0x21d: {  	s18 =	sand.u32 $0x1800, s15;
	s19 =	sand.u32 $0x300, s16  }
0x21e: {  	s18 =	sor.u32 s19, s18  }
0x21f: {  	v2 =	vld [tilespmem:s18+$0x6000]  }
0x220: {  	v3 =	vld [tilespmem:s18+$0x6010]  }
0x221: {  	v4 =	vld [tilespmem:s18+$0x6020]  }
0x222: {  	v5 =	vld [tilespmem:s18+$0x6030]  }
0x223: {  	v6 =	vld [tilespmem:s18+$0x6040]  }
0x224: {  	v7 =	vld [tilespmem:s18+$0x6050]  }
0x225: {  	v9 =	vld [tilespmem:s18+$0x6060]  }
0x226: {  	v11 =	vld [tilespmem:s18+$0x6070]  }
0x227: {  	v8 =	vmov s17;
	v14 =	vld [tilespmem:s18+$0x6400]  }
0x228: {  	v22 =	vshll.u32 v8, $0x8;
	v8 =	vshll.u32 v8, $0x7  }
0x229: {  	v22 =	vand.u32 $0x1800, v22;
	v8 =	vand.u32 $0x300, v8  }
0x22a: {  	v10 =	vshrl.u32 v2, $0x5;
	v12 =	vshrl.u32 v3, $0x5;
	v13 =	vshrl.u32 v4, $0x5  }
0x22b: {  	v15 =	vshrl.u32 v5, $0x5;
	v16 =	vshrl.u32 v6, $0x5;
	v17 =	vshrl.u32 v7, $0x5  }
0x22c: {  	v18 =	vshrl.u32 v9, $0x5;
	v19 =	vshrl.u32 v11, $0x5;
	v20 =	vshrl.u32 v14, $0x5  }
0x22d: {  	v34 =	vld [tilespmem:s18+$0x6410];
	v21 =	vshll.u32 v2, $0x3;
	v2 =	vand.u32 $0x7F, v2;
	v26 =	vshll.u32 v3, $0x3  }
0x22e: {  	v35 =	vld [tilespmem:s18+$0x6420];
	v3 =	vand.u32 $0x7F, v3;
	v23 =	vshll.u32 v4, $0x3;
	v4 =	vand.u32 $0x7F, v4  }
0x22f: {  	v37 =	vld [tilespmem:s18+$0x6438];
	v28 =	vshll.u32 v5, $0x3;
	v5 =	vand.u32 $0x7F, v5;
	v29 =	vshll.u32 v6, $0x3  }
0x230: {  	v6 =	vand.u32 $0x7F, v6;
	v31 =	vshll.u32 v7, $0x3;
	v7 =	vand.u32 $0x7F, v7  }
0x231: {  	v32 =	vshll.u32 v9, $0x3;
	v9 =	vand.u32 $0x7F, v9;
	v24 =	vshll.u32 v11, $0x3  }
0x232: {  	v11 =	vand.u32 $0x7F, v11;
	v25 =	vshll.u32 v14, $0x3;
	v14 =	vand.u32 $0x7F, v14  }
0x233: {  	v39 =	vshll.u32 v34, $0x3;
	v40 =	vshll.u32 v35, $0x3;
	v41 =	vand.u32 $0x7F, v35  }
0x234: {  	v45 =	vshll.u32 v37, $0x3;
	v46 =	vand.u32 $0x7F, v37;
	v48 =	vshrl.u32 v34, $0x5  }
0x235: {  	v10 =	vand.u32 $0x7FFFFF8, v10;
	v12 =	vand.u32 $0x7FFFFF8, v12;
	v13 =	vand.u32 $0x7FFFFF8, v13  }
0x236: {  	v15 =	vand.u32 $0x7FFFFF8, v15;
	v16 =	vand.u32 $0x7FFFFF8, v16;
	v17 =	vand.u32 $0x7FFFFF8, v17  }
0x237: {  	v18 =	vand.u32 $0x7FFFFF8, v18;
	v19 =	vand.u32 $0x7FFFFF8, v19;
	v21 =	vand.u32 $0x400, v21  }
0x238: {  	v27 =	vand.u32 $0x400, v23;
	v30 =	vand.u32 $0x400, v29;
	v33 =	vand.u32 $0x400, v32  }
0x239: {  	v24 =	vand.u32 $0x400, v24;
	v36 =	vand.u32 $0x400, v25;
	v10 =	vshll.u32 v1, v10  }
0x23a: {  	v12 =	vshll.u32 v1, v12;
	v13 =	vshll.u32 v1, v13;
	v15 =	vshll.u32 v1, v15  }
0x23b: {  	v16 =	vshll.u32 v1, v16;
	v17 =	vshll.u32 v1, v17;
	v18 =	vshll.u32 v1, v18  }
0x23c: {  	v19 =	vshll.u32 v1, v19;
	v2 =	vor.u32 v21, v2;
	v21 =	vand.u32 $0x400, v26  }
0x23d: {  	v4 =	vor.u32 v27, v4;
	v6 =	vor.u32 v30, v6;
	v9 =	vor.u32 v33, v9  }
0x23e: {  	v11 =	vor.u32 v24, v11;
	v14 =	vor.u32 v36, v14;
	v2 =	vor.u32 v22, v2  }
0x23f: {  	v3 =	vor.u32 v21, v3;
	v4 =	vor.u32 v22, v4;
	v21 =	vand.u32 $0x400, v28  }
0x240: {  	v6 =	vor.u32 v22, v6;
	v2 =	vor.u32 v8, v2;
	v3 =	vor.u32 v22, v3  }
0x241: {  	v9 =	vor.u32 v22, v9;
	v11 =	vor.u32 v22, v11;
	v3 =	vor.u32 v8, v3  }
0x242: {  	v26 =	vld [tilespmem:s18+$0x6430];
	v38 =	vor.u32 v22, v14;
	v5 =	vor.u32 v21, v5;
	v21 =	vand.u32 $0x400, v31  }
0x243: {  	v4 =	vor.u32 v8, v4;
	v5 =	vor.u32 v22, v5;
	v7 =	vor.u32 v21, v7  }
0x244: {  	v6 =	vor.u32 v8, v6;
	v5 =	vor.u32 v8, v5;
	v7 =	vor.u32 v22, v7  }
0x245: {  	v42 =	vand.u32 $0x400, v40;
	v9 =	vor.u32 v8, v9;
	v7 =	vor.u32 v8, v7;
	[tilespmem:v2+s11+$0x0] =	vst.idx.add.s32.msk $0xffff, v10  }
0x246: {  	v2 =	vor.u32 v8, v11;
	v11 =	vand.u32 $0x400, v39;
	[tilespmem:v3+s11+$0x0] =	vst.idx.add.s32.msk $0xffff, v12;
	v3 =	vand.u32 $0x7F, v34  }
0x247: {  	v43 =	vshll.u32 v26, $0x3;
	v10 =	vor.u32 v8, v38;
	v3 =	vor.u32 v11, v3  }
0x248: {  	v44 =	vand.u32 $0x7F, v26;
	[tilespmem:v4+s11+$0x0] =	vst.idx.add.s32.msk $0xffff, v13;
	v4 =	vor.u32 v42, v41;
	v3 =	vor.u32 v22, v3  }
0x249: {  	[tilespmem:v5+s11+$0x0] =	vst.idx.add.s32.msk $0xffff, v15;
	v4 =	vor.u32 v22, v4;
	v5 =	vand.u32 $0x400, v43;
	v3 =	vor.u32 v8, v3  }
0x24a: {  	v47 =	vand.u32 $0x400, v45;
	[tilespmem:v6+s11+$0x0] =	vst.idx.add.s32.msk $0xffff, v16;
	v5 =	vor.u32 v5, v44;
	v4 =	vor.u32 v8, v4  }
0x24b: {  	v49 =	vshrl.u32 v35, $0x5;
	v6 =	vor.u32 v47, v46;
	[tilespmem:v7+s11+$0x0] =	vst.idx.add.s32.msk $0xffff, v17;
	v5 =	vor.u32 v22, v5  }
0x24c: {  	v20 =	vand.u32 $0x7FFFFF8, v20;
	v6 =	vor.u32 v22, v6;
	[tilespmem:v9+s11+$0x0] =	vst.idx.add.s32.msk $0xffff, v18;
	v5 =	vor.u32 v8, v5  }
0x24d: {  	v20 =	vshll.u32 v1, v20;
	v7 =	vand.u32 $0x7FFFFF8, v48;
	[tilespmem:v2+s11+$0x0] =	vst.idx.add.s32.msk $0xffff, v19;
	v2 =	vor.u32 v8, v6  }
0x24e: {  	v51 =	vand.u32 $0x7FFFFF8, v49;
	v52 =	vshrl.u32 v26, $0x5;
	v50 =	vshll.u32 v1, v7;
	[tilespmem:v10+s11+$0x0] =	vst.idx.add.s32.msk $0xffff, v20  }
0x24f: {  	v53 =	vshrl.u32 v37, $0x5;
	v7 =	vshll.u32 v1, v51;
	v8 =	vand.u32 $0x7FFFFF8, v52;
	[tilespmem:v3+s11+$0x0] =	vst.idx.add.s32.msk $0xffff, v50  }
0x250: {  	s29 =	sadd.s32 $0x6100, s15;
	s30 =	sadd.s32 $0x3080, s16;
	v54 =	vand.u32 $0x7FFFFF8, v53;
	v3 =	vshll.u32 v1, v8;
	[tilespmem:v4+s11+$0x0] =	vst.idx.add.s32.msk $0xffff, v7  }
0x251: {  	s19 =	sand.u32 $0x380, s30;
	v55 =	vshll.u32 v1, v54;
	s18 =	sand.u32 $0x7800, s29;
	[tilespmem:v5+s11+$0x0] =	vst.idx.add.s32.msk $0xffff, v3  }
0x252: {  	s18 =	sor.u32 s19, s18;
	[tilespmem:v2+s11+$0x0] =	vst.idx.add.s32.msk vm0, v55  }
0x253: {  	v2 =	vld [tilespmem:s18+$0x0]  }
0x254: {  	v3 =	vld [tilespmem:s18+$0x10]  }
0x255: {  	v4 =	vld [tilespmem:s18+$0x20]  }
0x256: {  	v5 =	vld [tilespmem:s18+$0x30]  }
0x257: {  	v56 =	vld [tilespmem:s18+$0x40]  }
0x258: {  	v7 =	vld [tilespmem:s18+$0x50]  }
0x259: {  	v58 =	vld [tilespmem:s18+$0x60]  }
0x25a: {  	s31 =	sadd.s32 $0x1, s17;
	v60 =	vld [tilespmem:s18+$0x70]  }
0x25b: {  	v57 =	vmov s31;
	v63 =	vld [tilespmem:s18+$0x400]  }
0x25c: {  	v8 =	vshll.u32 v57, $0x7  }
0x25d: {  	v29 =	vshll.u32 v57, $0x8;
	v8 =	vand.u32 $0x380, v8;
	v59 =	vshrl.u32 v2, $0x5  }
0x25e: {  	v61 =	vshrl.u32 v3, $0x5;
	v62 =	vshrl.u32 v4, $0x5;
	v22 =	vshrl.u32 v5, $0x5  }
0x25f: {  	v23 =	vshrl.u32 v56, $0x5;
	v24 =	vshrl.u32 v7, $0x5;
	v25 =	vshrl.u32 v58, $0x5  }
0x260: {  	v39 =	vld [tilespmem:s18+$0x410];
	v26 =	vshrl.u32 v60, $0x5;
	v27 =	vshrl.u32 v63, $0x5;
	v28 =	vshll.u32 v2, $0x3  }
0x261: {  	v40 =	vld [tilespmem:s18+$0x420];
	v2 =	vand.u32 $0x7F, v2;
	v30 =	vshll.u32 v3, $0x3;
	v3 =	vand.u32 $0x7F, v3  }
0x262: {  	v43 =	vld [tilespmem:s18+$0x430];
	v31 =	vshll.u32 v4, $0x3;
	v4 =	vand.u32 $0x7F, v4;
	v33 =	vshll.u32 v5, $0x3  }
0x263: {  	v45 =	vld [tilespmem:s18+$0x438];
	v5 =	vand.u32 $0x7F, v5;
	v34 =	vshll.u32 v56, $0x3;
	v6 =	vand.u32 $0x7F, v56  }
0x264: {  	v36 =	vshll.u32 v7, $0x3;
	v7 =	vand.u32 $0x7F, v7;
	v37 =	vshll.u32 v58, $0x3  }
0x265: {  	v9 =	vand.u32 $0x7F, v58;
	v41 =	vshll.u32 v60, $0x3;
	v11 =	vand.u32 $0x7F, v60  }
0x266: {  	v42 =	vshll.u32 v63, $0x3;
	v14 =	vand.u32 $0x7F, v63;
	v47 =	vshll.u32 v39, $0x3  }
0x267: {  	v48 =	vshll.u32 v40, $0x3;
	v49 =	vand.u32 $0x7F, v40;
	v51 =	vshll.u32 v43, $0x3  }
0x268: {  	v52 =	vand.u32 $0x7F, v43;
	v53 =	vshll.u32 v45, $0x3;
	v54 =	vand.u32 $0x7F, v45  }
0x269: {  	v10 =	vand.u32 $0x7FFFFF8, v59;
	v12 =	vand.u32 $0x7FFFFF8, v61;
	v13 =	vand.u32 $0x7FFFFF8, v62  }
0x26a: {  	v15 =	vand.u32 $0x7FFFFF8, v22;
	v16 =	vand.u32 $0x7FFFFF8, v23;
	v17 =	vand.u32 $0x7FFFFF8, v24  }
0x26b: {  	v18 =	vand.u32 $0x7FFFFF8, v25;
	v19 =	vand.u32 $0x7FFFFF8, v26;
	v21 =	vand.u32 $0x400, v28  }
0x26c: {  	v22 =	vand.u32 $0x1800, v29;
	v32 =	vand.u32 $0x400, v31;
	v35 =	vand.u32 $0x400, v34  }
0x26d: {  	v38 =	vand.u32 $0x400, v37;
	v24 =	vand.u32 $0x400, v41;
	v44 =	vand.u32 $0x400, v42  }
0x26e: {  	v10 =	vshll.u32 v1, v10;
	v12 =	vshll.u32 v1, v12;
	v13 =	vshll.u32 v1, v13  }
0x26f: {  	v15 =	vshll.u32 v1, v15;
	v16 =	vshll.u32 v1, v16;
	v17 =	vshll.u32 v1, v17  }
0x270: {  	v18 =	vshll.u32 v1, v18;
	v19 =	vshll.u32 v1, v19;
	v2 =	vor.u32 v21, v2  }
0x271: {  	v21 =	vand.u32 $0x400, v30;
	v4 =	vor.u32 v32, v4;
	v6 =	vor.u32 v35, v6  }
0x272: {  	v9 =	vor.u32 v38, v9;
	v11 =	vor.u32 v24, v11;
	v14 =	vor.u32 v44, v14  }
0x273: {  	v2 =	vor.u32 v22, v2;
	v3 =	vor.u32 v21, v3;
	v4 =	vor.u32 v22, v4  }
0x274: {  	v21 =	vand.u32 $0x400, v33;
	v2 =	vor.u32 v8, v2;
	v3 =	vor.u32 v22, v3  }
0x275: {  	v6 =	vor.u32 v22, v6;
	v9 =	vor.u32 v22, v9;
	v3 =	vor.u32 v8, v3  }
0x276: {  	v11 =	vor.u32 v22, v11;
	v5 =	vor.u32 v21, v5;
	v21 =	vand.u32 $0x400, v36  }
0x277: {  	v4 =	vor.u32 v8, v4;
	v5 =	vor.u32 v22, v5;
	v7 =	vor.u32 v21, v7  }
0x278: {  	v46 =	vor.u32 v22, v14;
	v5 =	vor.u32 v8, v5;
	v7 =	vor.u32 v22, v7  }
0x279: {  	v50 =	vand.u32 $0x400, v48;
	v6 =	vor.u32 v8, v6;
	v7 =	vor.u32 v8, v7;
	[tilespmem:v2+s11+$0x0] =	vst.idx.add.s32.msk $0xffff, v10  }
0x27a: {  	v2 =	vor.u32 v8, v11;
	v11 =	vand.u32 $0x400, v47;
	[tilespmem:v3+s11+$0x0] =	vst.idx.add.s32.msk $0xffff, v12;
	v3 =	vand.u32 $0x7F, v39  }
0x27b: {  	v9 =	vor.u32 v8, v9;
	v10 =	vor.u32 v8, v46;
	v3 =	vor.u32 v11, v3  }
0x27c: {  	v56 =	vshrl.u32 v39, $0x5;
	[tilespmem:v4+s11+$0x0] =	vst.idx.add.s32.msk $0xffff, v13;
	v4 =	vor.u32 v50, v49;
	v3 =	vor.u32 v22, v3  }
0x27d: {  	[tilespmem:v5+s11+$0x0] =	vst.idx.add.s32.msk $0xffff, v15;
	v4 =	vor.u32 v22, v4;
	v5 =	vand.u32 $0x400, v51;
	v3 =	vor.u32 v8, v3  }
0x27e: {  	v55 =	vand.u32 $0x400, v53;
	[tilespmem:v6+s11+$0x0] =	vst.idx.add.s32.msk $0xffff, v16;
	v5 =	vor.u32 v5, v52;
	v4 =	vor.u32 v8, v4  }
0x27f: {  	v57 =	vshrl.u32 v40, $0x5;
	v6 =	vor.u32 v55, v54;
	[tilespmem:v7+s11+$0x0] =	vst.idx.add.s32.msk $0xffff, v17;
	v5 =	vor.u32 v22, v5  }
0x280: {  	v20 =	vand.u32 $0x7FFFFF8, v27;
	v6 =	vor.u32 v22, v6;
	[tilespmem:v9+s11+$0x0] =	vst.idx.add.s32.msk $0xffff, v18;
	v5 =	vor.u32 v8, v5  }
0x281: {  	p0 =	sne.s32 s17, $0x1E;
	v20 =	vshll.u32 v1, v20;
	v7 =	vand.u32 $0x7FFFFF8, v56;
	[tilespmem:v2+s11+$0x0] =	vst.idx.add.s32.msk $0xffff, v19;
	v2 =	vor.u32 v8, v6  }
.Ltmp7:
0x282: {  	v60 =	vshrl.u32 v43, $0x5;
	v59 =	vand.u32 $0x7FFFFF8, v57;
	v58 =	vshll.u32 v1, v7;
	[tilespmem:v10+s11+$0x0] =	vst.idx.add.s32.msk $0xffff, v20;
	(pc) =	sbr.rel @p0 .LBB2_16-.Ltmp7, $4  }
0x283: {  	v61 =	vshrl.u32 v45, $0x5;
	v7 =	vshll.u32 v1, v59;
	v8 =	vand.u32 $0x7FFFFF8, v60;
	[tilespmem:v3+s11+$0x0] =	vst.idx.add.s32.msk $0xffff, v58  }
0x284: {  	v62 =	vand.u32 $0x7FFFFF8, v61;
	v3 =	vshll.u32 v1, v8;
	[tilespmem:v4+s11+$0x0] =	vst.idx.add.s32.msk $0xffff, v7  }
0x285: {  	v63 =	vshll.u32 v1, v62;
	[tilespmem:v5+s11+$0x0] =	vst.idx.add.s32.msk $0xffff, v3  }
0x286: {  	s16 =	sadd.s32 $0x100, s16;
	s15 =	sadd.s32 $0x200, s15;
	s17 =	sadd.s32 $0x2, s17;
	[tilespmem:v2+s11+$0x0] =	vst.idx.add.s32.msk vm0, v63  }
0x287: {  	[hbm4b:s7+s2] =	stream.linear.scatter [tilespmem:s11], [sflag:$0x3], $0x2000, $0x38;
	[tilespmem:$0xC000] =	vst v63  }
0x288: {  	s14 =	sadd.s32 $0x1, s14  }
0x289: {  	_ =	swait.ge [sflag:s12], $0x2000;
	p0 =	sne.s32 s14, s8  }
.Ltmp8:
0x28a: {  	[sflag:s12] =	ssyncset.done $0x0;
	(pc) =	sbr.rel @p0 .LBB2_1-.Ltmp8, $4  }
0x28b: {  	[sflag:s12] =	ssyncadd.s32 $0xFFFFE000  }
0x28c: {  	_ =	swait.ge [sflag:s13], $0x2000  }
0x28d: {  	[sflag:s13] =	ssyncset.done $0x0  }
0x28e: {  	[sflag:s13] =	ssyncadd.s32 $0xFFFFE000  }
0x28f: {  	_ =	sfence.sel $0x180000  }
0x290: {  	[bflag:$0x0] =	sbarrier.arrive $0xFFFF  }
0x291: {  	p0 =	sne.s32 s1, $0x0;
	_ =	strace $0x90000047  }
0x292: {  	s0 =	sadd.s32 @!p0 $0x100000, s0;
	[bflag:$0x2] =	sbarrier.arrive $0xFFFF  }
0x293: {  	[sflag:s0] =	ssyncadd.tile.s32 @!p0 $0x1;
	_ =	shalt  }
.Lfunc_end2:
_tile_overlayer_lowered:
.L_overlay_start_2:
0x294: {  	(tag) =	ssettag $0x2  }
0x295: {  	s0 =	rddreg [dreg:$0x0];
	s2 =	stileid.u32  }
0x296: {  	s1 =	rddreg [dreg:$0x1];
	p0 =	sne.s32 s2, $0x0  }
0x297: {  	s3 =	rddreg [dreg:$0x2];
	[bflag:$0x3] =	sbarrier.arrive $0xFFFF;
	s2 =	simm.s32 @!p0 $0x1C04  }
0x298: {  	[timem:s3], [sflag:s2] =	dma.local @!p0 [hbm:s0], s1  }
0x299: {  	s0 =	simm.s32 @!p0 $0x4  }
0x29a: {  	_ =	swait.ge @!p0 [sflag:s0], s1  }
0x29b: {  	s1 =	ssub.s32 @!p0 $0x0, s1;
	[sflag:s0] =	ssyncset.done @!p0 $0x0  }
0x29c: {  	[sflag:s0] =	ssyncadd.s32 @!p0 s1  }
0x29d: {  	[bflag:$0x3] =	sbarrier.arrive $0xFFFF  }
0x29e: {  	_ =	shalt  }

</sc_bundles>
